<compile_context>
chip_gen: v7x
topology: tpu7x:2x2x1
jax: 0.10.2.dev20260603
libtpu: 0.0.44.dev20260713+nightly
codegen_flags: <defaults>
</compile_context>

<pallas_src>
import functools

import jax
import jax.numpy as jnp
from jax import lax
from jax.experimental import pallas as pl
from jax.experimental.pallas import tpu as pltpu
from jax.experimental.pallas import tpu_sc as plsc

D = 1024
E = 8
K = 2
DFF = 4 * D
N = 4096
A = N * K
BM = 256
NPAD = A + E * BM
NB = NPAD // BM



def _route_body(x_ref, rw_ref, nw_ref, nb_ref, xn_ref, eid_ref, wts_ref):
    x = x_ref[...]
    mu = jnp.mean(x, axis=-1, keepdims=True)
    var = jnp.mean(jnp.square(x - mu), axis=-1, keepdims=True)
    xn = (x - mu) * lax.rsqrt(var + 1e-5) * nw_ref[...] + nb_ref[...]
    xn_ref[...] = xn
    logits = lax.dot_general(
        xn, rw_ref[...], (((1,), (1,)), ((), ())),
        preferred_element_type=jnp.float32)
    probs = jax.nn.softmax(logits / 1.5, axis=-1)
    iota = lax.broadcasted_iota(jnp.int32, probs.shape, 1)
    i0 = jnp.argmax(probs, axis=-1)[:, None]
    w0 = jnp.max(probs, axis=-1, keepdims=True)
    masked = jnp.where(iota == i0, -jnp.inf, probs)
    i1 = jnp.argmax(masked, axis=-1)[:, None]
    w1 = jnp.max(masked, axis=-1, keepdims=True)
    eid_ref[...] = jnp.concatenate([i0, i1], axis=1)
    wts_ref[...] = jnp.concatenate([w0, w1], axis=1)


def _route(xf, router_W, norm_w, norm_b):
    bm = 512
    return pl.pallas_call(
        _route_body,
        grid=(N // bm,),
        in_specs=[
            pl.BlockSpec((bm, D), lambda i: (i, 0)),
            pl.BlockSpec((E, D), lambda i: (0, 0)),
            pl.BlockSpec((D,), lambda i: (0,)),
            pl.BlockSpec((D,), lambda i: (0,)),
        ],
        out_specs=[
            pl.BlockSpec((bm, D), lambda i: (i, 0)),
            pl.BlockSpec((bm, K), lambda i: (i, 0)),
            pl.BlockSpec((bm, K), lambda i: (i, 0)),
        ],
        out_shape=[
            jax.ShapeDtypeStruct((N, D), jnp.float32),
            jax.ShapeDtypeStruct((N, K), jnp.int32),
            jax.ShapeDtypeStruct((N, K), jnp.float32),
        ],
        compiler_params=pltpu.CompilerParams(
            dimension_semantics=("parallel",)),
    )(xf, router_W, norm_w, norm_b)



_NW = 32
_GCH = 64


_GROWS = 40


@functools.lru_cache(maxsize=None)
def _make_sc_gather():
    mesh = plsc.VectorSubcoreMesh(core_axis_name="c", subcore_axis_name="s")
    bpw = NPAD // _NW
    nch = bpw // _GROWS

    @functools.partial(
        pl.kernel, mesh=mesh,
        out_type=jax.ShapeDtypeStruct((NPAD, D), jnp.float32),
        scratch_types=[
            pltpu.VMEM((bpw,), jnp.int32),
            pltpu.VMEM((_GROWS, D), jnp.float32),
            pltpu.VMEM((_GROWS, D), jnp.float32),
            pltpu.SemaphoreType.DMA,
            pltpu.SemaphoreType.DMA,
        ],
    )
    def sc_gather(src_hbm, idx_hbm, out_hbm, idxv, rows0, rows1, sem0, sem1):
        wid = lax.axis_index("s") * 2 + lax.axis_index("c")
        base = wid * bpw
        pltpu.sync_copy(idx_hbm.at[pl.ds(base, bpw)], idxv)
        bufs = (rows0, rows1)
        sems = (sem0, sem1)
        cps = []
        for c in range(nch):
            cps.append(pltpu.async_copy(
                src_hbm.at[idxv.at[pl.ds(c * _GROWS, _GROWS)]],
                bufs[c % 2], sems[c % 2]))
            if c > 0:
                cps[c - 1].wait()
                pltpu.sync_copy(bufs[(c - 1) % 2],
                                out_hbm.at[pl.ds(base + (c - 1) * _GROWS,
                                                 _GROWS)])
        cps[nch - 1].wait()
        pltpu.sync_copy(bufs[(nch - 1) % 2],
                        out_hbm.at[pl.ds(base + (nch - 1) * _GROWS, _GROWS)])

    return sc_gather


@functools.lru_cache(maxsize=None)
def _make_sc_combine():
    mesh = plsc.VectorSubcoreMesh(core_axis_name="c", subcore_axis_name="s")

    @functools.partial(
        pl.kernel, mesh=mesh,
        out_type=[jax.ShapeDtypeStruct((N, D), jnp.float32),
                  jax.ShapeDtypeStruct((N, D), jnp.float32)],
        scratch_types=[
            pltpu.VMEM((_GCH,), jnp.int32),
            pltpu.VMEM((_GCH, D), jnp.float32),
            pltpu.SemaphoreType.DMA,
        ],
    )
    def sc_combine(ys_hbm, p0_hbm, p1_hbm, y0_hbm, y1_hbm, idxc, rows, sem):
        wid = lax.axis_index("s") * 2 + lax.axis_index("c")
        base = wid * (N // _NW)
        for c in range(N // _NW // _GCH):
            off = base + c * _GCH
            for p_hbm, o_hbm in ((p0_hbm, y0_hbm), (p1_hbm, y1_hbm)):
                pltpu.sync_copy(p_hbm.at[pl.ds(off, _GCH)], idxc)
                pltpu.async_copy(ys_hbm.at[idxc], rows, sem).wait()
                pltpu.sync_copy(rows, o_hbm.at[pl.ds(off, _GCH)])

    return sc_combine


def _sc_gather(src, idx):
    return _make_sc_gather()(src, idx)


def _sc_combine(ys, p0, p1):
    return _make_sc_combine()(ys, p0, p1)



_FC = 512


_DH = DFF // 2


def _ffn_body_first(be_ref, xs_ref, w1_ref, w2_ref, ys_ref):
    acc = jnp.zeros((BM, D), jnp.float32)
    xs = xs_ref[...]
    for fc in range(_DH // _FC):
        w1c = w1_ref[0, fc * _FC:(fc + 1) * _FC, :]
        h = lax.dot_general(xs, w1c, (((1,), (1,)), ((), ())),
                            preferred_element_type=jnp.float32)
        h = h * jax.nn.sigmoid(h)
        w2c = w2_ref[0, :, fc * _FC:(fc + 1) * _FC]
        acc = acc + lax.dot_general(h, w2c, (((1,), (1,)), ((), ())),
                                    preferred_element_type=jnp.float32)
    ys_ref[...] = acc


def _ffn_body_second(be_ref, xs_ref, ysin_ref, wrow_ref, w1_ref, w2_ref,
                     ys_ref):
    acc = jnp.zeros((BM, D), jnp.float32)
    xs = xs_ref[...]
    for fc in range(_DH // _FC):
        w1c = w1_ref[0, fc * _FC:(fc + 1) * _FC, :]
        h = lax.dot_general(xs, w1c, (((1,), (1,)), ((), ())),
                            preferred_element_type=jnp.float32)
        h = h * jax.nn.sigmoid(h)
        w2c = w2_ref[0, :, fc * _FC:(fc + 1) * _FC]
        acc = acc + lax.dot_general(h, w2c, (((1,), (1,)), ((), ())),
                                    preferred_element_type=jnp.float32)
    ys_ref[...] = (ysin_ref[...] + acc) * wrow_ref[...][:, None]


def _ffn(blk_e, xs, wrow, W1, W2):
    cp = pltpu.CompilerParams(
        dimension_semantics=("arbitrary",),
        vmem_limit_bytes=100 * 1024 * 1024)
    gs1 = pltpu.PrefetchScalarGridSpec(
        num_scalar_prefetch=1,
        grid=(NB,),
        in_specs=[
            pl.BlockSpec((BM, D), lambda b, be: (b, 0)),
            pl.BlockSpec((1, _DH, D), lambda b, be: (be[b], 0, 0)),
            pl.BlockSpec((1, D, _DH), lambda b, be: (be[b], 0, 0)),
        ],
        out_specs=pl.BlockSpec((BM, D), lambda b, be: (b, 0)),
    )
    ys0 = pl.pallas_call(
        _ffn_body_first,
        grid_spec=gs1,
        out_shape=jax.ShapeDtypeStruct((NPAD, D), jnp.float32),
        compiler_params=cp,
    )(blk_e, xs, W1, W2)
    gs2 = pltpu.PrefetchScalarGridSpec(
        num_scalar_prefetch=1,
        grid=(NB,),
        in_specs=[
            pl.BlockSpec((BM, D), lambda b, be: (b, 0)),
            pl.BlockSpec((BM, D), lambda b, be: (b, 0)),
            pl.BlockSpec((BM,), lambda b, be: (b,)),
            pl.BlockSpec((1, _DH, D), lambda b, be: (be[b], 1, 0)),
            pl.BlockSpec((1, D, _DH), lambda b, be: (be[b], 0, 1)),
        ],
        out_specs=pl.BlockSpec((BM, D), lambda b, be: (b, 0)),
    )
    return pl.pallas_call(
        _ffn_body_second,
        grid_spec=gs2,
        out_shape=jax.ShapeDtypeStruct((NPAD, D), jnp.float32),
        compiler_params=cp,
    )(blk_e, xs, ys0, wrow, W1, W2)




def _add_body(x_ref, y0_ref, y1_ref, out_ref):
    out_ref[...] = x_ref[...] + y0_ref[...] + y1_ref[...]


def _add(xf, y0, y1):
    bm = 512
    return pl.pallas_call(
        _add_body,
        grid=(N // bm,),
        in_specs=[pl.BlockSpec((bm, D), lambda i: (i, 0))] * 3,
        out_specs=pl.BlockSpec((bm, D), lambda i: (i, 0)),
        out_shape=jax.ShapeDtypeStruct((N, D), jnp.float32),
        compiler_params=pltpu.CompilerParams(
            dimension_semantics=("parallel",)),
    )(xf, y0, y1)




@jax.jit
def kernel(x, router_W, W1, W2, norm_w, norm_b):
    B, T, _ = x.shape
    xf = x.reshape(N, D)

    xn, eids, wts = _route(xf, router_W, norm_w, norm_b)

    flat_e = eids.reshape(A)
    flat_w = wts.reshape(A)
    ej, order, wj = lax.sort(
        (flat_e, jnp.arange(A, dtype=jnp.int32), flat_w),
        num_keys=1, is_stable=True)
    tokj = (order // K).astype(jnp.int32)
    oh = (ej[:, None] == jnp.arange(E, dtype=jnp.int32)[None, :])
    counts = jnp.sum(oh, axis=0).astype(jnp.int32)
    starts = jnp.concatenate([jnp.zeros((1,), jnp.int32),
                              jnp.cumsum(counts)[:-1]])
    cap = ((counts + BM - 1) // BM) * BM
    pad_start = jnp.concatenate([jnp.zeros((1,), jnp.int32),
                                 jnp.cumsum(cap)[:-1]])
    shift = pad_start - starts
    pos = (jnp.arange(A, dtype=jnp.int32)
           + jnp.sum(jnp.where(oh, shift[None, :], 0), axis=1))
    _, pos_s = lax.sort((order, pos), num_keys=1)
    p0 = pos_s.reshape(N, K)[:, 0]
    p1 = pos_s.reshape(N, K)[:, 1]
    pp = jnp.arange(NPAD, dtype=jnp.int32)
    pad_end = pad_start + cap
    eslot = jnp.minimum(
        jnp.sum((pp[:, None] >= pad_end[None, :]).astype(jnp.int32),
                axis=1), E - 1)
    ohp = eslot[:, None] == jnp.arange(E, dtype=jnp.int32)[None, :]
    r = pp - jnp.sum(jnp.where(ohp, pad_start[None, :], 0), axis=1)
    real = r < jnp.sum(jnp.where(ohp, counts[None, :], 0), axis=1)
    jc = jnp.clip(
        jnp.sum(jnp.where(ohp, starts[None, :], 0), axis=1) + r, 0, A - 1)
    src_row = jnp.where(real, tokj[jc], pp % N)
    wrow = jnp.where(real, wj[jc], 0.0)
    bstart = jnp.arange(NB, dtype=jnp.int32) * BM
    blk_e = jnp.minimum(
        jnp.sum((bstart[:, None] >= pad_end[None, :]).astype(jnp.int32),
                axis=1), E - 1)

    xs = _sc_gather(xn, src_row)
    ys = _ffn(blk_e, xs, wrow, W1, W2)
    y0, y1 = _sc_combine(ys, p0, p1)
    out = _add(xf, y0, y1)
    return out.reshape(B, T, D)

# --- scband reference (transcript-rebuilt; emitter-appended) ---
"""Pipeline reference for scband-ssmchat-model-v2-29703993819798 (READ-ONLY COPY).

The authoritative reference and input builder live on the scoring server;
editing this copy changes nothing except your own understanding.
"""

import jax, jax.numpy as jnp
import numpy as np

D = 1024
E = 8
K = 2
DFF = 4 * D


def setup_inputs(seed: int = 0) -> dict:
    key = jax.random.key(seed)
    ks = jax.random.split(key, 6)
    x = jax.random.normal(ks[0], (2, 2048, D), dtype=jnp.float32)
    router_W = jax.random.normal(ks[1], (E, D), dtype=jnp.float32) * (1.0 / np.sqrt(D))
    W1 = jax.random.normal(ks[2], (E, DFF, D), dtype=jnp.float32) * (1.0 / np.sqrt(D))
    W2 = jax.random.normal(ks[3], (E, D, DFF), dtype=jnp.float32) * (1.0 / np.sqrt(DFF))
    norm_w = jnp.ones((D,), dtype=jnp.float32)
    norm_b = jnp.zeros((D,), dtype=jnp.float32)
    return {"x": x, "router_W": router_W, "W1": W1, "W2": W2, "norm_w": norm_w, "norm_b": norm_b}


def _moe(x, router_W, W1, W2, norm_w, norm_b):
    res = x
    mu = jnp.mean(x, axis=-1, keepdims=True)
    var = jnp.var(x, axis=-1, keepdims=True)
    xn = (x - mu) / jnp.sqrt(var + 1e-5) * norm_w + norm_b
    logits = jnp.einsum('btd,ed->bte', xn, router_W)
    probs = jax.nn.softmax(logits / 1.5, axis=-1)
    w, idx = jax.lax.top_k(probs, K)  # (B,T,K)
    # per-expert combined gate: sum_k w_k * [idx_k == e]  -> (B,T,E)
    gate = jnp.sum(w[..., None] * jax.nn.one_hot(idx, E, dtype=x.dtype), axis=-2)
    out = jnp.zeros_like(x)
    for e in range(E):
        h = jax.nn.silu(jnp.einsum('btd,fd->btf', xn, W1[e]))
        y = jnp.einsum('btf,df->btd', h, W2[e])
        out = out + gate[..., e:e + 1] * y
    return out + res


def reference(x, router_W, W1, W2, norm_w, norm_b):
    return _moe(x, router_W, W1, W2, norm_w, norm_b)

if __name__ == "__main__":
    import jax
    _d = setup_inputs()
    print(jax.jit(kernel)(*tuple(_d.values())))

</pallas_src>

<mosaic_0001>
#map = affine_map<(d0, d1) -> (0, 0)>
#map1 = affine_map<(d0, d1) -> (0)>
module attributes {stable_mosaic.version = 14 : i64} {
  func.func @sc_gather(%arg0: i32, %arg1: i32, %arg2: memref<4096x1024xf32, #tpu.memory_space<hbm>>, %arg3: memref<10240xi32, #tpu.memory_space<hbm>>, %arg4: memref<10240x1024xf32, #tpu.memory_space<hbm>>, %arg5: memref<320xi32, #tpu.memory_space<vmem>>, %arg6: memref<40x1024xf32, #tpu.memory_space<vmem>>, %arg7: memref<40x1024xf32, #tpu.memory_space<vmem>>, %arg8: memref<!tpu.dma_semaphore, #tpu.memory_space<semaphore_mem>>, %arg9: memref<!tpu.dma_semaphore, #tpu.memory_space<semaphore_mem>>) attributes {dimension_semantics = [#tpu.dimension_semantics<core_parallel>, #tpu.dimension_semantics<subcore_parallel>], iteration_bounds = array<i64: 2, 16>, scalar_prefetch = 0 : i64, scratch_operands = 5 : i64, tpu.core_type = #tpu.core_type<sc_vector_subcore>, window_params = [{transform_indices = #map}, {transform_indices = #map1}, {transform_indices = #map}]} {
    %mul3A = arith.constant 2 : i32
    %mul3A_0 = arith.muli %arg1, %mul3A : i32
    %add3A = arith.addi %mul3A_0, %arg0 : i32
    %mul3A_1 = arith.constant 320 : i32
    %mul3A_2 = arith.muli %add3A, %mul3A_1 : i32
    "tpu.region"() ({
      %run_scoped3A = tpu.sem_alloc : memref<!tpu.dma_semaphore, #tpu.memory_space<semaphore_mem>>
      %dma_start3A_97 = tpu.memref_slice %arg3[%mul3A_2] : memref<10240xi32, #tpu.memory_space<hbm>> -> memref<320xi32, #tpu.memory_space<hbm>>
      %dma_start3A_98 = tpu.memref_slice %arg3[%mul3A_2] : memref<10240xi32, #tpu.memory_space<hbm>> -> memref<320xi32, #tpu.memory_space<hbm>>
      tpu.enqueue_dma source(%dma_start3A_98 : memref<320xi32, #tpu.memory_space<hbm>>) target(%arg5 : memref<320xi32, #tpu.memory_space<vmem>>) target_semaphore(%run_scoped3A : memref<!tpu.dma_semaphore, #tpu.memory_space<semaphore_mem>>)
      %dma_wait3A_99 = tpu.memref_slice %arg3[%mul3A_2] : memref<10240xi32, #tpu.memory_space<hbm>> -> memref<320xi32, #tpu.memory_space<hbm>>
      %dma_wait3A_100 = tpu.memref_slice %arg3[%mul3A_2] : memref<10240xi32, #tpu.memory_space<hbm>> -> memref<320xi32, #tpu.memory_space<hbm>>
      tpu.wait_dma2 semaphore(%run_scoped3A : memref<!tpu.dma_semaphore, #tpu.memory_space<semaphore_mem>>) src(%dma_wait3A_100 : memref<320xi32, #tpu.memory_space<hbm>>) dst(%arg5 : memref<320xi32, #tpu.memory_space<vmem>>)
      tpu.yield
    }) : () -> ()
    %dma_start3A = arith.constant 0 : i32
    %dma_start3A_3 = tpu.memref_slice %arg5[%dma_start3A] : memref<320xi32, #tpu.memory_space<vmem>> -> memref<40xi32, #tpu.memory_space<vmem>>
    %dma_start3A_4 = arith.constant 0 : i32
    %dma_start3A_5 = arith.constant 0 : i32
    %dma_start3A_6 = tpu.memref_slice %arg2[%dma_start3A_4, %dma_start3A_5] : memref<4096x1024xf32, #tpu.memory_space<hbm>> -> memref<4096x1024xf32, #tpu.memory_space<hbm>>
    tpu.enqueue_indirect_dma source(%dma_start3A_6 : memref<4096x1024xf32, #tpu.memory_space<hbm>>) target(%arg6 : memref<40x1024xf32, #tpu.memory_space<vmem>>) offsets(%dma_start3A_3 : memref<40xi32, #tpu.memory_space<vmem>>) semaphore(%arg8 : memref<!tpu.dma_semaphore, #tpu.memory_space<semaphore_mem>>)
    %dma_start3A_7 = arith.constant 40 : i32
    %dma_start3A_8 = tpu.memref_slice %arg5[%dma_start3A_7] : memref<320xi32, #tpu.memory_space<vmem>> -> memref<40xi32, #tpu.memory_space<vmem>>
    %dma_start3A_9 = arith.constant 0 : i32
    %dma_start3A_10 = arith.constant 0 : i32
    %dma_start3A_11 = tpu.memref_slice %arg2[%dma_start3A_9, %dma_start3A_10] : memref<4096x1024xf32, #tpu.memory_space<hbm>> -> memref<4096x1024xf32, #tpu.memory_space<hbm>>
    tpu.enqueue_indirect_dma source(%dma_start3A_11 : memref<4096x1024xf32, #tpu.memory_space<hbm>>) target(%arg7 : memref<40x1024xf32, #tpu.memory_space<vmem>>) offsets(%dma_start3A_8 : memref<40xi32, #tpu.memory_space<vmem>>) semaphore(%arg9 : memref<!tpu.dma_semaphore, #tpu.memory_space<semaphore_mem>>)
    %dma_wait3A = arith.constant 0 : i32
    %dma_wait3A_12 = tpu.memref_slice %arg5[%dma_wait3A] : memref<320xi32, #tpu.memory_space<vmem>> -> memref<40xi32, #tpu.memory_space<vmem>>
    %dma_wait3A_13 = arith.constant 0 : i32
    %dma_wait3A_14 = arith.constant 0 : i32
    %dma_wait3A_15 = tpu.memref_slice %arg2[%dma_wait3A_13, %dma_wait3A_14] : memref<4096x1024xf32, #tpu.memory_space<hbm>> -> memref<4096x1024xf32, #tpu.memory_space<hbm>>
    tpu.wait_indirect_dma semaphore(%arg8 : memref<!tpu.dma_semaphore, #tpu.memory_space<semaphore_mem>>) src(%dma_wait3A_15 : memref<4096x1024xf32, #tpu.memory_space<hbm>>) dst(%arg6 : memref<40x1024xf32, #tpu.memory_space<vmem>>)
    %add3A_16 = arith.constant 0 : i32
    %add3A_17 = arith.addi %mul3A_2, %add3A_16 : i32
    "tpu.region"() ({
      %run_scoped3A = tpu.sem_alloc : memref<!tpu.dma_semaphore, #tpu.memory_space<semaphore_mem>>
      %dma_start3A_97 = arith.constant 0 : i32
      %dma_start3A_98 = tpu.memref_slice %arg4[%add3A_17, %dma_start3A_97] : memref<10240x1024xf32, #tpu.memory_space<hbm>> -> memref<40x1024xf32, #tpu.memory_space<hbm>>
      %dma_start3A_99 = arith.constant 0 : i32
      %dma_start3A_100 = tpu.memref_slice %arg4[%add3A_17, %dma_start3A_99] : memref<10240x1024xf32, #tpu.memory_space<hbm>> -> memref<40x1024xf32, #tpu.memory_space<hbm>>
      tpu.enqueue_dma source(%arg6 : memref<40x1024xf32, #tpu.memory_space<vmem>>) target(%dma_start3A_100 : memref<40x1024xf32, #tpu.memory_space<hbm>>) target_semaphore(%run_scoped3A : memref<!tpu.dma_semaphore, #tpu.memory_space<semaphore_mem>>)
      %dma_wait3A_101 = arith.constant 0 : i32
      %dma_wait3A_102 = tpu.memref_slice %arg4[%add3A_17, %dma_wait3A_101] : memref<10240x1024xf32, #tpu.memory_space<hbm>> -> memref<40x1024xf32, #tpu.memory_space<hbm>>
      %dma_wait3A_103 = arith.constant 0 : i32
      %dma_wait3A_104 = tpu.memref_slice %arg4[%add3A_17, %dma_wait3A_103] : memref<10240x1024xf32, #tpu.memory_space<hbm>> -> memref<40x1024xf32, #tpu.memory_space<hbm>>
      tpu.wait_dma2 semaphore(%run_scoped3A : memref<!tpu.dma_semaphore, #tpu.memory_space<semaphore_mem>>) src(%arg6 : memref<40x1024xf32, #tpu.memory_space<vmem>>) dst(%dma_wait3A_104 : memref<40x1024xf32, #tpu.memory_space<hbm>>)
      tpu.yield
    }) : () -> ()
    %dma_start3A_18 = arith.constant 80 : i32
    %dma_start3A_19 = tpu.memref_slice %arg5[%dma_start3A_18] : memref<320xi32, #tpu.memory_space<vmem>> -> memref<40xi32, #tpu.memory_space<vmem>>
    %dma_start3A_20 = arith.constant 0 : i32
    %dma_start3A_21 = arith.constant 0 : i32
    %dma_start3A_22 = tpu.memref_slice %arg2[%dma_start3A_20, %dma_start3A_21] : memref<4096x1024xf32, #tpu.memory_space<hbm>> -> memref<4096x1024xf32, #tpu.memory_space<hbm>>
    tpu.enqueue_indirect_dma source(%dma_start3A_22 : memref<4096x1024xf32, #tpu.memory_space<hbm>>) target(%arg6 : memref<40x1024xf32, #tpu.memory_space<vmem>>) offsets(%dma_start3A_19 : memref<40xi32, #tpu.memory_space<vmem>>) semaphore(%arg8 : memref<!tpu.dma_semaphore, #tpu.memory_space<semaphore_mem>>)
    %dma_wait3A_23 = arith.constant 40 : i32
    %dma_wait3A_24 = tpu.memref_slice %arg5[%dma_wait3A_23] : memref<320xi32, #tpu.memory_space<vmem>> -> memref<40xi32, #tpu.memory_space<vmem>>
    %dma_wait3A_25 = arith.constant 0 : i32
    %dma_wait3A_26 = arith.constant 0 : i32
    %dma_wait3A_27 = tpu.memref_slice %arg2[%dma_wait3A_25, %dma_wait3A_26] : memref<4096x1024xf32, #tpu.memory_space<hbm>> -> memref<4096x1024xf32, #tpu.memory_space<hbm>>
    tpu.wait_indirect_dma semaphore(%arg9 : memref<!tpu.dma_semaphore, #tpu.memory_space<semaphore_mem>>) src(%dma_wait3A_27 : memref<4096x1024xf32, #tpu.memory_space<hbm>>) dst(%arg7 : memref<40x1024xf32, #tpu.memory_space<vmem>>)
    %add3A_28 = arith.constant 40 : i32
    %add3A_29 = arith.addi %mul3A_2, %add3A_28 : i32
    "tpu.region"() ({
      %run_scoped3A = tpu.sem_alloc : memref<!tpu.dma_semaphore, #tpu.memory_space<semaphore_mem>>
      %dma_start3A_97 = arith.constant 0 : i32
      %dma_start3A_98 = tpu.memref_slice %arg4[%add3A_29, %dma_start3A_97] : memref<10240x1024xf32, #tpu.memory_space<hbm>> -> memref<40x1024xf32, #tpu.memory_space<hbm>>
      %dma_start3A_99 = arith.constant 0 : i32
      %dma_start3A_100 = tpu.memref_slice %arg4[%add3A_29, %dma_start3A_99] : memref<10240x1024xf32, #tpu.memory_space<hbm>> -> memref<40x1024xf32, #tpu.memory_space<hbm>>
      tpu.enqueue_dma source(%arg7 : memref<40x1024xf32, #tpu.memory_space<vmem>>) target(%dma_start3A_100 : memref<40x1024xf32, #tpu.memory_space<hbm>>) target_semaphore(%run_scoped3A : memref<!tpu.dma_semaphore, #tpu.memory_space<semaphore_mem>>)
      %dma_wait3A_101 = arith.constant 0 : i32
      %dma_wait3A_102 = tpu.memref_slice %arg4[%add3A_29, %dma_wait3A_101] : memref<10240x1024xf32, #tpu.memory_space<hbm>> -> memref<40x1024xf32, #tpu.memory_space<hbm>>
      %dma_wait3A_103 = arith.constant 0 : i32
      %dma_wait3A_104 = tpu.memref_slice %arg4[%add3A_29, %dma_wait3A_103] : memref<10240x1024xf32, #tpu.memory_space<hbm>> -> memref<40x1024xf32, #tpu.memory_space<hbm>>
      tpu.wait_dma2 semaphore(%run_scoped3A : memref<!tpu.dma_semaphore, #tpu.memory_space<semaphore_mem>>) src(%arg7 : memref<40x1024xf32, #tpu.memory_space<vmem>>) dst(%dma_wait3A_104 : memref<40x1024xf32, #tpu.memory_space<hbm>>)
      tpu.yield
    }) : () -> ()
    %dma_start3A_30 = arith.constant 120 : i32
    %dma_start3A_31 = tpu.memref_slice %arg5[%dma_start3A_30] : memref<320xi32, #tpu.memory_space<vmem>> -> memref<40xi32, #tpu.memory_space<vmem>>
    %dma_start3A_32 = arith.constant 0 : i32
    %dma_start3A_33 = arith.constant 0 : i32
    %dma_start3A_34 = tpu.memref_slice %arg2[%dma_start3A_32, %dma_start3A_33] : memref<4096x1024xf32, #tpu.memory_space<hbm>> -> memref<4096x1024xf32, #tpu.memory_space<hbm>>
    tpu.enqueue_indirect_dma source(%dma_start3A_34 : memref<4096x1024xf32, #tpu.memory_space<hbm>>) target(%arg7 : memref<40x1024xf32, #tpu.memory_space<vmem>>) offsets(%dma_start3A_31 : memref<40xi32, #tpu.memory_space<vmem>>) semaphore(%arg9 : memref<!tpu.dma_semaphore, #tpu.memory_space<semaphore_mem>>)
    %dma_wait3A_35 = arith.constant 80 : i32
    %dma_wait3A_36 = tpu.memref_slice %arg5[%dma_wait3A_35] : memref<320xi32, #tpu.memory_space<vmem>> -> memref<40xi32, #tpu.memory_space<vmem>>
    %dma_wait3A_37 = arith.constant 0 : i32
    %dma_wait3A_38 = arith.constant 0 : i32
    %dma_wait3A_39 = tpu.memref_slice %arg2[%dma_wait3A_37, %dma_wait3A_38] : memref<4096x1024xf32, #tpu.memory_space<hbm>> -> memref<4096x1024xf32, #tpu.memory_space<hbm>>
    tpu.wait_indirect_dma semaphore(%arg8 : memref<!tpu.dma_semaphore, #tpu.memory_space<semaphore_mem>>) src(%dma_wait3A_39 : memref<4096x1024xf32, #tpu.memory_space<hbm>>) dst(%arg6 : memref<40x1024xf32, #tpu.memory_space<vmem>>)
    %add3A_40 = arith.constant 80 : i32
    %add3A_41 = arith.addi %mul3A_2, %add3A_40 : i32
    "tpu.region"() ({
      %run_scoped3A = tpu.sem_alloc : memref<!tpu.dma_semaphore, #tpu.memory_space<semaphore_mem>>
      %dma_start3A_97 = arith.constant 0 : i32
      %dma_start3A_98 = tpu.memref_slice %arg4[%add3A_41, %dma_start3A_97] : memref<10240x1024xf32, #tpu.memory_space<hbm>> -> memref<40x1024xf32, #tpu.memory_space<hbm>>
      %dma_start3A_99 = arith.constant 0 : i32
      %dma_start3A_100 = tpu.memref_slice %arg4[%add3A_41, %dma_start3A_99] : memref<10240x1024xf32, #tpu.memory_space<hbm>> -> memref<40x1024xf32, #tpu.memory_space<hbm>>
      tpu.enqueue_dma source(%arg6 : memref<40x1024xf32, #tpu.memory_space<vmem>>) target(%dma_start3A_100 : memref<40x1024xf32, #tpu.memory_space<hbm>>) target_semaphore(%run_scoped3A : memref<!tpu.dma_semaphore, #tpu.memory_space<semaphore_mem>>)
      %dma_wait3A_101 = arith.constant 0 : i32
      %dma_wait3A_102 = tpu.memref_slice %arg4[%add3A_41, %dma_wait3A_101] : memref<10240x1024xf32, #tpu.memory_space<hbm>> -> memref<40x1024xf32, #tpu.memory_space<hbm>>
      %dma_wait3A_103 = arith.constant 0 : i32
      %dma_wait3A_104 = tpu.memref_slice %arg4[%add3A_41, %dma_wait3A_103] : memref<10240x1024xf32, #tpu.memory_space<hbm>> -> memref<40x1024xf32, #tpu.memory_space<hbm>>
      tpu.wait_dma2 semaphore(%run_scoped3A : memref<!tpu.dma_semaphore, #tpu.memory_space<semaphore_mem>>) src(%arg6 : memref<40x1024xf32, #tpu.memory_space<vmem>>) dst(%dma_wait3A_104 : memref<40x1024xf32, #tpu.memory_space<hbm>>)
      tpu.yield
    }) : () -> ()
    %dma_start3A_42 = arith.constant 160 : i32
    %dma_start3A_43 = tpu.memref_slice %arg5[%dma_start3A_42] : memref<320xi32, #tpu.memory_space<vmem>> -> memref<40xi32, #tpu.memory_space<vmem>>
    %dma_start3A_44 = arith.constant 0 : i32
    %dma_start3A_45 = arith.constant 0 : i32
    %dma_start3A_46 = tpu.memref_slice %arg2[%dma_start3A_44, %dma_start3A_45] : memref<4096x1024xf32, #tpu.memory_space<hbm>> -> memref<4096x1024xf32, #tpu.memory_space<hbm>>
    tpu.enqueue_indirect_dma source(%dma_start3A_46 : memref<4096x1024xf32, #tpu.memory_space<hbm>>) target(%arg6 : memref<40x1024xf32, #tpu.memory_space<vmem>>) offsets(%dma_start3A_43 : memref<40xi32, #tpu.memory_space<vmem>>) semaphore(%arg8 : memref<!tpu.dma_semaphore, #tpu.memory_space<semaphore_mem>>)
    %dma_wait3A_47 = arith.constant 120 : i32
    %dma_wait3A_48 = tpu.memref_slice %arg5[%dma_wait3A_47] : memref<320xi32, #tpu.memory_space<vmem>> -> memref<40xi32, #tpu.memory_space<vmem>>
    %dma_wait3A_49 = arith.constant 0 : i32
    %dma_wait3A_50 = arith.constant 0 : i32
    %dma_wait3A_51 = tpu.memref_slice %arg2[%dma_wait3A_49, %dma_wait3A_50] : memref<4096x1024xf32, #tpu.memory_space<hbm>> -> memref<4096x1024xf32, #tpu.memory_space<hbm>>
    tpu.wait_indirect_dma semaphore(%arg9 : memref<!tpu.dma_semaphore, #tpu.memory_space<semaphore_mem>>) src(%dma_wait3A_51 : memref<4096x1024xf32, #tpu.memory_space<hbm>>) dst(%arg7 : memref<40x1024xf32, #tpu.memory_space<vmem>>)
    %add3A_52 = arith.constant 120 : i32
    %add3A_53 = arith.addi %mul3A_2, %add3A_52 : i32
    "tpu.region"() ({
      %run_scoped3A = tpu.sem_alloc : memref<!tpu.dma_semaphore, #tpu.memory_space<semaphore_mem>>
      %dma_start3A_97 = arith.constant 0 : i32
      %dma_start3A_98 = tpu.memref_slice %arg4[%add3A_53, %dma_start3A_97] : memref<10240x1024xf32, #tpu.memory_space<hbm>> -> memref<40x1024xf32, #tpu.memory_space<hbm>>
      %dma_start3A_99 = arith.constant 0 : i32
      %dma_start3A_100 = tpu.memref_slice %arg4[%add3A_53, %dma_start3A_99] : memref<10240x1024xf32, #tpu.memory_space<hbm>> -> memref<40x1024xf32, #tpu.memory_space<hbm>>
      tpu.enqueue_dma source(%arg7 : memref<40x1024xf32, #tpu.memory_space<vmem>>) target(%dma_start3A_100 : memref<40x1024xf32, #tpu.memory_space<hbm>>) target_semaphore(%run_scoped3A : memref<!tpu.dma_semaphore, #tpu.memory_space<semaphore_mem>>)
      %dma_wait3A_101 = arith.constant 0 : i32
      %dma_wait3A_102 = tpu.memref_slice %arg4[%add3A_53, %dma_wait3A_101] : memref<10240x1024xf32, #tpu.memory_space<hbm>> -> memref<40x1024xf32, #tpu.memory_space<hbm>>
      %dma_wait3A_103 = arith.constant 0 : i32
      %dma_wait3A_104 = tpu.memref_slice %arg4[%add3A_53, %dma_wait3A_103] : memref<10240x1024xf32, #tpu.memory_space<hbm>> -> memref<40x1024xf32, #tpu.memory_space<hbm>>
      tpu.wait_dma2 semaphore(%run_scoped3A : memref<!tpu.dma_semaphore, #tpu.memory_space<semaphore_mem>>) src(%arg7 : memref<40x1024xf32, #tpu.memory_space<vmem>>) dst(%dma_wait3A_104 : memref<40x1024xf32, #tpu.memory_space<hbm>>)
      tpu.yield
    }) : () -> ()
    %dma_start3A_54 = arith.constant 200 : i32
    %dma_start3A_55 = tpu.memref_slice %arg5[%dma_start3A_54] : memref<320xi32, #tpu.memory_space<vmem>> -> memref<40xi32, #tpu.memory_space<vmem>>
    %dma_start3A_56 = arith.constant 0 : i32
    %dma_start3A_57 = arith.constant 0 : i32
    %dma_start3A_58 = tpu.memref_slice %arg2[%dma_start3A_56, %dma_start3A_57] : memref<4096x1024xf32, #tpu.memory_space<hbm>> -> memref<4096x1024xf32, #tpu.memory_space<hbm>>
    tpu.enqueue_indirect_dma source(%dma_start3A_58 : memref<4096x1024xf32, #tpu.memory_space<hbm>>) target(%arg7 : memref<40x1024xf32, #tpu.memory_space<vmem>>) offsets(%dma_start3A_55 : memref<40xi32, #tpu.memory_space<vmem>>) semaphore(%arg9 : memref<!tpu.dma_semaphore, #tpu.memory_space<semaphore_mem>>)
    %dma_wait3A_59 = arith.constant 160 : i32
    %dma_wait3A_60 = tpu.memref_slice %arg5[%dma_wait3A_59] : memref<320xi32, #tpu.memory_space<vmem>> -> memref<40xi32, #tpu.memory_space<vmem>>
    %dma_wait3A_61 = arith.constant 0 : i32
    %dma_wait3A_62 = arith.constant 0 : i32
    %dma_wait3A_63 = tpu.memref_slice %arg2[%dma_wait3A_61, %dma_wait3A_62] : memref<4096x1024xf32, #tpu.memory_space<hbm>> -> memref<4096x1024xf32, #tpu.memory_space<hbm>>
    tpu.wait_indirect_dma semaphore(%arg8 : memref<!tpu.dma_semaphore, #tpu.memory_space<semaphore_mem>>) src(%dma_wait3A_63 : memref<4096x1024xf32, #tpu.memory_space<hbm>>) dst(%arg6 : memref<40x1024xf32, #tpu.memory_space<vmem>>)
    %add3A_64 = arith.constant 160 : i32
    %add3A_65 = arith.addi %mul3A_2, %add3A_64 : i32
    "tpu.region"() ({
      %run_scoped3A = tpu.sem_alloc : memref<!tpu.dma_semaphore, #tpu.memory_space<semaphore_mem>>
      %dma_start3A_97 = arith.constant 0 : i32
      %dma_start3A_98 = tpu.memref_slice %arg4[%add3A_65, %dma_start3A_97] : memref<10240x1024xf32, #tpu.memory_space<hbm>> -> memref<40x1024xf32, #tpu.memory_space<hbm>>
      %dma_start3A_99 = arith.constant 0 : i32
      %dma_start3A_100 = tpu.memref_slice %arg4[%add3A_65, %dma_start3A_99] : memref<10240x1024xf32, #tpu.memory_space<hbm>> -> memref<40x1024xf32, #tpu.memory_space<hbm>>
      tpu.enqueue_dma source(%arg6 : memref<40x1024xf32, #tpu.memory_space<vmem>>) target(%dma_start3A_100 : memref<40x1024xf32, #tpu.memory_space<hbm>>) target_semaphore(%run_scoped3A : memref<!tpu.dma_semaphore, #tpu.memory_space<semaphore_mem>>)
      %dma_wait3A_101 = arith.constant 0 : i32
      %dma_wait3A_102 = tpu.memref_slice %arg4[%add3A_65, %dma_wait3A_101] : memref<10240x1024xf32, #tpu.memory_space<hbm>> -> memref<40x1024xf32, #tpu.memory_space<hbm>>
      %dma_wait3A_103 = arith.constant 0 : i32
      %dma_wait3A_104 = tpu.memref_slice %arg4[%add3A_65, %dma_wait3A_103] : memref<10240x1024xf32, #tpu.memory_space<hbm>> -> memref<40x1024xf32, #tpu.memory_space<hbm>>
      tpu.wait_dma2 semaphore(%run_scoped3A : memref<!tpu.dma_semaphore, #tpu.memory_space<semaphore_mem>>) src(%arg6 : memref<40x1024xf32, #tpu.memory_space<vmem>>) dst(%dma_wait3A_104 : memref<40x1024xf32, #tpu.memory_space<hbm>>)
      tpu.yield
    }) : () -> ()
    %dma_start3A_66 = arith.constant 240 : i32
    %dma_start3A_67 = tpu.memref_slice %arg5[%dma_start3A_66] : memref<320xi32, #tpu.memory_space<vmem>> -> memref<40xi32, #tpu.memory_space<vmem>>
    %dma_start3A_68 = arith.constant 0 : i32
    %dma_start3A_69 = arith.constant 0 : i32
    %dma_start3A_70 = tpu.memref_slice %arg2[%dma_start3A_68, %dma_start3A_69] : memref<4096x1024xf32, #tpu.memory_space<hbm>> -> memref<4096x1024xf32, #tpu.memory_space<hbm>>
    tpu.enqueue_indirect_dma source(%dma_start3A_70 : memref<4096x1024xf32, #tpu.memory_space<hbm>>) target(%arg6 : memref<40x1024xf32, #tpu.memory_space<vmem>>) offsets(%dma_start3A_67 : memref<40xi32, #tpu.memory_space<vmem>>) semaphore(%arg8 : memref<!tpu.dma_semaphore, #tpu.memory_space<semaphore_mem>>)
    %dma_wait3A_71 = arith.constant 200 : i32
    %dma_wait3A_72 = tpu.memref_slice %arg5[%dma_wait3A_71] : memref<320xi32, #tpu.memory_space<vmem>> -> memref<40xi32, #tpu.memory_space<vmem>>
    %dma_wait3A_73 = arith.constant 0 : i32
    %dma_wait3A_74 = arith.constant 0 : i32
    %dma_wait3A_75 = tpu.memref_slice %arg2[%dma_wait3A_73, %dma_wait3A_74] : memref<4096x1024xf32, #tpu.memory_space<hbm>> -> memref<4096x1024xf32, #tpu.memory_space<hbm>>
    tpu.wait_indirect_dma semaphore(%arg9 : memref<!tpu.dma_semaphore, #tpu.memory_space<semaphore_mem>>) src(%dma_wait3A_75 : memref<4096x1024xf32, #tpu.memory_space<hbm>>) dst(%arg7 : memref<40x1024xf32, #tpu.memory_space<vmem>>)
    %add3A_76 = arith.constant 200 : i32
    %add3A_77 = arith.addi %mul3A_2, %add3A_76 : i32
    "tpu.region"() ({
      %run_scoped3A = tpu.sem_alloc : memref<!tpu.dma_semaphore, #tpu.memory_space<semaphore_mem>>
      %dma_start3A_97 = arith.constant 0 : i32
      %dma_start3A_98 = tpu.memref_slice %arg4[%add3A_77, %dma_start3A_97] : memref<10240x1024xf32, #tpu.memory_space<hbm>> -> memref<40x1024xf32, #tpu.memory_space<hbm>>
      %dma_start3A_99 = arith.constant 0 : i32
      %dma_start3A_100 = tpu.memref_slice %arg4[%add3A_77, %dma_start3A_99] : memref<10240x1024xf32, #tpu.memory_space<hbm>> -> memref<40x1024xf32, #tpu.memory_space<hbm>>
      tpu.enqueue_dma source(%arg7 : memref<40x1024xf32, #tpu.memory_space<vmem>>) target(%dma_start3A_100 : memref<40x1024xf32, #tpu.memory_space<hbm>>) target_semaphore(%run_scoped3A : memref<!tpu.dma_semaphore, #tpu.memory_space<semaphore_mem>>)
      %dma_wait3A_101 = arith.constant 0 : i32
      %dma_wait3A_102 = tpu.memref_slice %arg4[%add3A_77, %dma_wait3A_101] : memref<10240x1024xf32, #tpu.memory_space<hbm>> -> memref<40x1024xf32, #tpu.memory_space<hbm>>
      %dma_wait3A_103 = arith.constant 0 : i32
      %dma_wait3A_104 = tpu.memref_slice %arg4[%add3A_77, %dma_wait3A_103] : memref<10240x1024xf32, #tpu.memory_space<hbm>> -> memref<40x1024xf32, #tpu.memory_space<hbm>>
      tpu.wait_dma2 semaphore(%run_scoped3A : memref<!tpu.dma_semaphore, #tpu.memory_space<semaphore_mem>>) src(%arg7 : memref<40x1024xf32, #tpu.memory_space<vmem>>) dst(%dma_wait3A_104 : memref<40x1024xf32, #tpu.memory_space<hbm>>)
      tpu.yield
    }) : () -> ()
    %dma_start3A_78 = arith.constant 280 : i32
    %dma_start3A_79 = tpu.memref_slice %arg5[%dma_start3A_78] : memref<320xi32, #tpu.memory_space<vmem>> -> memref<40xi32, #tpu.memory_space<vmem>>
    %dma_start3A_80 = arith.constant 0 : i32
    %dma_start3A_81 = arith.constant 0 : i32
    %dma_start3A_82 = tpu.memref_slice %arg2[%dma_start3A_80, %dma_start3A_81] : memref<4096x1024xf32, #tpu.memory_space<hbm>> -> memref<4096x1024xf32, #tpu.memory_space<hbm>>
    tpu.enqueue_indirect_dma source(%dma_start3A_82 : memref<4096x1024xf32, #tpu.memory_space<hbm>>) target(%arg7 : memref<40x1024xf32, #tpu.memory_space<vmem>>) offsets(%dma_start3A_79 : memref<40xi32, #tpu.memory_space<vmem>>) semaphore(%arg9 : memref<!tpu.dma_semaphore, #tpu.memory_space<semaphore_mem>>)
    %dma_wait3A_83 = arith.constant 240 : i32
    %dma_wait3A_84 = tpu.memref_slice %arg5[%dma_wait3A_83] : memref<320xi32, #tpu.memory_space<vmem>> -> memref<40xi32, #tpu.memory_space<vmem>>
    %dma_wait3A_85 = arith.constant 0 : i32
    %dma_wait3A_86 = arith.constant 0 : i32
    %dma_wait3A_87 = tpu.memref_slice %arg2[%dma_wait3A_85, %dma_wait3A_86] : memref<4096x1024xf32, #tpu.memory_space<hbm>> -> memref<4096x1024xf32, #tpu.memory_space<hbm>>
    tpu.wait_indirect_dma semaphore(%arg8 : memref<!tpu.dma_semaphore, #tpu.memory_space<semaphore_mem>>) src(%dma_wait3A_87 : memref<4096x1024xf32, #tpu.memory_space<hbm>>) dst(%arg6 : memref<40x1024xf32, #tpu.memory_space<vmem>>)
    %add3A_88 = arith.constant 240 : i32
    %add3A_89 = arith.addi %mul3A_2, %add3A_88 : i32
    "tpu.region"() ({
      %run_scoped3A = tpu.sem_alloc : memref<!tpu.dma_semaphore, #tpu.memory_space<semaphore_mem>>
      %dma_start3A_97 = arith.constant 0 : i32
      %dma_start3A_98 = tpu.memref_slice %arg4[%add3A_89, %dma_start3A_97] : memref<10240x1024xf32, #tpu.memory_space<hbm>> -> memref<40x1024xf32, #tpu.memory_space<hbm>>
      %dma_start3A_99 = arith.constant 0 : i32
      %dma_start3A_100 = tpu.memref_slice %arg4[%add3A_89, %dma_start3A_99] : memref<10240x1024xf32, #tpu.memory_space<hbm>> -> memref<40x1024xf32, #tpu.memory_space<hbm>>
      tpu.enqueue_dma source(%arg6 : memref<40x1024xf32, #tpu.memory_space<vmem>>) target(%dma_start3A_100 : memref<40x1024xf32, #tpu.memory_space<hbm>>) target_semaphore(%run_scoped3A : memref<!tpu.dma_semaphore, #tpu.memory_space<semaphore_mem>>)
      %dma_wait3A_101 = arith.constant 0 : i32
      %dma_wait3A_102 = tpu.memref_slice %arg4[%add3A_89, %dma_wait3A_101] : memref<10240x1024xf32, #tpu.memory_space<hbm>> -> memref<40x1024xf32, #tpu.memory_space<hbm>>
      %dma_wait3A_103 = arith.constant 0 : i32
      %dma_wait3A_104 = tpu.memref_slice %arg4[%add3A_89, %dma_wait3A_103] : memref<10240x1024xf32, #tpu.memory_space<hbm>> -> memref<40x1024xf32, #tpu.memory_space<hbm>>
      tpu.wait_dma2 semaphore(%run_scoped3A : memref<!tpu.dma_semaphore, #tpu.memory_space<semaphore_mem>>) src(%arg6 : memref<40x1024xf32, #tpu.memory_space<vmem>>) dst(%dma_wait3A_104 : memref<40x1024xf32, #tpu.memory_space<hbm>>)
      tpu.yield
    }) : () -> ()
    %dma_wait3A_90 = arith.constant 280 : i32
    %dma_wait3A_91 = tpu.memref_slice %arg5[%dma_wait3A_90] : memref<320xi32, #tpu.memory_space<vmem>> -> memref<40xi32, #tpu.memory_space<vmem>>
    %dma_wait3A_92 = arith.constant 0 : i32
    %dma_wait3A_93 = arith.constant 0 : i32
    %dma_wait3A_94 = tpu.memref_slice %arg2[%dma_wait3A_92, %dma_wait3A_93] : memref<4096x1024xf32, #tpu.memory_space<hbm>> -> memref<4096x1024xf32, #tpu.memory_space<hbm>>
    tpu.wait_indirect_dma semaphore(%arg9 : memref<!tpu.dma_semaphore, #tpu.memory_space<semaphore_mem>>) src(%dma_wait3A_94 : memref<4096x1024xf32, #tpu.memory_space<hbm>>) dst(%arg7 : memref<40x1024xf32, #tpu.memory_space<vmem>>)
    %add3A_95 = arith.constant 280 : i32
    %add3A_96 = arith.addi %mul3A_2, %add3A_95 : i32
    "tpu.region"() ({
      %run_scoped3A = tpu.sem_alloc : memref<!tpu.dma_semaphore, #tpu.memory_space<semaphore_mem>>
      %dma_start3A_97 = arith.constant 0 : i32
      %dma_start3A_98 = tpu.memref_slice %arg4[%add3A_96, %dma_start3A_97] : memref<10240x1024xf32, #tpu.memory_space<hbm>> -> memref<40x1024xf32, #tpu.memory_space<hbm>>
      %dma_start3A_99 = arith.constant 0 : i32
      %dma_start3A_100 = tpu.memref_slice %arg4[%add3A_96, %dma_start3A_99] : memref<10240x1024xf32, #tpu.memory_space<hbm>> -> memref<40x1024xf32, #tpu.memory_space<hbm>>
      tpu.enqueue_dma source(%arg7 : memref<40x1024xf32, #tpu.memory_space<vmem>>) target(%dma_start3A_100 : memref<40x1024xf32, #tpu.memory_space<hbm>>) target_semaphore(%run_scoped3A : memref<!tpu.dma_semaphore, #tpu.memory_space<semaphore_mem>>)
      %dma_wait3A_101 = arith.constant 0 : i32
      %dma_wait3A_102 = tpu.memref_slice %arg4[%add3A_96, %dma_wait3A_101] : memref<10240x1024xf32, #tpu.memory_space<hbm>> -> memref<40x1024xf32, #tpu.memory_space<hbm>>
      %dma_wait3A_103 = arith.constant 0 : i32
      %dma_wait3A_104 = tpu.memref_slice %arg4[%add3A_96, %dma_wait3A_103] : memref<10240x1024xf32, #tpu.memory_space<hbm>> -> memref<40x1024xf32, #tpu.memory_space<hbm>>
      tpu.wait_dma2 semaphore(%run_scoped3A : memref<!tpu.dma_semaphore, #tpu.memory_space<semaphore_mem>>) src(%arg7 : memref<40x1024xf32, #tpu.memory_space<vmem>>) dst(%dma_wait3A_104 : memref<40x1024xf32, #tpu.memory_space<hbm>>)
      tpu.yield
    }) : () -> ()
    return
  }
}

#map = affine_map<(d0, d1) -> (0, 0)>
#map1 = affine_map<(d0, d1) -> (0)>
module attributes {stable_mosaic.version = 14 : i64} {
  func.func @sc_combine(%arg0: i32, %arg1: i32, %arg2: memref<10240x1024xf32, #tpu.memory_space<hbm>>, %arg3: memref<4096xi32, #tpu.memory_space<hbm>>, %arg4: memref<4096xi32, #tpu.memory_space<hbm>>, %arg5: memref<4096x1024xf32, #tpu.memory_space<hbm>>, %arg6: memref<4096x1024xf32, #tpu.memory_space<hbm>>, %arg7: memref<64xi32, #tpu.memory_space<vmem>>, %arg8: memref<64x1024xf32, #tpu.memory_space<vmem>>, %arg9: memref<!tpu.dma_semaphore, #tpu.memory_space<semaphore_mem>>) attributes {dimension_semantics = [#tpu.dimension_semantics<core_parallel>, #tpu.dimension_semantics<subcore_parallel>], iteration_bounds = array<i64: 2, 16>, scalar_prefetch = 0 : i64, scratch_operands = 3 : i64, tpu.core_type = #tpu.core_type<sc_vector_subcore>, window_params = [{transform_indices = #map}, {transform_indices = #map1}, {transform_indices = #map1}, {transform_indices = #map}, {transform_indices = #map}]} {
    %mul3A = arith.constant 2 : i32
    %mul3A_0 = arith.muli %arg1, %mul3A : i32
    %add3A = arith.addi %mul3A_0, %arg0 : i32
    %mul3A_1 = arith.constant 128 : i32
    %mul3A_2 = arith.muli %add3A, %mul3A_1 : i32
    %add3A_3 = arith.constant 0 : i32
    %add3A_4 = arith.addi %mul3A_2, %add3A_3 : i32
    "tpu.region"() ({
      %run_scoped3A = tpu.sem_alloc : memref<!tpu.dma_semaphore, #tpu.memory_space<semaphore_mem>>
      %dma_start3A_29 = tpu.memref_slice %arg3[%add3A_4] : memref<4096xi32, #tpu.memory_space<hbm>> -> memref<64xi32, #tpu.memory_space<hbm>>
      %dma_start3A_30 = tpu.memref_slice %arg3[%add3A_4] : memref<4096xi32, #tpu.memory_space<hbm>> -> memref<64xi32, #tpu.memory_space<hbm>>
      tpu.enqueue_dma source(%dma_start3A_30 : memref<64xi32, #tpu.memory_space<hbm>>) target(%arg7 : memref<64xi32, #tpu.memory_space<vmem>>) target_semaphore(%run_scoped3A : memref<!tpu.dma_semaphore, #tpu.memory_space<semaphore_mem>>)
      %dma_wait3A_31 = tpu.memref_slice %arg3[%add3A_4] : memref<4096xi32, #tpu.memory_space<hbm>> -> memref<64xi32, #tpu.memory_space<hbm>>
      %dma_wait3A_32 = tpu.memref_slice %arg3[%add3A_4] : memref<4096xi32, #tpu.memory_space<hbm>> -> memref<64xi32, #tpu.memory_space<hbm>>
      tpu.wait_dma2 semaphore(%run_scoped3A : memref<!tpu.dma_semaphore, #tpu.memory_space<semaphore_mem>>) src(%dma_wait3A_32 : memref<64xi32, #tpu.memory_space<hbm>>) dst(%arg7 : memref<64xi32, #tpu.memory_space<vmem>>)
      tpu.yield
    }) : () -> ()
    %dma_start3A = arith.constant 0 : i32
    %dma_start3A_5 = arith.constant 0 : i32
    %dma_start3A_6 = tpu.memref_slice %arg2[%dma_start3A, %dma_start3A_5] : memref<10240x1024xf32, #tpu.memory_space<hbm>> -> memref<10240x1024xf32, #tpu.memory_space<hbm>>
    tpu.enqueue_indirect_dma source(%dma_start3A_6 : memref<10240x1024xf32, #tpu.memory_space<hbm>>) target(%arg8 : memref<64x1024xf32, #tpu.memory_space<vmem>>) offsets(%arg7 : memref<64xi32, #tpu.memory_space<vmem>>) semaphore(%arg9 : memref<!tpu.dma_semaphore, #tpu.memory_space<semaphore_mem>>)
    %dma_wait3A = arith.constant 0 : i32
    %dma_wait3A_7 = arith.constant 0 : i32
    %dma_wait3A_8 = tpu.memref_slice %arg2[%dma_wait3A, %dma_wait3A_7] : memref<10240x1024xf32, #tpu.memory_space<hbm>> -> memref<10240x1024xf32, #tpu.memory_space<hbm>>
    tpu.wait_indirect_dma semaphore(%arg9 : memref<!tpu.dma_semaphore, #tpu.memory_space<semaphore_mem>>) src(%dma_wait3A_8 : memref<10240x1024xf32, #tpu.memory_space<hbm>>) dst(%arg8 : memref<64x1024xf32, #tpu.memory_space<vmem>>)
    "tpu.region"() ({
      %run_scoped3A = tpu.sem_alloc : memref<!tpu.dma_semaphore, #tpu.memory_space<semaphore_mem>>
      %dma_start3A_29 = arith.constant 0 : i32
      %dma_start3A_30 = tpu.memref_slice %arg5[%add3A_4, %dma_start3A_29] : memref<4096x1024xf32, #tpu.memory_space<hbm>> -> memref<64x1024xf32, #tpu.memory_space<hbm>>
      %dma_start3A_31 = arith.constant 0 : i32
      %dma_start3A_32 = tpu.memref_slice %arg5[%add3A_4, %dma_start3A_31] : memref<4096x1024xf32, #tpu.memory_space<hbm>> -> memref<64x1024xf32, #tpu.memory_space<hbm>>
      tpu.enqueue_dma source(%arg8 : memref<64x1024xf32, #tpu.memory_space<vmem>>) target(%dma_start3A_32 : memref<64x1024xf32, #tpu.memory_space<hbm>>) target_semaphore(%run_scoped3A : memref<!tpu.dma_semaphore, #tpu.memory_space<semaphore_mem>>)
      %dma_wait3A_33 = arith.constant 0 : i32
      %dma_wait3A_34 = tpu.memref_slice %arg5[%add3A_4, %dma_wait3A_33] : memref<4096x1024xf32, #tpu.memory_space<hbm>> -> memref<64x1024xf32, #tpu.memory_space<hbm>>
      %dma_wait3A_35 = arith.constant 0 : i32
      %dma_wait3A_36 = tpu.memref_slice %arg5[%add3A_4, %dma_wait3A_35] : memref<4096x1024xf32, #tpu.memory_space<hbm>> -> memref<64x1024xf32, #tpu.memory_space<hbm>>
      tpu.wait_dma2 semaphore(%run_scoped3A : memref<!tpu.dma_semaphore, #tpu.memory_space<semaphore_mem>>) src(%arg8 : memref<64x1024xf32, #tpu.memory_space<vmem>>) dst(%dma_wait3A_36 : memref<64x1024xf32, #tpu.memory_space<hbm>>)
      tpu.yield
    }) : () -> ()
    "tpu.region"() ({
      %run_scoped3A = tpu.sem_alloc : memref<!tpu.dma_semaphore, #tpu.memory_space<semaphore_mem>>
      %dma_start3A_29 = tpu.memref_slice %arg4[%add3A_4] : memref<4096xi32, #tpu.memory_space<hbm>> -> memref<64xi32, #tpu.memory_space<hbm>>
      %dma_start3A_30 = tpu.memref_slice %arg4[%add3A_4] : memref<4096xi32, #tpu.memory_space<hbm>> -> memref<64xi32, #tpu.memory_space<hbm>>
      tpu.enqueue_dma source(%dma_start3A_30 : memref<64xi32, #tpu.memory_space<hbm>>) target(%arg7 : memref<64xi32, #tpu.memory_space<vmem>>) target_semaphore(%run_scoped3A : memref<!tpu.dma_semaphore, #tpu.memory_space<semaphore_mem>>)
      %dma_wait3A_31 = tpu.memref_slice %arg4[%add3A_4] : memref<4096xi32, #tpu.memory_space<hbm>> -> memref<64xi32, #tpu.memory_space<hbm>>
      %dma_wait3A_32 = tpu.memref_slice %arg4[%add3A_4] : memref<4096xi32, #tpu.memory_space<hbm>> -> memref<64xi32, #tpu.memory_space<hbm>>
      tpu.wait_dma2 semaphore(%run_scoped3A : memref<!tpu.dma_semaphore, #tpu.memory_space<semaphore_mem>>) src(%dma_wait3A_32 : memref<64xi32, #tpu.memory_space<hbm>>) dst(%arg7 : memref<64xi32, #tpu.memory_space<vmem>>)
      tpu.yield
    }) : () -> ()
    %dma_start3A_9 = arith.constant 0 : i32
    %dma_start3A_10 = arith.constant 0 : i32
    %dma_start3A_11 = tpu.memref_slice %arg2[%dma_start3A_9, %dma_start3A_10] : memref<10240x1024xf32, #tpu.memory_space<hbm>> -> memref<10240x1024xf32, #tpu.memory_space<hbm>>
    tpu.enqueue_indirect_dma source(%dma_start3A_11 : memref<10240x1024xf32, #tpu.memory_space<hbm>>) target(%arg8 : memref<64x1024xf32, #tpu.memory_space<vmem>>) offsets(%arg7 : memref<64xi32, #tpu.memory_space<vmem>>) semaphore(%arg9 : memref<!tpu.dma_semaphore, #tpu.memory_space<semaphore_mem>>)
    %dma_wait3A_12 = arith.constant 0 : i32
    %dma_wait3A_13 = arith.constant 0 : i32
    %dma_wait3A_14 = tpu.memref_slice %arg2[%dma_wait3A_12, %dma_wait3A_13] : memref<10240x1024xf32, #tpu.memory_space<hbm>> -> memref<10240x1024xf32, #tpu.memory_space<hbm>>
    tpu.wait_indirect_dma semaphore(%arg9 : memref<!tpu.dma_semaphore, #tpu.memory_space<semaphore_mem>>) src(%dma_wait3A_14 : memref<10240x1024xf32, #tpu.memory_space<hbm>>) dst(%arg8 : memref<64x1024xf32, #tpu.memory_space<vmem>>)
    "tpu.region"() ({
      %run_scoped3A = tpu.sem_alloc : memref<!tpu.dma_semaphore, #tpu.memory_space<semaphore_mem>>
      %dma_start3A_29 = arith.constant 0 : i32
      %dma_start3A_30 = tpu.memref_slice %arg6[%add3A_4, %dma_start3A_29] : memref<4096x1024xf32, #tpu.memory_space<hbm>> -> memref<64x1024xf32, #tpu.memory_space<hbm>>
      %dma_start3A_31 = arith.constant 0 : i32
      %dma_start3A_32 = tpu.memref_slice %arg6[%add3A_4, %dma_start3A_31] : memref<4096x1024xf32, #tpu.memory_space<hbm>> -> memref<64x1024xf32, #tpu.memory_space<hbm>>
      tpu.enqueue_dma source(%arg8 : memref<64x1024xf32, #tpu.memory_space<vmem>>) target(%dma_start3A_32 : memref<64x1024xf32, #tpu.memory_space<hbm>>) target_semaphore(%run_scoped3A : memref<!tpu.dma_semaphore, #tpu.memory_space<semaphore_mem>>)
      %dma_wait3A_33 = arith.constant 0 : i32
      %dma_wait3A_34 = tpu.memref_slice %arg6[%add3A_4, %dma_wait3A_33] : memref<4096x1024xf32, #tpu.memory_space<hbm>> -> memref<64x1024xf32, #tpu.memory_space<hbm>>
      %dma_wait3A_35 = arith.constant 0 : i32
      %dma_wait3A_36 = tpu.memref_slice %arg6[%add3A_4, %dma_wait3A_35] : memref<4096x1024xf32, #tpu.memory_space<hbm>> -> memref<64x1024xf32, #tpu.memory_space<hbm>>
      tpu.wait_dma2 semaphore(%run_scoped3A : memref<!tpu.dma_semaphore, #tpu.memory_space<semaphore_mem>>) src(%arg8 : memref<64x1024xf32, #tpu.memory_space<vmem>>) dst(%dma_wait3A_36 : memref<64x1024xf32, #tpu.memory_space<hbm>>)
      tpu.yield
    }) : () -> ()
    %add3A_15 = arith.constant 64 : i32
    %add3A_16 = arith.addi %mul3A_2, %add3A_15 : i32
    "tpu.region"() ({
      %run_scoped3A = tpu.sem_alloc : memref<!tpu.dma_semaphore, #tpu.memory_space<semaphore_mem>>
      %dma_start3A_29 = tpu.memref_slice %arg3[%add3A_16] : memref<4096xi32, #tpu.memory_space<hbm>> -> memref<64xi32, #tpu.memory_space<hbm>>
      %dma_start3A_30 = tpu.memref_slice %arg3[%add3A_16] : memref<4096xi32, #tpu.memory_space<hbm>> -> memref<64xi32, #tpu.memory_space<hbm>>
      tpu.enqueue_dma source(%dma_start3A_30 : memref<64xi32, #tpu.memory_space<hbm>>) target(%arg7 : memref<64xi32, #tpu.memory_space<vmem>>) target_semaphore(%run_scoped3A : memref<!tpu.dma_semaphore, #tpu.memory_space<semaphore_mem>>)
      %dma_wait3A_31 = tpu.memref_slice %arg3[%add3A_16] : memref<4096xi32, #tpu.memory_space<hbm>> -> memref<64xi32, #tpu.memory_space<hbm>>
      %dma_wait3A_32 = tpu.memref_slice %arg3[%add3A_16] : memref<4096xi32, #tpu.memory_space<hbm>> -> memref<64xi32, #tpu.memory_space<hbm>>
      tpu.wait_dma2 semaphore(%run_scoped3A : memref<!tpu.dma_semaphore, #tpu.memory_space<semaphore_mem>>) src(%dma_wait3A_32 : memref<64xi32, #tpu.memory_space<hbm>>) dst(%arg7 : memref<64xi32, #tpu.memory_space<vmem>>)
      tpu.yield
    }) : () -> ()
    %dma_start3A_17 = arith.constant 0 : i32
    %dma_start3A_18 = arith.constant 0 : i32
    %dma_start3A_19 = tpu.memref_slice %arg2[%dma_start3A_17, %dma_start3A_18] : memref<10240x1024xf32, #tpu.memory_space<hbm>> -> memref<10240x1024xf32, #tpu.memory_space<hbm>>
    tpu.enqueue_indirect_dma source(%dma_start3A_19 : memref<10240x1024xf32, #tpu.memory_space<hbm>>) target(%arg8 : memref<64x1024xf32, #tpu.memory_space<vmem>>) offsets(%arg7 : memref<64xi32, #tpu.memory_space<vmem>>) semaphore(%arg9 : memref<!tpu.dma_semaphore, #tpu.memory_space<semaphore_mem>>)
    %dma_wait3A_20 = arith.constant 0 : i32
    %dma_wait3A_21 = arith.constant 0 : i32
    %dma_wait3A_22 = tpu.memref_slice %arg2[%dma_wait3A_20, %dma_wait3A_21] : memref<10240x1024xf32, #tpu.memory_space<hbm>> -> memref<10240x1024xf32, #tpu.memory_space<hbm>>
    tpu.wait_indirect_dma semaphore(%arg9 : memref<!tpu.dma_semaphore, #tpu.memory_space<semaphore_mem>>) src(%dma_wait3A_22 : memref<10240x1024xf32, #tpu.memory_space<hbm>>) dst(%arg8 : memref<64x1024xf32, #tpu.memory_space<vmem>>)
    "tpu.region"() ({
      %run_scoped3A = tpu.sem_alloc : memref<!tpu.dma_semaphore, #tpu.memory_space<semaphore_mem>>
      %dma_start3A_29 = arith.constant 0 : i32
      %dma_start3A_30 = tpu.memref_slice %arg5[%add3A_16, %dma_start3A_29] : memref<4096x1024xf32, #tpu.memory_space<hbm>> -> memref<64x1024xf32, #tpu.memory_space<hbm>>
      %dma_start3A_31 = arith.constant 0 : i32
      %dma_start3A_32 = tpu.memref_slice %arg5[%add3A_16, %dma_start3A_31] : memref<4096x1024xf32, #tpu.memory_space<hbm>> -> memref<64x1024xf32, #tpu.memory_space<hbm>>
      tpu.enqueue_dma source(%arg8 : memref<64x1024xf32, #tpu.memory_space<vmem>>) target(%dma_start3A_32 : memref<64x1024xf32, #tpu.memory_space<hbm>>) target_semaphore(%run_scoped3A : memref<!tpu.dma_semaphore, #tpu.memory_space<semaphore_mem>>)
      %dma_wait3A_33 = arith.constant 0 : i32
      %dma_wait3A_34 = tpu.memref_slice %arg5[%add3A_16, %dma_wait3A_33] : memref<4096x1024xf32, #tpu.memory_space<hbm>> -> memref<64x1024xf32, #tpu.memory_space<hbm>>
      %dma_wait3A_35 = arith.constant 0 : i32
      %dma_wait3A_36 = tpu.memref_slice %arg5[%add3A_16, %dma_wait3A_35] : memref<4096x1024xf32, #tpu.memory_space<hbm>> -> memref<64x1024xf32, #tpu.memory_space<hbm>>
      tpu.wait_dma2 semaphore(%run_scoped3A : memref<!tpu.dma_semaphore, #tpu.memory_space<semaphore_mem>>) src(%arg8 : memref<64x1024xf32, #tpu.memory_space<vmem>>) dst(%dma_wait3A_36 : memref<64x1024xf32, #tpu.memory_space<hbm>>)
      tpu.yield
    }) : () -> ()
    "tpu.region"() ({
      %run_scoped3A = tpu.sem_alloc : memref<!tpu.dma_semaphore, #tpu.memory_space<semaphore_mem>>
      %dma_start3A_29 = tpu.memref_slice %arg4[%add3A_16] : memref<4096xi32, #tpu.memory_space<hbm>> -> memref<64xi32, #tpu.memory_space<hbm>>
      %dma_start3A_30 = tpu.memref_slice %arg4[%add3A_16] : memref<4096xi32, #tpu.memory_space<hbm>> -> memref<64xi32, #tpu.memory_space<hbm>>
      tpu.enqueue_dma source(%dma_start3A_30 : memref<64xi32, #tpu.memory_space<hbm>>) target(%arg7 : memref<64xi32, #tpu.memory_space<vmem>>) target_semaphore(%run_scoped3A : memref<!tpu.dma_semaphore, #tpu.memory_space<semaphore_mem>>)
      %dma_wait3A_31 = tpu.memref_slice %arg4[%add3A_16] : memref<4096xi32, #tpu.memory_space<hbm>> -> memref<64xi32, #tpu.memory_space<hbm>>
      %dma_wait3A_32 = tpu.memref_slice %arg4[%add3A_16] : memref<4096xi32, #tpu.memory_space<hbm>> -> memref<64xi32, #tpu.memory_space<hbm>>
      tpu.wait_dma2 semaphore(%run_scoped3A : memref<!tpu.dma_semaphore, #tpu.memory_space<semaphore_mem>>) src(%dma_wait3A_32 : memref<64xi32, #tpu.memory_space<hbm>>) dst(%arg7 : memref<64xi32, #tpu.memory_space<vmem>>)
      tpu.yield
    }) : () -> ()
    %dma_start3A_23 = arith.constant 0 : i32
    %dma_start3A_24 = arith.constant 0 : i32
    %dma_start3A_25 = tpu.memref_slice %arg2[%dma_start3A_23, %dma_start3A_24] : memref<10240x1024xf32, #tpu.memory_space<hbm>> -> memref<10240x1024xf32, #tpu.memory_space<hbm>>
    tpu.enqueue_indirect_dma source(%dma_start3A_25 : memref<10240x1024xf32, #tpu.memory_space<hbm>>) target(%arg8 : memref<64x1024xf32, #tpu.memory_space<vmem>>) offsets(%arg7 : memref<64xi32, #tpu.memory_space<vmem>>) semaphore(%arg9 : memref<!tpu.dma_semaphore, #tpu.memory_space<semaphore_mem>>)
    %dma_wait3A_26 = arith.constant 0 : i32
    %dma_wait3A_27 = arith.constant 0 : i32
    %dma_wait3A_28 = tpu.memref_slice %arg2[%dma_wait3A_26, %dma_wait3A_27] : memref<10240x1024xf32, #tpu.memory_space<hbm>> -> memref<10240x1024xf32, #tpu.memory_space<hbm>>
    tpu.wait_indirect_dma semaphore(%arg9 : memref<!tpu.dma_semaphore, #tpu.memory_space<semaphore_mem>>) src(%dma_wait3A_28 : memref<10240x1024xf32, #tpu.memory_space<hbm>>) dst(%arg8 : memref<64x1024xf32, #tpu.memory_space<vmem>>)
    "tpu.region"() ({
      %run_scoped3A = tpu.sem_alloc : memref<!tpu.dma_semaphore, #tpu.memory_space<semaphore_mem>>
      %dma_start3A_29 = arith.constant 0 : i32
      %dma_start3A_30 = tpu.memref_slice %arg6[%add3A_16, %dma_start3A_29] : memref<4096x1024xf32, #tpu.memory_space<hbm>> -> memref<64x1024xf32, #tpu.memory_space<hbm>>
      %dma_start3A_31 = arith.constant 0 : i32
      %dma_start3A_32 = tpu.memref_slice %arg6[%add3A_16, %dma_start3A_31] : memref<4096x1024xf32, #tpu.memory_space<hbm>> -> memref<64x1024xf32, #tpu.memory_space<hbm>>
      tpu.enqueue_dma source(%arg8 : memref<64x1024xf32, #tpu.memory_space<vmem>>) target(%dma_start3A_32 : memref<64x1024xf32, #tpu.memory_space<hbm>>) target_semaphore(%run_scoped3A : memref<!tpu.dma_semaphore, #tpu.memory_space<semaphore_mem>>)
      %dma_wait3A_33 = arith.constant 0 : i32
      %dma_wait3A_34 = tpu.memref_slice %arg6[%add3A_16, %dma_wait3A_33] : memref<4096x1024xf32, #tpu.memory_space<hbm>> -> memref<64x1024xf32, #tpu.memory_space<hbm>>
      %dma_wait3A_35 = arith.constant 0 : i32
      %dma_wait3A_36 = tpu.memref_slice %arg6[%add3A_16, %dma_wait3A_35] : memref<4096x1024xf32, #tpu.memory_space<hbm>> -> memref<64x1024xf32, #tpu.memory_space<hbm>>
      tpu.wait_dma2 semaphore(%run_scoped3A : memref<!tpu.dma_semaphore, #tpu.memory_space<semaphore_mem>>) src(%arg8 : memref<64x1024xf32, #tpu.memory_space<vmem>>) dst(%dma_wait3A_36 : memref<64x1024xf32, #tpu.memory_space<hbm>>)
      tpu.yield
    }) : () -> ()
    return
  }
}

module attributes {stable_mosaic.version = 14 : i64} {
  func.func @_route_body(%arg0: i32, %arg1: memref<512x1024xf32, #tpu.memory_space<vmem>>, %arg2: memref<8x1024xf32, #tpu.memory_space<vmem>>, %arg3: memref<1024xf32, #tpu.memory_space<vmem>>, %arg4: memref<1024xf32, #tpu.memory_space<vmem>>, %arg5: memref<512x1024xf32, #tpu.memory_space<vmem>>, %arg6: memref<512x2xi32, #tpu.memory_space<vmem>>, %arg7: memref<512x2xf32, #tpu.memory_space<vmem>>) attributes {dimension_semantics = [#tpu.dimension_semantics<parallel>], iteration_bounds = array<i64: 8>, scalar_prefetch = 0 : i64, scratch_operands = 0 : i64, tpu.core_type = #tpu.core_type<tc>, window_params = [{transform_indices = @transform_0, window_bounds = array<i64: 512, 1024>}, {pipeline_mode = #tpu.pipeline_mode<synchronous>, transform_indices = @transform_1, window_bounds = array<i64: 8, 1024>}, {pipeline_mode = #tpu.pipeline_mode<synchronous>, transform_indices = @transform_2, window_bounds = array<i64: 1024>}, {pipeline_mode = #tpu.pipeline_mode<synchronous>, transform_indices = @transform_3, window_bounds = array<i64: 1024>}, {transform_indices = @transform_4, window_bounds = array<i64: 512, 1024>}, {transform_indices = @transform_5, window_bounds = array<i64: 512, 2>}, {transform_indices = @transform_6, window_bounds = array<i64: 512, 2>}]} {
    %get3A = arith.constant 0 : index
    %get3A_0 = arith.constant 0 : index
    %get3A_1 = vector.load %arg1[%get3A, %get3A_0] : memref<512x1024xf32, #tpu.memory_space<vmem>>, vector<512x1024xf32>
    %reduce_sum3A = arith.constant dense<0.000000e+00> : vector<512xf32>
    %reduce_sum3A_2 = vector.multi_reduction <add>, %get3A_1, %reduce_sum3A [1] : vector<512x1024xf32> to vector<512xf32>
    %broadcast_in_dim3A = vector.shape_cast %reduce_sum3A_2 : vector<512xf32> to vector<512x1xf32>
    %div3A = arith.constant 1.024000e+03 : f32
    %div3A_3 = vector.broadcast %div3A : f32 to vector<512x1xf32>
    %div3A_4 = arith.divf %broadcast_in_dim3A, %div3A_3 : vector<512x1xf32>
    %sub3A = vector.broadcast %div3A_4 : vector<512x1xf32> to vector<512x1024xf32>
    %sub3A_5 = arith.subf %get3A_1, %sub3A : vector<512x1024xf32>
    %square3A = arith.mulf %sub3A_5, %sub3A_5 : vector<512x1024xf32>
    %reduce_sum3A_6 = arith.constant dense<0.000000e+00> : vector<512xf32>
    %reduce_sum3A_7 = vector.multi_reduction <add>, %square3A, %reduce_sum3A_6 [1] : vector<512x1024xf32> to vector<512xf32>
    %broadcast_in_dim3A_8 = vector.shape_cast %reduce_sum3A_7 : vector<512xf32> to vector<512x1xf32>
    %div3A_9 = arith.constant 1.024000e+03 : f32
    %div3A_10 = vector.broadcast %div3A_9 : f32 to vector<512x1xf32>
    %div3A_11 = arith.divf %broadcast_in_dim3A_8, %div3A_10 : vector<512x1xf32>
    %sub3A_12 = vector.broadcast %div3A_4 : vector<512x1xf32> to vector<512x1024xf32>
    %sub3A_13 = arith.subf %get3A_1, %sub3A_12 : vector<512x1024xf32>
    %add3A = arith.constant 9.99999974E-6 : f32
    %add3A_14 = vector.broadcast %add3A : f32 to vector<512x1xf32>
    %add3A_15 = arith.addf %div3A_11, %add3A_14 : vector<512x1xf32>
    %rsqrt3A = math.rsqrt %add3A_15 : vector<512x1xf32>
    %mul3A = vector.broadcast %rsqrt3A : vector<512x1xf32> to vector<512x1024xf32>
    %mul3A_16 = arith.mulf %sub3A_13, %mul3A : vector<512x1024xf32>
    %get3A_17 = arith.constant 0 : index
    %get3A_18 = vector.load %arg3[%get3A_17] : memref<1024xf32, #tpu.memory_space<vmem>>, vector<1024xf32>
    %broadcast_in_dim3A_19 = vector.shape_cast %get3A_18 : vector<1024xf32> to vector<1x1024xf32>
    %mul3A_20 = vector.broadcast %broadcast_in_dim3A_19 : vector<1x1024xf32> to vector<512x1024xf32>
    %mul3A_21 = arith.mulf %mul3A_16, %mul3A_20 : vector<512x1024xf32>
    %get3A_22 = arith.constant 0 : index
    %get3A_23 = vector.load %arg4[%get3A_22] : memref<1024xf32, #tpu.memory_space<vmem>>, vector<1024xf32>
    %broadcast_in_dim3A_24 = vector.shape_cast %get3A_23 : vector<1024xf32> to vector<1x1024xf32>
    %add3A_25 = vector.broadcast %broadcast_in_dim3A_24 : vector<1x1024xf32> to vector<512x1024xf32>
    %add3A_26 = arith.addf %mul3A_21, %add3A_25 : vector<512x1024xf32>
    %swap3A = arith.constant 0 : index
    %swap3A_27 = arith.constant 0 : index
    %swap3A_28 = vector.load %arg5[%swap3A, %swap3A_27] : memref<512x1024xf32, #tpu.memory_space<vmem>>, vector<512x1024xf32>
    tpu.vector_store %arg5[%swap3A, %swap3A_27], %add3A_26 {strides = array<i32>} : memref<512x1024xf32, #tpu.memory_space<vmem>>, vector<512x1024xf32>,
    %get3A_29 = arith.constant 0 : index
    %get3A_30 = arith.constant 0 : index
    %get3A_31 = vector.load %arg2[%get3A_29, %get3A_30] : memref<8x1024xf32, #tpu.memory_space<vmem>>, vector<8x1024xf32>
    %dot_general3A = arith.constant dense<0.000000e+00> : vector<512x8xf32>
    %dot_general3A_32 = tpu.matmul %add3A_26, %get3A_31, %dot_general3A {dimension_numbers = #tpu.dot_dimension_numbers<[1], [1], [0], [0], [0, 0, 1, 0], [], []>, transpose_lhs_hint = false} : vector<512x1024xf32>, vector<8x1024xf32>, vector<512x8xf32> -> vector<512x8xf32>
    %div3A_33 = arith.constant 1.500000e+00 : f32
    %div3A_34 = vector.broadcast %div3A_33 : f32 to vector<512x8xf32>
    %div3A_35 = arith.divf %dot_general3A_32, %div3A_34 : vector<512x8xf32>
    %reduce_max3A = arith.constant dense<0xFF800000> : vector<512xf32>
    %reduce_max3A_36 = vector.multi_reduction <maximumf>, %div3A_35, %reduce_max3A [1] : vector<512x8xf32> to vector<512xf32>
    %max3A = arith.constant 0xFF800000 : f32
    %max3A_37 = vector.broadcast %max3A : f32 to vector<512xf32>
    %max3A_38 = arith.maximumf %max3A_37, %reduce_max3A_36 : vector<512xf32>
    %broadcast_in_dim3A_39 = vector.shape_cast %max3A_38 : vector<512xf32> to vector<512x1xf32>
    %sub3A_40 = vector.broadcast %broadcast_in_dim3A_39 : vector<512x1xf32> to vector<512x8xf32>
    %sub3A_41 = arith.subf %div3A_35, %sub3A_40 : vector<512x8xf32>
    %exp3A = math.exp %sub3A_41 : vector<512x8xf32>
    %reduce_sum3A_42 = arith.constant dense<0.000000e+00> : vector<512xf32>
    %reduce_sum3A_43 = vector.multi_reduction <add>, %exp3A, %reduce_sum3A_42 [1] : vector<512x8xf32> to vector<512xf32>
    %broadcast_in_dim3A_44 = vector.shape_cast %reduce_sum3A_43 : vector<512xf32> to vector<512x1xf32>
    %div3A_45 = vector.broadcast %broadcast_in_dim3A_44 : vector<512x1xf32> to vector<512x8xf32>
    %div3A_46 = arith.divf %exp3A, %div3A_45 : vector<512x8xf32>
    %iota3A = tpu.iota {dimensions = array<i32: 1>} : vector<512x8xi32>
    %argmax3A = tpu.reduce_index %div3A_46 {axis = 1 : i32, kind = #tpu.reduction_kind<arg_max>} : vector<512x8xf32> -> vector<512xi32>
    %broadcast_in_dim3A_47 = vector.shape_cast %argmax3A : vector<512xi32> to vector<512x1xi32>
    %reduce_max3A_48 = arith.constant dense<0xFF800000> : vector<512xf32>
    %reduce_max3A_49 = vector.multi_reduction <maximumf>, %div3A_46, %reduce_max3A_48 [1] : vector<512x8xf32> to vector<512xf32>
    %broadcast_in_dim3A_50 = vector.shape_cast %reduce_max3A_49 : vector<512xf32> to vector<512x1xf32>
    %eq3A = vector.broadcast %broadcast_in_dim3A_47 : vector<512x1xi32> to vector<512x8xi32>
    %eq3A_51 = arith.cmpi eq, %iota3A, %eq3A : vector<512x8xi32>
    %jit3A = arith.constant 0xFF800000 : f32
    %broadcast_in_dim3A_52 = vector.broadcast %jit3A : f32 to vector<512x8xf32>
    %select_n3A = arith.select %eq3A_51, %broadcast_in_dim3A_52, %div3A_46 : vector<512x8xi1>, vector<512x8xf32>
    %argmax3A_53 = tpu.reduce_index %select_n3A {axis = 1 : i32, kind = #tpu.reduction_kind<arg_max>} : vector<512x8xf32> -> vector<512xi32>
    %broadcast_in_dim3A_54 = vector.shape_cast %argmax3A_53 : vector<512xi32> to vector<512x1xi32>
    %reduce_max3A_55 = arith.constant dense<0xFF800000> : vector<512xf32>
    %reduce_max3A_56 = vector.multi_reduction <maximumf>, %select_n3A, %reduce_max3A_55 [1] : vector<512x8xf32> to vector<512xf32>
    %broadcast_in_dim3A_57 = vector.shape_cast %reduce_max3A_56 : vector<512xf32> to vector<512x1xf32>
    %concatenate3A = tpu.concatenate %broadcast_in_dim3A_47, %broadcast_in_dim3A_54 in 1 : vector<512x1xi32>, vector<512x1xi32> -> vector<512x2xi32>
    %swap3A_58 = arith.constant 0 : index
    %swap3A_59 = arith.constant 0 : index
    %swap3A_60 = vector.load %arg6[%swap3A_58, %swap3A_59] : memref<512x2xi32, #tpu.memory_space<vmem>>, vector<512x2xi32>
    tpu.vector_store %arg6[%swap3A_58, %swap3A_59], %concatenate3A {strides = array<i32>} : memref<512x2xi32, #tpu.memory_space<vmem>>, vector<512x2xi32>,
    %concatenate3A_61 = tpu.concatenate %broadcast_in_dim3A_50, %broadcast_in_dim3A_57 in 1 : vector<512x1xf32>, vector<512x1xf32> -> vector<512x2xf32>
    %swap3A_62 = arith.constant 0 : index
    %swap3A_63 = arith.constant 0 : index
    %swap3A_64 = vector.load %arg7[%swap3A_62, %swap3A_63] : memref<512x2xf32, #tpu.memory_space<vmem>>, vector<512x2xf32>
    tpu.vector_store %arg7[%swap3A_62, %swap3A_63], %concatenate3A_61 {strides = array<i32>} : memref<512x2xf32, #tpu.memory_space<vmem>>, vector<512x2xf32>,
    return
  }
  func.func @transform_0(%arg0: i32) -> (i32, i32) {
    %c0_i32 = arith.constant 0 : i32
    %c0_i32_0 = arith.constant 0 : i32
    return %arg0, %c0_i32 : i32, i32
  }
  func.func @transform_1(%arg0: i32) -> (i32, i32) {
    %c0_i32 = arith.constant 0 : i32
    %c0_i32_0 = arith.constant 0 : i32
    %c0_i32_1 = arith.constant 0 : i32
    return %c0_i32, %c0_i32_0 : i32, i32
  }
  func.func @transform_2(%arg0: i32) -> i32 {
    %c0_i32 = arith.constant 0 : i32
    %c0_i32_0 = arith.constant 0 : i32
    return %c0_i32 : i32
  }
  func.func @transform_3(%arg0: i32) -> i32 {
    %c0_i32 = arith.constant 0 : i32
    %c0_i32_0 = arith.constant 0 : i32
    return %c0_i32 : i32
  }
  func.func @transform_4(%arg0: i32) -> (i32, i32) {
    %c0_i32 = arith.constant 0 : i32
    %c0_i32_0 = arith.constant 0 : i32
    return %arg0, %c0_i32 : i32, i32
  }
  func.func @transform_5(%arg0: i32) -> (i32, i32) {
    %c0_i32 = arith.constant 0 : i32
    %c0_i32_0 = arith.constant 0 : i32
    return %arg0, %c0_i32 : i32, i32
  }
  func.func @transform_6(%arg0: i32) -> (i32, i32) {
    %c0_i32 = arith.constant 0 : i32
    %c0_i32_0 = arith.constant 0 : i32
    return %arg0, %c0_i32 : i32, i32
  }
}

module attributes {stable_mosaic.version = 14 : i64} {
  func.func @_ffn_body_first(%arg0: i32, %arg1: memref<40xi32, #tpu.memory_space<smem>>, %arg2: memref<256x1024xf32, #tpu.memory_space<vmem>>, %arg3: memref<1x2048x1024xf32, #tpu.memory_space<vmem>>, %arg4: memref<1x1024x2048xf32, #tpu.memory_space<vmem>>, %arg5: memref<256x1024xf32, #tpu.memory_space<vmem>>) attributes {dimension_semantics = [#tpu.dimension_semantics<arbitrary>], iteration_bounds = array<i64: 40>, scalar_prefetch = 1 : i64, scratch_operands = 0 : i64, tpu.core_type = #tpu.core_type<tc>, window_params = [{transform_indices = @transform_0, window_bounds = array<i64: 256, 1024>}, {transform_indices = @transform_1, window_bounds = array<i64: 1, 2048, 1024>}, {transform_indices = @transform_2, window_bounds = array<i64: 1, 1024, 2048>}, {transform_indices = @transform_3, window_bounds = array<i64: 256, 1024>}]} {
    %broadcast_in_dim3A = arith.constant 0.000000e+00 : f32
    %broadcast_in_dim3A_0 = vector.broadcast %broadcast_in_dim3A : f32 to vector<256x1024xf32>
    %get3A = arith.constant 0 : index
    %get3A_1 = arith.constant 0 : index
    %get3A_2 = vector.load %arg2[%get3A, %get3A_1] : memref<256x1024xf32, #tpu.memory_space<vmem>>, vector<256x1024xf32>
    %get3A_3 = arith.constant 0 : index
    %get3A_4 = arith.constant 0 : index
    %get3A_5 = arith.constant 0 : index
    %get3A_6 = vector.load %arg3[%get3A_3, %get3A_4, %get3A_5] : memref<1x2048x1024xf32, #tpu.memory_space<vmem>>, vector<1x512x1024xf32>
    %get3A_7 = vector.shape_cast %get3A_6 : vector<1x512x1024xf32> to vector<512x1024xf32>
    %dot_general3A = arith.constant dense<0.000000e+00> : vector<256x512xf32>
    %dot_general3A_8 = tpu.matmul %get3A_2, %get3A_7, %dot_general3A {dimension_numbers = #tpu.dot_dimension_numbers<[1], [1], [0], [0], [0, 0, 1, 0], [], []>, transpose_lhs_hint = false} : vector<256x1024xf32>, vector<512x1024xf32>, vector<256x512xf32> -> vector<256x512xf32>
    %logistic3A = arith.negf %dot_general3A_8 : vector<256x512xf32>
    %logistic3A_9 = math.exp %logistic3A : vector<256x512xf32>
    %logistic3A_10 = arith.constant 1.000000e+00 : f32
    %logistic3A_11 = vector.broadcast %logistic3A_10 : f32 to vector<256x512xf32>
    %logistic3A_12 = arith.addf %logistic3A_11, %logistic3A_9 : vector<256x512xf32>
    %logistic3A_13 = arith.divf %logistic3A_11, %logistic3A_12 : vector<256x512xf32>
    %mul3A = arith.mulf %dot_general3A_8, %logistic3A_13 : vector<256x512xf32>
    %get3A_14 = arith.constant 0 : index
    %get3A_15 = arith.constant 0 : index
    %get3A_16 = arith.constant 0 : index
    %get3A_17 = vector.load %arg4[%get3A_14, %get3A_15, %get3A_16] : memref<1x1024x2048xf32, #tpu.memory_space<vmem>>, vector<1x1024x512xf32>
    %get3A_18 = vector.shape_cast %get3A_17 : vector<1x1024x512xf32> to vector<1024x512xf32>
    %dot_general3A_19 = arith.constant dense<0.000000e+00> : vector<256x1024xf32>
    %dot_general3A_20 = tpu.matmul %mul3A, %get3A_18, %dot_general3A_19 {dimension_numbers = #tpu.dot_dimension_numbers<[1], [1], [0], [0], [0, 0, 1, 0], [], []>, transpose_lhs_hint = false} : vector<256x512xf32>, vector<1024x512xf32>, vector<256x1024xf32> -> vector<256x1024xf32>
    %add3A = arith.addf %broadcast_in_dim3A_0, %dot_general3A_20 : vector<256x1024xf32>
    %get3A_21 = arith.constant 0 : index
    %get3A_22 = arith.constant 512 : index
    %get3A_23 = arith.constant 0 : index
    %get3A_24 = vector.load %arg3[%get3A_21, %get3A_22, %get3A_23] : memref<1x2048x1024xf32, #tpu.memory_space<vmem>>, vector<1x512x1024xf32>
    %get3A_25 = vector.shape_cast %get3A_24 : vector<1x512x1024xf32> to vector<512x1024xf32>
    %dot_general3A_26 = arith.constant dense<0.000000e+00> : vector<256x512xf32>
    %dot_general3A_27 = tpu.matmul %get3A_2, %get3A_25, %dot_general3A_26 {dimension_numbers = #tpu.dot_dimension_numbers<[1], [1], [0], [0], [0, 0, 1, 0], [], []>, transpose_lhs_hint = false} : vector<256x1024xf32>, vector<512x1024xf32>, vector<256x512xf32> -> vector<256x512xf32>
    %logistic3A_28 = arith.negf %dot_general3A_27 : vector<256x512xf32>
    %logistic3A_29 = math.exp %logistic3A_28 : vector<256x512xf32>
    %logistic3A_30 = arith.constant 1.000000e+00 : f32
    %logistic3A_31 = vector.broadcast %logistic3A_30 : f32 to vector<256x512xf32>
    %logistic3A_32 = arith.addf %logistic3A_31, %logistic3A_29 : vector<256x512xf32>
    %logistic3A_33 = arith.divf %logistic3A_31, %logistic3A_32 : vector<256x512xf32>
    %mul3A_34 = arith.mulf %dot_general3A_27, %logistic3A_33 : vector<256x512xf32>
    %get3A_35 = arith.constant 0 : index
    %get3A_36 = arith.constant 0 : index
    %get3A_37 = arith.constant 512 : index
    %get3A_38 = vector.load %arg4[%get3A_35, %get3A_36, %get3A_37] : memref<1x1024x2048xf32, #tpu.memory_space<vmem>>, vector<1x1024x512xf32>
    %get3A_39 = vector.shape_cast %get3A_38 : vector<1x1024x512xf32> to vector<1024x512xf32>
    %dot_general3A_40 = arith.constant dense<0.000000e+00> : vector<256x1024xf32>
    %dot_general3A_41 = tpu.matmul %mul3A_34, %get3A_39, %dot_general3A_40 {dimension_numbers = #tpu.dot_dimension_numbers<[1], [1], [0], [0], [0, 0, 1, 0], [], []>, transpose_lhs_hint = false} : vector<256x512xf32>, vector<1024x512xf32>, vector<256x1024xf32> -> vector<256x1024xf32>
    %add3A_42 = arith.addf %add3A, %dot_general3A_41 : vector<256x1024xf32>
    %get3A_43 = arith.constant 0 : index
    %get3A_44 = arith.constant 1024 : index
    %get3A_45 = arith.constant 0 : index
    %get3A_46 = vector.load %arg3[%get3A_43, %get3A_44, %get3A_45] : memref<1x2048x1024xf32, #tpu.memory_space<vmem>>, vector<1x512x1024xf32>
    %get3A_47 = vector.shape_cast %get3A_46 : vector<1x512x1024xf32> to vector<512x1024xf32>
    %dot_general3A_48 = arith.constant dense<0.000000e+00> : vector<256x512xf32>
    %dot_general3A_49 = tpu.matmul %get3A_2, %get3A_47, %dot_general3A_48 {dimension_numbers = #tpu.dot_dimension_numbers<[1], [1], [0], [0], [0, 0, 1, 0], [], []>, transpose_lhs_hint = false} : vector<256x1024xf32>, vector<512x1024xf32>, vector<256x512xf32> -> vector<256x512xf32>
    %logistic3A_50 = arith.negf %dot_general3A_49 : vector<256x512xf32>
    %logistic3A_51 = math.exp %logistic3A_50 : vector<256x512xf32>
    %logistic3A_52 = arith.constant 1.000000e+00 : f32
    %logistic3A_53 = vector.broadcast %logistic3A_52 : f32 to vector<256x512xf32>
    %logistic3A_54 = arith.addf %logistic3A_53, %logistic3A_51 : vector<256x512xf32>
    %logistic3A_55 = arith.divf %logistic3A_53, %logistic3A_54 : vector<256x512xf32>
    %mul3A_56 = arith.mulf %dot_general3A_49, %logistic3A_55 : vector<256x512xf32>
    %get3A_57 = arith.constant 0 : index
    %get3A_58 = arith.constant 0 : index
    %get3A_59 = arith.constant 1024 : index
    %get3A_60 = vector.load %arg4[%get3A_57, %get3A_58, %get3A_59] : memref<1x1024x2048xf32, #tpu.memory_space<vmem>>, vector<1x1024x512xf32>
    %get3A_61 = vector.shape_cast %get3A_60 : vector<1x1024x512xf32> to vector<1024x512xf32>
    %dot_general3A_62 = arith.constant dense<0.000000e+00> : vector<256x1024xf32>
    %dot_general3A_63 = tpu.matmul %mul3A_56, %get3A_61, %dot_general3A_62 {dimension_numbers = #tpu.dot_dimension_numbers<[1], [1], [0], [0], [0, 0, 1, 0], [], []>, transpose_lhs_hint = false} : vector<256x512xf32>, vector<1024x512xf32>, vector<256x1024xf32> -> vector<256x1024xf32>
    %add3A_64 = arith.addf %add3A_42, %dot_general3A_63 : vector<256x1024xf32>
    %get3A_65 = arith.constant 0 : index
    %get3A_66 = arith.constant 1536 : index
    %get3A_67 = arith.constant 0 : index
    %get3A_68 = vector.load %arg3[%get3A_65, %get3A_66, %get3A_67] : memref<1x2048x1024xf32, #tpu.memory_space<vmem>>, vector<1x512x1024xf32>
    %get3A_69 = vector.shape_cast %get3A_68 : vector<1x512x1024xf32> to vector<512x1024xf32>
    %dot_general3A_70 = arith.constant dense<0.000000e+00> : vector<256x512xf32>
    %dot_general3A_71 = tpu.matmul %get3A_2, %get3A_69, %dot_general3A_70 {dimension_numbers = #tpu.dot_dimension_numbers<[1], [1], [0], [0], [0, 0, 1, 0], [], []>, transpose_lhs_hint = false} : vector<256x1024xf32>, vector<512x1024xf32>, vector<256x512xf32> -> vector<256x512xf32>
    %logistic3A_72 = arith.negf %dot_general3A_71 : vector<256x512xf32>
    %logistic3A_73 = math.exp %logistic3A_72 : vector<256x512xf32>
    %logistic3A_74 = arith.constant 1.000000e+00 : f32
    %logistic3A_75 = vector.broadcast %logistic3A_74 : f32 to vector<256x512xf32>
    %logistic3A_76 = arith.addf %logistic3A_75, %logistic3A_73 : vector<256x512xf32>
    %logistic3A_77 = arith.divf %logistic3A_75, %logistic3A_76 : vector<256x512xf32>
    %mul3A_78 = arith.mulf %dot_general3A_71, %logistic3A_77 : vector<256x512xf32>
    %get3A_79 = arith.constant 0 : index
    %get3A_80 = arith.constant 0 : index
    %get3A_81 = arith.constant 1536 : index
    %get3A_82 = vector.load %arg4[%get3A_79, %get3A_80, %get3A_81] : memref<1x1024x2048xf32, #tpu.memory_space<vmem>>, vector<1x1024x512xf32>
    %get3A_83 = vector.shape_cast %get3A_82 : vector<1x1024x512xf32> to vector<1024x512xf32>
    %dot_general3A_84 = arith.constant dense<0.000000e+00> : vector<256x1024xf32>
    %dot_general3A_85 = tpu.matmul %mul3A_78, %get3A_83, %dot_general3A_84 {dimension_numbers = #tpu.dot_dimension_numbers<[1], [1], [0], [0], [0, 0, 1, 0], [], []>, transpose_lhs_hint = false} : vector<256x512xf32>, vector<1024x512xf32>, vector<256x1024xf32> -> vector<256x1024xf32>
    %add3A_86 = arith.addf %add3A_64, %dot_general3A_85 : vector<256x1024xf32>
    %swap3A = arith.constant 0 : index
    %swap3A_87 = arith.constant 0 : index
    %swap3A_88 = vector.load %arg5[%swap3A, %swap3A_87] : memref<256x1024xf32, #tpu.memory_space<vmem>>, vector<256x1024xf32>
    tpu.vector_store %arg5[%swap3A, %swap3A_87], %add3A_86 {strides = array<i32>} : memref<256x1024xf32, #tpu.memory_space<vmem>>, vector<256x1024xf32>,
    return
  }
  func.func @transform_0(%arg0: i32, %arg1: memref<40xi32, #tpu.memory_space<smem>>) -> (i32, i32) {
    %c0_i32 = arith.constant 0 : i32
    %c0_i32_0 = arith.constant 0 : i32
    return %arg0, %c0_i32 : i32, i32
  }
  func.func @transform_1(%arg0: i32, %arg1: memref<40xi32, #tpu.memory_space<smem>>) -> (i32, i32, i32) {
    %get3A = arith.index_cast %arg0 : i32 to index
    %get3A_0 = memref.load %arg1[%get3A] : memref<40xi32, #tpu.memory_space<smem>>
    %c0_i32 = arith.constant 0 : i32
    %c0_i32_1 = arith.constant 0 : i32
    %c0_i32_2 = arith.constant 0 : i32
    return %get3A_0, %c0_i32, %c0_i32_1 : i32, i32, i32
  }
  func.func @transform_2(%arg0: i32, %arg1: memref<40xi32, #tpu.memory_space<smem>>) -> (i32, i32, i32) {
    %get3A = arith.index_cast %arg0 : i32 to index
    %get3A_0 = memref.load %arg1[%get3A] : memref<40xi32, #tpu.memory_space<smem>>
    %c0_i32 = arith.constant 0 : i32
    %c0_i32_1 = arith.constant 0 : i32
    %c0_i32_2 = arith.constant 0 : i32
    return %get3A_0, %c0_i32, %c0_i32_1 : i32, i32, i32
  }
  func.func @transform_3(%arg0: i32, %arg1: memref<40xi32, #tpu.memory_space<smem>>) -> (i32, i32) {
    %c0_i32 = arith.constant 0 : i32
    %c0_i32_0 = arith.constant 0 : i32
    return %arg0, %c0_i32 : i32, i32
  }
}

module attributes {stable_mosaic.version = 14 : i64} {
  func.func @_ffn_body_second(%arg0: i32, %arg1: memref<40xi32, #tpu.memory_space<smem>>, %arg2: memref<256x1024xf32, #tpu.memory_space<vmem>>, %arg3: memref<256x1024xf32, #tpu.memory_space<vmem>>, %arg4: memref<256xf32, #tpu.memory_space<vmem>>, %arg5: memref<1x2048x1024xf32, #tpu.memory_space<vmem>>, %arg6: memref<1x1024x2048xf32, #tpu.memory_space<vmem>>, %arg7: memref<256x1024xf32, #tpu.memory_space<vmem>>) attributes {dimension_semantics = [#tpu.dimension_semantics<arbitrary>], iteration_bounds = array<i64: 40>, scalar_prefetch = 1 : i64, scratch_operands = 0 : i64, tpu.core_type = #tpu.core_type<tc>, window_params = [{transform_indices = @transform_0, window_bounds = array<i64: 256, 1024>}, {transform_indices = @transform_1, window_bounds = array<i64: 256, 1024>}, {transform_indices = @transform_2, window_bounds = array<i64: 256>}, {transform_indices = @transform_3, window_bounds = array<i64: 1, 2048, 1024>}, {transform_indices = @transform_4, window_bounds = array<i64: 1, 1024, 2048>}, {transform_indices = @transform_5, window_bounds = array<i64: 256, 1024>}]} {
    %broadcast_in_dim3A = arith.constant 0.000000e+00 : f32
    %broadcast_in_dim3A_0 = vector.broadcast %broadcast_in_dim3A : f32 to vector<256x1024xf32>
    %get3A = arith.constant 0 : index
    %get3A_1 = arith.constant 0 : index
    %get3A_2 = vector.load %arg2[%get3A, %get3A_1] : memref<256x1024xf32, #tpu.memory_space<vmem>>, vector<256x1024xf32>
    %get3A_3 = arith.constant 0 : index
    %get3A_4 = arith.constant 0 : index
    %get3A_5 = arith.constant 0 : index
    %get3A_6 = vector.load %arg5[%get3A_3, %get3A_4, %get3A_5] : memref<1x2048x1024xf32, #tpu.memory_space<vmem>>, vector<1x512x1024xf32>
    %get3A_7 = vector.shape_cast %get3A_6 : vector<1x512x1024xf32> to vector<512x1024xf32>
    %dot_general3A = arith.constant dense<0.000000e+00> : vector<256x512xf32>
    %dot_general3A_8 = tpu.matmul %get3A_2, %get3A_7, %dot_general3A {dimension_numbers = #tpu.dot_dimension_numbers<[1], [1], [0], [0], [0, 0, 1, 0], [], []>, transpose_lhs_hint = false} : vector<256x1024xf32>, vector<512x1024xf32>, vector<256x512xf32> -> vector<256x512xf32>
    %logistic3A = arith.negf %dot_general3A_8 : vector<256x512xf32>
    %logistic3A_9 = math.exp %logistic3A : vector<256x512xf32>
    %logistic3A_10 = arith.constant 1.000000e+00 : f32
    %logistic3A_11 = vector.broadcast %logistic3A_10 : f32 to vector<256x512xf32>
    %logistic3A_12 = arith.addf %logistic3A_11, %logistic3A_9 : vector<256x512xf32>
    %logistic3A_13 = arith.divf %logistic3A_11, %logistic3A_12 : vector<256x512xf32>
    %mul3A = arith.mulf %dot_general3A_8, %logistic3A_13 : vector<256x512xf32>
    %get3A_14 = arith.constant 0 : index
    %get3A_15 = arith.constant 0 : index
    %get3A_16 = arith.constant 0 : index
    %get3A_17 = vector.load %arg6[%get3A_14, %get3A_15, %get3A_16] : memref<1x1024x2048xf32, #tpu.memory_space<vmem>>, vector<1x1024x512xf32>
    %get3A_18 = vector.shape_cast %get3A_17 : vector<1x1024x512xf32> to vector<1024x512xf32>
    %dot_general3A_19 = arith.constant dense<0.000000e+00> : vector<256x1024xf32>
    %dot_general3A_20 = tpu.matmul %mul3A, %get3A_18, %dot_general3A_19 {dimension_numbers = #tpu.dot_dimension_numbers<[1], [1], [0], [0], [0, 0, 1, 0], [], []>, transpose_lhs_hint = false} : vector<256x512xf32>, vector<1024x512xf32>, vector<256x1024xf32> -> vector<256x1024xf32>
    %add3A = arith.addf %broadcast_in_dim3A_0, %dot_general3A_20 : vector<256x1024xf32>
    %get3A_21 = arith.constant 0 : index
    %get3A_22 = arith.constant 512 : index
    %get3A_23 = arith.constant 0 : index
    %get3A_24 = vector.load %arg5[%get3A_21, %get3A_22, %get3A_23] : memref<1x2048x1024xf32, #tpu.memory_space<vmem>>, vector<1x512x1024xf32>
    %get3A_25 = vector.shape_cast %get3A_24 : vector<1x512x1024xf32> to vector<512x1024xf32>
    %dot_general3A_26 = arith.constant dense<0.000000e+00> : vector<256x512xf32>
    %dot_general3A_27 = tpu.matmul %get3A_2, %get3A_25, %dot_general3A_26 {dimension_numbers = #tpu.dot_dimension_numbers<[1], [1], [0], [0], [0, 0, 1, 0], [], []>, transpose_lhs_hint = false} : vector<256x1024xf32>, vector<512x1024xf32>, vector<256x512xf32> -> vector<256x512xf32>
    %logistic3A_28 = arith.negf %dot_general3A_27 : vector<256x512xf32>
    %logistic3A_29 = math.exp %logistic3A_28 : vector<256x512xf32>
    %logistic3A_30 = arith.constant 1.000000e+00 : f32
    %logistic3A_31 = vector.broadcast %logistic3A_30 : f32 to vector<256x512xf32>
    %logistic3A_32 = arith.addf %logistic3A_31, %logistic3A_29 : vector<256x512xf32>
    %logistic3A_33 = arith.divf %logistic3A_31, %logistic3A_32 : vector<256x512xf32>
    %mul3A_34 = arith.mulf %dot_general3A_27, %logistic3A_33 : vector<256x512xf32>
    %get3A_35 = arith.constant 0 : index
    %get3A_36 = arith.constant 0 : index
    %get3A_37 = arith.constant 512 : index
    %get3A_38 = vector.load %arg6[%get3A_35, %get3A_36, %get3A_37] : memref<1x1024x2048xf32, #tpu.memory_space<vmem>>, vector<1x1024x512xf32>
    %get3A_39 = vector.shape_cast %get3A_38 : vector<1x1024x512xf32> to vector<1024x512xf32>
    %dot_general3A_40 = arith.constant dense<0.000000e+00> : vector<256x1024xf32>
    %dot_general3A_41 = tpu.matmul %mul3A_34, %get3A_39, %dot_general3A_40 {dimension_numbers = #tpu.dot_dimension_numbers<[1], [1], [0], [0], [0, 0, 1, 0], [], []>, transpose_lhs_hint = false} : vector<256x512xf32>, vector<1024x512xf32>, vector<256x1024xf32> -> vector<256x1024xf32>
    %add3A_42 = arith.addf %add3A, %dot_general3A_41 : vector<256x1024xf32>
    %get3A_43 = arith.constant 0 : index
    %get3A_44 = arith.constant 1024 : index
    %get3A_45 = arith.constant 0 : index
    %get3A_46 = vector.load %arg5[%get3A_43, %get3A_44, %get3A_45] : memref<1x2048x1024xf32, #tpu.memory_space<vmem>>, vector<1x512x1024xf32>
    %get3A_47 = vector.shape_cast %get3A_46 : vector<1x512x1024xf32> to vector<512x1024xf32>
    %dot_general3A_48 = arith.constant dense<0.000000e+00> : vector<256x512xf32>
    %dot_general3A_49 = tpu.matmul %get3A_2, %get3A_47, %dot_general3A_48 {dimension_numbers = #tpu.dot_dimension_numbers<[1], [1], [0], [0], [0, 0, 1, 0], [], []>, transpose_lhs_hint = false} : vector<256x1024xf32>, vector<512x1024xf32>, vector<256x512xf32> -> vector<256x512xf32>
    %logistic3A_50 = arith.negf %dot_general3A_49 : vector<256x512xf32>
    %logistic3A_51 = math.exp %logistic3A_50 : vector<256x512xf32>
    %logistic3A_52 = arith.constant 1.000000e+00 : f32
    %logistic3A_53 = vector.broadcast %logistic3A_52 : f32 to vector<256x512xf32>
    %logistic3A_54 = arith.addf %logistic3A_53, %logistic3A_51 : vector<256x512xf32>
    %logistic3A_55 = arith.divf %logistic3A_53, %logistic3A_54 : vector<256x512xf32>
    %mul3A_56 = arith.mulf %dot_general3A_49, %logistic3A_55 : vector<256x512xf32>
    %get3A_57 = arith.constant 0 : index
    %get3A_58 = arith.constant 0 : index
    %get3A_59 = arith.constant 1024 : index
    %get3A_60 = vector.load %arg6[%get3A_57, %get3A_58, %get3A_59] : memref<1x1024x2048xf32, #tpu.memory_space<vmem>>, vector<1x1024x512xf32>
    %get3A_61 = vector.shape_cast %get3A_60 : vector<1x1024x512xf32> to vector<1024x512xf32>
    %dot_general3A_62 = arith.constant dense<0.000000e+00> : vector<256x1024xf32>
    %dot_general3A_63 = tpu.matmul %mul3A_56, %get3A_61, %dot_general3A_62 {dimension_numbers = #tpu.dot_dimension_numbers<[1], [1], [0], [0], [0, 0, 1, 0], [], []>, transpose_lhs_hint = false} : vector<256x512xf32>, vector<1024x512xf32>, vector<256x1024xf32> -> vector<256x1024xf32>
    %add3A_64 = arith.addf %add3A_42, %dot_general3A_63 : vector<256x1024xf32>
    %get3A_65 = arith.constant 0 : index
    %get3A_66 = arith.constant 1536 : index
    %get3A_67 = arith.constant 0 : index
    %get3A_68 = vector.load %arg5[%get3A_65, %get3A_66, %get3A_67] : memref<1x2048x1024xf32, #tpu.memory_space<vmem>>, vector<1x512x1024xf32>
    %get3A_69 = vector.shape_cast %get3A_68 : vector<1x512x1024xf32> to vector<512x1024xf32>
    %dot_general3A_70 = arith.constant dense<0.000000e+00> : vector<256x512xf32>
    %dot_general3A_71 = tpu.matmul %get3A_2, %get3A_69, %dot_general3A_70 {dimension_numbers = #tpu.dot_dimension_numbers<[1], [1], [0], [0], [0, 0, 1, 0], [], []>, transpose_lhs_hint = false} : vector<256x1024xf32>, vector<512x1024xf32>, vector<256x512xf32> -> vector<256x512xf32>
    %logistic3A_72 = arith.negf %dot_general3A_71 : vector<256x512xf32>
    %logistic3A_73 = math.exp %logistic3A_72 : vector<256x512xf32>
    %logistic3A_74 = arith.constant 1.000000e+00 : f32
    %logistic3A_75 = vector.broadcast %logistic3A_74 : f32 to vector<256x512xf32>
    %logistic3A_76 = arith.addf %logistic3A_75, %logistic3A_73 : vector<256x512xf32>
    %logistic3A_77 = arith.divf %logistic3A_75, %logistic3A_76 : vector<256x512xf32>
    %mul3A_78 = arith.mulf %dot_general3A_71, %logistic3A_77 : vector<256x512xf32>
    %get3A_79 = arith.constant 0 : index
    %get3A_80 = arith.constant 0 : index
    %get3A_81 = arith.constant 1536 : index
    %get3A_82 = vector.load %arg6[%get3A_79, %get3A_80, %get3A_81] : memref<1x1024x2048xf32, #tpu.memory_space<vmem>>, vector<1x1024x512xf32>
    %get3A_83 = vector.shape_cast %get3A_82 : vector<1x1024x512xf32> to vector<1024x512xf32>
    %dot_general3A_84 = arith.constant dense<0.000000e+00> : vector<256x1024xf32>
    %dot_general3A_85 = tpu.matmul %mul3A_78, %get3A_83, %dot_general3A_84 {dimension_numbers = #tpu.dot_dimension_numbers<[1], [1], [0], [0], [0, 0, 1, 0], [], []>, transpose_lhs_hint = false} : vector<256x512xf32>, vector<1024x512xf32>, vector<256x1024xf32> -> vector<256x1024xf32>
    %add3A_86 = arith.addf %add3A_64, %dot_general3A_85 : vector<256x1024xf32>
    %get3A_87 = arith.constant 0 : index
    %get3A_88 = arith.constant 0 : index
    %get3A_89 = vector.load %arg3[%get3A_87, %get3A_88] : memref<256x1024xf32, #tpu.memory_space<vmem>>, vector<256x1024xf32>
    %add3A_90 = arith.addf %get3A_89, %add3A_86 : vector<256x1024xf32>
    %get3A_91 = arith.constant 0 : index
    %get3A_92 = vector.load %arg4[%get3A_91] : memref<256xf32, #tpu.memory_space<vmem>>, vector<256xf32>
    %broadcast_in_dim3A_93 = vector.shape_cast %get3A_92 : vector<256xf32> to vector<256x1xf32>
    %mul3A_94 = vector.broadcast %broadcast_in_dim3A_93 : vector<256x1xf32> to vector<256x1024xf32>
    %mul3A_95 = arith.mulf %add3A_90, %mul3A_94 : vector<256x1024xf32>
    %swap3A = arith.constant 0 : index
    %swap3A_96 = arith.constant 0 : index
    %swap3A_97 = vector.load %arg7[%swap3A, %swap3A_96] : memref<256x1024xf32, #tpu.memory_space<vmem>>, vector<256x1024xf32>
    tpu.vector_store %arg7[%swap3A, %swap3A_96], %mul3A_95 {strides = array<i32>} : memref<256x1024xf32, #tpu.memory_space<vmem>>, vector<256x1024xf32>,
    return
  }
  func.func @transform_0(%arg0: i32, %arg1: memref<40xi32, #tpu.memory_space<smem>>) -> (i32, i32) {
    %c0_i32 = arith.constant 0 : i32
    %c0_i32_0 = arith.constant 0 : i32
    return %arg0, %c0_i32 : i32, i32
  }
  func.func @transform_1(%arg0: i32, %arg1: memref<40xi32, #tpu.memory_space<smem>>) -> (i32, i32) {
    %c0_i32 = arith.constant 0 : i32
    %c0_i32_0 = arith.constant 0 : i32
    return %arg0, %c0_i32 : i32, i32
  }
  func.func @transform_2(%arg0: i32, %arg1: memref<40xi32, #tpu.memory_space<smem>>) -> i32 {
    %c0_i32 = arith.constant 0 : i32
    return %arg0 : i32
  }
  func.func @transform_3(%arg0: i32, %arg1: memref<40xi32, #tpu.memory_space<smem>>) -> (i32, i32, i32) {
    %get3A = arith.index_cast %arg0 : i32 to index
    %get3A_0 = memref.load %arg1[%get3A] : memref<40xi32, #tpu.memory_space<smem>>
    %c1_i32 = arith.constant 1 : i32
    %c0_i32 = arith.constant 0 : i32
    %c0_i32_1 = arith.constant 0 : i32
    return %get3A_0, %c1_i32, %c0_i32 : i32, i32, i32
  }
  func.func @transform_4(%arg0: i32, %arg1: memref<40xi32, #tpu.memory_space<smem>>) -> (i32, i32, i32) {
    %get3A = arith.index_cast %arg0 : i32 to index
    %get3A_0 = memref.load %arg1[%get3A] : memref<40xi32, #tpu.memory_space<smem>>
    %c0_i32 = arith.constant 0 : i32
    %c1_i32 = arith.constant 1 : i32
    %c0_i32_1 = arith.constant 0 : i32
    return %get3A_0, %c0_i32, %c1_i32 : i32, i32, i32
  }
  func.func @transform_5(%arg0: i32, %arg1: memref<40xi32, #tpu.memory_space<smem>>) -> (i32, i32) {
    %c0_i32 = arith.constant 0 : i32
    %c0_i32_0 = arith.constant 0 : i32
    return %arg0, %c0_i32 : i32, i32
  }
}

module attributes {stable_mosaic.version = 14 : i64} {
  func.func @_add_body(%arg0: i32, %arg1: memref<512x1024xf32, #tpu.memory_space<vmem>>, %arg2: memref<512x1024xf32, #tpu.memory_space<vmem>>, %arg3: memref<512x1024xf32, #tpu.memory_space<vmem>>, %arg4: memref<512x1024xf32, #tpu.memory_space<vmem>>) attributes {dimension_semantics = [#tpu.dimension_semantics<parallel>], iteration_bounds = array<i64: 8>, scalar_prefetch = 0 : i64, scratch_operands = 0 : i64, tpu.core_type = #tpu.core_type<tc>, window_params = [{transform_indices = @transform_0, window_bounds = array<i64: 512, 1024>}, {transform_indices = @transform_1, window_bounds = array<i64: 512, 1024>}, {transform_indices = @transform_2, window_bounds = array<i64: 512, 1024>}, {transform_indices = @transform_3, window_bounds = array<i64: 512, 1024>}]} {
    %get3A = arith.constant 0 : index
    %get3A_0 = arith.constant 0 : index
    %get3A_1 = vector.load %arg1[%get3A, %get3A_0] : memref<512x1024xf32, #tpu.memory_space<vmem>>, vector<512x1024xf32>
    %get3A_2 = arith.constant 0 : index
    %get3A_3 = arith.constant 0 : index
    %get3A_4 = vector.load %arg2[%get3A_2, %get3A_3] : memref<512x1024xf32, #tpu.memory_space<vmem>>, vector<512x1024xf32>
    %add3A = arith.addf %get3A_1, %get3A_4 : vector<512x1024xf32>
    %get3A_5 = arith.constant 0 : index
    %get3A_6 = arith.constant 0 : index
    %get3A_7 = vector.load %arg3[%get3A_5, %get3A_6] : memref<512x1024xf32, #tpu.memory_space<vmem>>, vector<512x1024xf32>
    %add3A_8 = arith.addf %add3A, %get3A_7 : vector<512x1024xf32>
    %swap3A = arith.constant 0 : index
    %swap3A_9 = arith.constant 0 : index
    %swap3A_10 = vector.load %arg4[%swap3A, %swap3A_9] : memref<512x1024xf32, #tpu.memory_space<vmem>>, vector<512x1024xf32>
    tpu.vector_store %arg4[%swap3A, %swap3A_9], %add3A_8 {strides = array<i32>} : memref<512x1024xf32, #tpu.memory_space<vmem>>, vector<512x1024xf32>,
    return
  }
  func.func @transform_0(%arg0: i32) -> (i32, i32) {
    %c0_i32 = arith.constant 0 : i32
    %c0_i32_0 = arith.constant 0 : i32
    return %arg0, %c0_i32 : i32, i32
  }
  func.func @transform_1(%arg0: i32) -> (i32, i32) {
    %c0_i32 = arith.constant 0 : i32
    %c0_i32_0 = arith.constant 0 : i32
    return %arg0, %c0_i32 : i32, i32
  }
  func.func @transform_2(%arg0: i32) -> (i32, i32) {
    %c0_i32 = arith.constant 0 : i32
    %c0_i32_0 = arith.constant 0 : i32
    return %arg0, %c0_i32 : i32, i32
  }
  func.func @transform_3(%arg0: i32) -> (i32, i32) {
    %c0_i32 = arith.constant 0 : i32
    %c0_i32_0 = arith.constant 0 : i32
    return %arg0, %c0_i32 : i32, i32
  }
}

</mosaic_0001>

<sc_bundles>
// kernel: gather_offload_async_start.1
scs
__scs_entry_jumppad:
0x0: {  	(pc) =	sbr.rel $0x88, $3  }
0x1: {  	(tag) =	ssettag $0x0;
	lr =	simm.s32 $0x1  }
0x2: {  	[smem:$0x3F9B] =	sst lr;
	_ =	strace $0xD0000000  }
0x3: {  	_ = 	snop  }
0x4: {  	_ = 	snop  }
0x5: {  	_ = 	snop  }
0x6: {  	_ = 	snop  }
0x7: {  	_ = 	snop  }
__scs_overlays_trampoline_lowered:
0x8: {  	[smem:$0x3FAA] =	sst s0  }
0x9: {  	[smem:$0x3FAB] =	sst s1  }
0xa: {  	[smem:$0x3FAC] =	sst s2  }
0xb: {  	[smem:$0x3FAD] =	sst s3  }
0xc: {  	[smem:$0x3FAE] =	sst s4  }
0xd: {  	[smem:$0x3FAF] =	sst s5  }
0xe: {  	[smem:$0x3FB0] =	sst s6  }
0xf: {  	[smem:$0x3FB1] =	sst s7  }
0x10: {  	[smem:$0x3FB2] =	sst s8  }
0x11: {  	[smem:$0x3FB3] =	sst s9;
	s0 =	simm.s32 @!p0 $0x0  }
0x12: {  	s1 =	sld [smem:$0x3F99];
	s0 =	simm.s32 @p0 $0x1  }
0x13: {  	[smem:$0x3FB4] =	sst s0;
	s0 =	simm.s32 @!p1 $0x0  }
0x14: {  	s2 =	sld [smem:$0x3F98];
	s0 =	simm.s32 @p1 $0x1  }
0x15: {  	[smem:$0x3FB5] =	sst s0;
	s0 =	simm.s32 @!p2 $0x0  }
0x16: {  	s3 =	sld [smem:$0x3FDB];
	s0 =	simm.s32 @p2 $0x1  }
0x17: {  	s4 =	simm.s32 $0x1BF5;
	[smem:$0x3FB7] =	sst s0  }
0x18: {  	s0 =	sld [smem:$0x3F9A];
	_ =	swait.ge [sflag:s4], $0x0  }
0x19: {  	s7 =	sld [smem:$0x3F9B]  }
0x1a: {  	s8 =	sadd.s32 $0xFFFFE003, lr  }
0x1b: {  	s9 =	sadd.s32 $0xFFFFFEF7, lr;
	s5 =	simm.s32 $0xFFFFFFFF;
	p2 =	slt.u32 s8, $0xFFFFF086  }
0x1c: {  	p1 =	slt.u32 s9, $0xF7A;
	s5 =	simm.s32 @!p2 $0x0  }
0x1d: {  	s5 =	simm.s32 @p1 $0x1;
	p0 =	seq.s32 s7, s2  }
0x1e: {  	s7 =	smul.u32 @!p0 $0xF7A, s2;
	p2 =	seq.s32 @!p0 s5, $0x0  }
0x1f: {  	s9 =	smul.u32 $0xF7A, s1;
	s8 =	simm.s32 @!p0 $0x1BF5;
	p2 =	por !p2, p0  }
0x20: {  	[sflag:s8] =	ssyncset.s32 @!p0 $0xFFFFF086;
	s6 =	sadd.s32 @!p0 s3, s7;
	s7 =	simm.s32 @!p0 $0x108  }
0x21: {  	s3 =	sadd.s32 s3, s9;
	s6 =	sadd.s32 @!p0 $0x88, s6;
	s7 =	simm.s32 @p2 $0x1082  }
0x22: {  	[simem:s7], [sflag:s8] =	dma.local @!p0 [hbm:s6], $0xF7A  }
0x23: {  	s9 =	sor.u32 $0xD0000000, s2;
	s6 =	simm.s32 $0x108;
	_ =	swait.ge @!p0 [sflag:s8], $0x0  }
0x24: {  	s3 =	sadd.s32 $0x88, s3;
	s6 =	simm.s32 @!p1 $0x1082;
	[sflag:s4] =	ssyncset.s32 $0xFFFFF086  }
0x25: {  	[simem:s6], [sflag:s4] =	dma.local [hbm:s3], $0xF7A  }
0x26: {  	[smem:$0x3F9B] =	sst s1;
	(tag) =	ssettag s2;
	_ =	strace s9  }
0x27: {  	s1 =	sld [smem:$0x3FAB]  }
0x28: {  	s2 =	sld [smem:$0x3FAC]  }
0x29: {  	s4 =	sld [smem:$0x3FAE]  }
0x2a: {  	p0 =	seq.s32 s5, $0x0;
	s5 =	sld [smem:$0x3FAF]  }
0x2b: {  	s6 =	sld [smem:$0x3FB0]  }
0x2c: {  	s7 =	sld [smem:$0x3FB1]  }
0x2d: {  	s3 =	simm.s32 $0x108;
	s8 =	sld [smem:$0x3FB2]  }
0x2e: {  	s3 =	simm.s32 @!p0 $0x1082;
	s9 =	sld [smem:$0x3FB3]  }
0x2f: {  	lr =	sadd.s32 s0, s3;
	s0 =	sld [smem:$0x3FAA]  }
0x30: {  	s3 =	sld [smem:$0x3FAD]  }
0x31: {  	[smem:$0x3FB6] =	sst s10  }
0x32: {  	s10 =	sld [smem:$0x3FB4];
	_ =	sdelay $0x3  }
0x33: {  	p0 =	seq.s32 s10, $0x1;
	s10 =	sld [smem:$0x3FB6];
	_ =	sdelay $0x3  }
0x34: {  	[smem:$0x3FB6] =	sst s10  }
0x35: {  	s10 =	sld [smem:$0x3FB5];
	_ =	sdelay $0x3  }
0x36: {  	p1 =	seq.s32 s10, $0x1;
	s10 =	sld [smem:$0x3FB6];
	_ =	sdelay $0x3  }
0x37: {  	[smem:$0x3FB6] =	sst s10  }
0x38: {  	s10 =	sld [smem:$0x3FB7]  }
0x39: {  	_ = 	snop;
	(pc) =	sbr.ind lr, $3  }
0x3a: {  	_ = 	snop  }
0x3b: {  	_ = 	snop  }
0x3c: {  	p2 =	seq.s32 s10, $0x1;
	s10 =	sld [smem:$0x3FB6]  }
0x3d: {  	_ =	shalt  }
0x3e: {  	_ =	shalt  }
0x3f: {  	_ =	shalt  }
0x40: {  	_ =	shalt  }
0x41: {  	_ =	shalt  }
0x42: {  	_ =	shalt  }
0x43: {  	_ =	shalt  }
0x44: {  	_ =	shalt  }
0x45: {  	_ =	shalt  }
0x46: {  	_ =	shalt  }
0x47: {  	_ =	shalt  }
0x48: {  	_ =	shalt  }
0x49: {  	_ =	shalt  }
0x4a: {  	_ =	shalt  }
0x4b: {  	_ =	shalt  }
0x4c: {  	_ =	shalt  }
0x4d: {  	_ =	shalt  }
0x4e: {  	_ =	shalt  }
0x4f: {  	_ =	shalt  }
0x50: {  	_ =	shalt  }
0x51: {  	_ =	shalt  }
0x52: {  	_ =	shalt  }
0x53: {  	_ =	shalt  }
0x54: {  	_ =	shalt  }
0x55: {  	_ =	shalt  }
0x56: {  	_ =	shalt  }
0x57: {  	_ =	shalt  }
0x58: {  	_ =	shalt  }
0x59: {  	_ =	shalt  }
0x5a: {  	_ =	shalt  }
0x5b: {  	_ =	shalt  }
0x5c: {  	_ =	shalt  }
0x5d: {  	_ =	shalt  }
0x5e: {  	_ =	shalt  }
0x5f: {  	_ =	shalt  }
0x60: {  	_ =	shalt  }
0x61: {  	_ =	shalt  }
0x62: {  	_ =	shalt  }
0x63: {  	_ =	shalt  }
0x64: {  	_ =	shalt  }
0x65: {  	_ =	shalt  }
0x66: {  	_ =	shalt  }
0x67: {  	_ =	shalt  }
0x68: {  	_ =	shalt  }
0x69: {  	_ =	shalt  }
0x6a: {  	_ =	shalt  }
0x6b: {  	_ =	shalt  }
0x6c: {  	_ =	shalt  }
0x6d: {  	_ =	shalt  }
0x6e: {  	_ =	shalt  }
0x6f: {  	_ =	shalt  }
0x70: {  	_ =	shalt  }
0x71: {  	_ =	shalt  }
0x72: {  	_ =	shalt  }
0x73: {  	_ =	shalt  }
0x74: {  	_ =	shalt  }
0x75: {  	_ =	shalt  }
0x76: {  	_ =	shalt  }
0x77: {  	_ =	shalt  }
0x78: {  	_ =	shalt  }
0x79: {  	_ =	shalt  }
0x7a: {  	_ =	shalt  }
0x7b: {  	_ =	shalt  }
0x7c: {  	_ =	shalt  }
0x7d: {  	_ =	shalt  }
0x7e: {  	_ =	shalt  }
0x7f: {  	_ =	shalt  }
0x80: {  	_ =	shalt  }
0x81: {  	_ =	shalt  }
0x82: {  	_ =	shalt  }
0x83: {  	_ =	shalt  }
0x84: {  	_ =	shalt  }
0x85: {  	_ =	shalt  }
0x86: {  	_ =	shalt  }
0x87: {  	_ =	shalt  }
.Lfunc_end0:
.L_simem_size_0:
called_computation.1_lowered:
.L_overlay_start_0:
0x88: {  	s2 =	sld [smem:$0x3FD9]  }
0x89: {  	s3 =	sld [smem:$0x3FFE];
	_ =	sdelay $0x1  }
0x8a: {  	s1 =	srdreg.scid  }
0x8b: {  	s0 =	sand.u32 $0x1, s1  }
0x8c: {  	s16 =	sshll.u32 s0, $0xA;
	s2 =	sadd.s32 s3, s2  }
0x8d: {  	s2 =	sadd.s32 s2, s16  }
0x8e: {  	[smem:$0x3FC2] =	sst s2  }
0x8f: {  	_ = 	snop  }
0x90: {  	(tm) =	ssettm $0x1  }
0x91: {  	s17 =	sld [smem:$0x3FFB];
	_ =	sdelay $0x3  }
0x92: {  	_ =	strace s17  }
0x93: {  	s2 =	sld [smem:$0x3FFC];
	_ =	sdelay $0x3  }
0x94: {  	_ =	strace s2  }
0x95: {  	s2 =	sld [smem:$0x3FFD];
	_ =	sdelay $0x3  }
0x96: {  	_ =	strace s2  }
0x97: {  	_ =	strace $0x8FFFFFFF  }
0x98: {  	s18 =	sld [smem:$0x3FDB];
	_ =	sdelay $0x1  }
0x99: {  	s19 =	simm.s32 $_scs_section_size  }
0x9a: {  	s4 =	simm.s32 $_size__tile_overlayer_lowered;
	s5 =	simm.s32 $_tile_overlayer_lowered  }
0x9b: {  	s22 =	simm.s32 $0x1BFF;
	s21 =	sshll.u32 s5, $0x1;
	s2 =	sadd.s32 s19, s18  }
0x9c: {  	s6 =	simm.s32 $0x0;
	s20 =	sshll.u32 s4, $0x1;
	s4 =	sadd.s32 s21, s2  }
0x9d: {  	[timem:s6], [sflag:s22] =	dma.local [hbm:s4], s20  }
0x9e: {  	_ =	swait.ge [sflag:s22], s20  }
0x9f: {  	s3 =	ssub.s32 $0x0, s20;
	[sflag:s22] =	ssyncset.done $0x0  }
0xa0: {  	[sflag:s22] =	ssyncadd.s32 s3;
	_ =	sdelay $0x1  }
0xa1: {  	s23 =	simm.s32 $0x1B8B  }
0xa2: {  	_ =	swait.ge [sflag:s23], $0x1  }
0xa3: {  	[sflag:s23] =	ssyncset.done $0x0  }
0xa4: {  	s25 =	simm.s32 $0x1B8E;
	s24 =	sld [smem:$0x3FFE];
	[sflag:s23] =	ssyncadd.s32 $0xFFFFFFFF  }
0xa5: {  	s26 =	simm.s32 $execute0_lowered;
	[smem:$0x3FD2] =	sst s25  }
0xa6: {  	s4 =	sshll.u32 s26, $0x1;
	_ =	strace $0x80000046;
	[dreg:$0x1] =	wrdreg $0xFFFFFFFF  }
0xa7: {  	s28 =	simm.s32 $_size_execute0_lowered;
	s2 =	sadd.s32 s2, s4;
	[dreg:$0x0] =	wrdreg $0x0  }
0xa8: {  	s4 =	sshll.u32 s28, $0x1;
	[dreg:$0x2] =	wrdreg s2  }
0xa9: {  	[dreg:$0x3] =	wrdreg s4  }
0xaa: {  	[dreg:$0x4] =	wrdreg $0xC0  }
0xab: {  	_ =	task [dreg:s6], $0x5FFFF  }
0xac: {  	[dreg:$0x1] =	wrdreg $0xFFFFFFFF  }
0xad: {  	[dreg:$0x0] =	wrdreg $0x60  }
0xae: {  	[dreg:$0x2] =	wrdreg s24  }
0xaf: {  	[dreg:$0x3] =	wrdreg $0xA  }
0xb0: {  	_ =	task.clear_ibuf [dreg:s6], $0x4FFFF;
	_ =	strace $0x90000046  }
0xb1: {  	s29 =	simm.s32 $0xA;
	_ =	strace $0x80000048  }
0xb2: {  	_ =	swait.ge [sflag:s29], $0x1  }
0xb3: {  	[sflag:s29] =	ssyncadd.s32 $0xFFFFFFFF  }
0xb4: {  	_ =	strace $0x90000048  }
0xb5: {  	_ =	sfence  }
0xb6: {  	s30 =	sld [smem:$0x0];
	_ =	sdelay $0x2  }
0xb7: {  	s31 =	sshll.u32 s1, $0xD;
	s1 =	sshrl.u32 s1, $0x2  }
0xb8: {  	s3 =	sand.u32 $0x4000, s31;
	s1 =	sadd.s32 s1, s30  }
0xb9: {  	s0 =	sor.u32 s3, s0;
	s1 =	sshll.u32 s1, $0x11  }
0xba: {  	s0 =	sor.u32 s1, s0  }
0xbb: {  	s0 =	sadd.s32 $0x8F2B, s0  }
0xbc: {  	[sflag:s0] =	ssyncadd.remote.s32 $0x1  }
0xbd: {  	_ =	sfence.sel $0xFFFF  }
0xbe: {  	[dreg:$0x0] =	wrdreg $0xFFFFFFFF;
	(pc) =	sbr.abs _section_cstart, $3  }
0xbf: {  	[dreg:$0x1] =	wrdreg $0xFFFFFFFF  }
0xc0: {  	_ =	task.clear_ibuf [dreg:s6], $0x2FFFF;
	_ =	strace $0x9FFFFFFF  }
0xc1: {  	(tm) =	ssettm $0x7FFFFFFF  }
tec
execute0_lowered:
.L_overlay_start_1:
0x0: {  	(tag) =	ssettag $0x1  }
0x1: {  	s1 =	srdreg.scid  }
0x2: {  	s0 =	stileid.u32;
	s2 =	rddreg [dreg:$0x0];
	s6 =	simm.s32 $0x1  }
0x3: {  	s9 =	simm.s32 $0x1;
	s10 =	simm.s32 $0x3;
	s1 =	sshll.u32 s1, $0x8  }
0x4: {  	s13 =	simm.s32 $0x0;
	s3 =	sshll.u32 s0, $0x9;
	s4 =	sand.u32 $0x100, s1  }
0x5: {  	s12 =	simm.s32 $0x0;
	s5 =	sadd.s32 $0xA00, s2;
	s3 =	sor.u32 s3, s4  }
0x6: {  	s1 =	rddreg [dreg:$0x1];
	_ =	strace $0x80000047;
	s8 =	ssub.s32 $0x2800, s3  }
.Ltmp0:
0x7: {  	s4 =	sadd.s32 $0x400, s2;
	s7 =	sand.u32 $0x1F00, s8;
	(pc) =	sbr.rel .LBB2_1-.Ltmp0, $4  }
0x8: {  	[sflag:s6] =	ssyncpa.u1 $0x0;
	s11 =	smov.u32 s3;
	p0 =	sne.s32 s7, $0x0  }
0x9: {  	s8 =	sshrl.u32 s8, $0xD;
	s7 =	simm.s32 $0x2;
	s9 =	simm.s32 @!p0 $0x0  }
0xa: {  	[sflag:s7] =	ssyncpa.u1 $0x0;
	p0 =	por $0x0, $0x0;
	s8 =	sadd.s32 s9, s8  }
0xb: {  	vm0 =	vmmov $0xffff;
	[sflag:s10] =	ssyncpa.u1 $0x0;
	s10 =	simm.s32 $0x0;
	s9 =	sadd.s32 $0x1, s8  }
.LBB2_4:
0xc: {  	v2 =	vnsel vm1, $0x0, v2  }
0xd: {  	vm1 =	vgt.s32 v0, $0x0;
	v2 =	vmin.u32 v2, $0x1FFF  }
0xe: {  	v0 =	vnsel vm1, $0x0, v0  }
0xf: {  	v0 =	vmin.u32 v0, $0x1FFF  }
0x10: {  	[tilespmem:s15], [sflag:$0x1] =	stream.indirect_vreg.gather [hbm4b:s2+s10], $0x1, v1, vm0, $0x4038;
	[tilespmem:$0x400] =	vst v63  }
0x11: {  	(ifvalue) =	ssetifvalue $0x7FFFFFFF  }
0x12: {  	[tilespmem:s16], [sflag:$0x1] =	stream.indirect_vreg.gather [hbm4b:s2+s10], $0x1, v2, vm0, $0x4038;
	[tilespmem:$0x400] =	vst v63  }
0x13: {  	s29 =	sadd.s32 $0x10, s16;
	(ifvalue) =	ssetifvalue $0x7FFFFFFF  }
0x14: {  	[tilespmem:s29], [sflag:$0x1] =	stream.indirect_vreg.gather [hbm4b:s2+s10], $0x1, v0, vm0, $0x4038;
	[tilespmem:$0x400] =	vst v63  }
0x15: {  	_ =	swait.ge [sflag:s6], $0x100  }
0x16: {  	s30 =	sshrl.u32 s13, $0x3;
	[sflag:s6] =	ssyncset.done $0x0  }
0x17: {  	s31 =	sand.u32 $0x7, s13;
	s15 =	sadd.s32 s5, s30;
	[sflag:s6] =	ssyncadd.s32 $0xFFFFFF00  }
0x18: {  	[hbm4b:s15+s31] =	stream.linear.scatter [tilespmem:s14], [sflag:$0x3], $0x100, $0x38;
	[tilespmem:$0x400] =	vst v63  }
.LBB2_5:
0x19: {  	s15 =	sadd.s32 $0x2000, s11  }
0x1a: {  	p2 =	sgt.s32 s15, $0x27FF  }
0x1b: {  	s15 =	smov.u32 @p2 s3;
	p2 =	sne.s32 s12, s9  }
.Ltmp1:
0x1c: {  	p1 =	slt.u32 s12, $0x2;
	(pc) =	sbr.rel @!p2 .LBB2_6-.Ltmp1, $4  }
0x1d: {  	s14 =	simm.s32 @!p1 $0x3  }
0x1e: {  	s16 =	sadd.s32 $0x1, s12;
	_ =	swait.ge @!p1 [sflag:s14], $0x100  }
0x1f: {  	s13 =	smov.u32 s11;
	p0 =	por !p0, !p0;
	[sflag:s14] =	ssyncset.done @!p1 $0x0  }
0x20: {  	s12 =	smov.u32 s16;
	s11 =	smov.u32 s15;
	[sflag:s14] =	ssyncadd.s32 @!p1 $0xFFFFFF00  }
.LBB2_1:
0x21: {  	p1 =	sge.u32 s12, s8  }
0x22: {  	s14 =	sxor.u32 @!p1 $0xFFFFFFFF, s12  }
0x23: {  	s31 =	sadd.s32 $0xFFFFFFFF, s12;
	s15 =	sshrl.u32 @!p1 s11, $0x3;
	s14 =	sshll.u32 @!p1 s14, $0x8  }
0x24: {  	s16 =	sand.u32 @!p1 $0x7, s11;
	s15 =	sadd.s32 @!p1 s4, s15;
	s14 =	sand.u32 @!p1 $0x100, s14  }
0x25: {  	[tilespmem:s14], [sflag:$0x2] =	stream.linear.gather @!p1 [hbm4b:s15+s16], $0x100, $0x38;
	[tilespmem:$0x400] =	vst v63  }
0x26: {  	p1 =	sge.u32 s31, s8  }
.Ltmp2:
0x27: {  	_ = 	snop;
	(pc) =	sbr.rel @p1 .LBB2_5-.Ltmp2, $1  }
0x28: {  	_ =	sdelay $0x3  }
0x29: {  	s14 =	simm.s32 $0x1  }
0x2a: {  	_ =	swait.ge [sflag:s7], $0x100;
	s14 =	simm.s32 @!p0 $0x0  }
0x2b: {  	[sflag:s7] =	ssyncset.done $0x0;
	s14 =	sshll.u32 s14, $0x8  }
0x2c: {  	[sflag:s7] =	ssyncadd.s32 $0xFFFFFF00;
	(ifvalue) =	ssetifvalue $0x7FFFFFFF;
	v0 =	vld.msk [tilespmem:s14+$0x0 ss:$0x1], $0xffff;
	_ =	sdelay $0x4  }
0x2d: {  	s15 =	sadd.s32 $0x10, s14;
	vm1 =	vgt.s32 v0, $0x0  }
0x2e: {  	v2 =	vld.msk [tilespmem:s15+$0x0 ss:$0x1], $0xffff;
	v1 =	vnsel vm1, $0x0, v0  }
0x2f: {  	v1 =	vmin.u32 v1, $0x1FFF;
	_ =	sdelay $0x1  }
0x30: {  	s16 =	sshll.u32 s12, $0x8;
	s18 =	simm.s32 $0x20  }
0x31: {  	s16 =	sand.u32 $0x100, s16;
	s17 =	sadd.s32 $0x10, s15;
	s15 =	sor.u32 $0x200, s14  }
0x32: {  	s14 =	sor.u32 $0x200, s16;
	s16 =	sadd.s32 $0x10, s15;
	v0 =	vld.msk [tilespmem:s17+$0x0 ss:$0x1], $0xffff;
	vm1 =	vgt.s32 v2, $0x0;
	(ifvalue) =	ssetifvalue $0x7FFFFFFF  }
.LBB2_3:
0x33: {  	[tilespmem:s15], [sflag:$0x1] =	stream.indirect_vreg.gather [hbm4b:s2+s10], $0x1, v1, vm0, $0x4038;
	[tilespmem:$0x400] =	vst v63  }
0x34: {  	s18 =	sadd.s32 $0x10, s18  }
0x35: {  	v2 =	vnsel vm1, $0x0, v2;
	p1 =	slt.u32 s18, $0xF0  }
.Ltmp3:
0x36: {  	s15 =	smov.u32 s16;
	v1 =	vmin.u32 v2, $0x1FFF;
	(pc) =	sbr.rel @p1 .LBB2_3-.Ltmp3, $3  }
0x37: {  	_ =	sdelay $0x1  }
0x38: {  	s17 =	sadd.s32 $0x10, s17  }
0x39: {  	vm1 =	vgt.s32 v0, $0x0;
	s16 =	sadd.s32 $0x10, s16;
	v2 =	vmov v0;
	(ifvalue) =	ssetifvalue $0x7FFFFFFF;
	v0 =	vld.msk [tilespmem:s17+$0x0 ss:$0x1], $0xffff  }
.Ltmp4:
0x3a: {  	_ = 	snop;
	(pc) =	sbr.rel .LBB2_4-.Ltmp4, $1  }
0x3b: {  	_ =	sdelay $0x3  }
.LBB2_6:
0x3c: {  	_ =	sfence.sel $0x180000  }
0x3d: {  	s2 =	simm.s32 $0x2;
	[bflag:$0x0] =	sbarrier.arrive $0xFFFF  }
0x3e: {  	s30 =	simm.s32 $0x3;
	[sflag:s2] =	ssyncpa.u1 $0x1  }
0x3f: {  	s31 =	simm.s32 $0x1;
	[sflag:s30] =	ssyncpa.u1 $0x1  }
0x40: {  	[sflag:s31] =	ssyncpa.u1 $0x1  }
0x41: {  	p0 =	sne.s32 s0, $0x0;
	_ =	strace $0x90000047  }
0x42: {  	s0 =	sadd.s32 @!p0 $0x100000, s1;
	[bflag:$0x2] =	sbarrier.arrive $0xFFFF  }
0x43: {  	[sflag:s0] =	ssyncadd.tile.s32 @!p0 $0x1;
	_ =	shalt  }
.Lfunc_end2:
_tile_overlayer_lowered:
.L_overlay_start_2:
0x44: {  	(tag) =	ssettag $0x2  }
0x45: {  	s0 =	rddreg [dreg:$0x0];
	s2 =	stileid.u32  }
0x46: {  	s1 =	rddreg [dreg:$0x1];
	p0 =	sne.s32 s2, $0x0  }
0x47: {  	s3 =	rddreg [dreg:$0x2];
	[bflag:$0x3] =	sbarrier.arrive $0xFFFF;
	s2 =	simm.s32 @!p0 $0x1C01  }
0x48: {  	[timem:s3], [sflag:s2] =	dma.local @!p0 [hbm:s0], s1  }
0x49: {  	s0 =	simm.s32 @!p0 $0x1  }
0x4a: {  	_ =	swait.ge @!p0 [sflag:s0], s1  }
0x4b: {  	s1 =	ssub.s32 @!p0 $0x0, s1;
	[sflag:s0] =	ssyncset.done @!p0 $0x0  }
0x4c: {  	[sflag:s0] =	ssyncadd.s32 @!p0 s1  }
0x4d: {  	[bflag:$0x3] =	sbarrier.arrive $0xFFFF  }
0x4e: {  	_ =	shalt  }

// kernel: gather_offload_async_start
scs
__scs_entry_jumppad:
0x0: {  	(pc) =	sbr.rel $0x88, $3  }
0x1: {  	(tag) =	ssettag $0x0;
	lr =	simm.s32 $0x1  }
0x2: {  	[smem:$0x3F9B] =	sst lr;
	_ =	strace $0xD0000000  }
0x3: {  	_ = 	snop  }
0x4: {  	_ = 	snop  }
0x5: {  	_ = 	snop  }
0x6: {  	_ = 	snop  }
0x7: {  	_ = 	snop  }
__scs_overlays_trampoline_lowered:
0x8: {  	[smem:$0x3FAA] =	sst s0  }
0x9: {  	[smem:$0x3FAB] =	sst s1  }
0xa: {  	[smem:$0x3FAC] =	sst s2  }
0xb: {  	[smem:$0x3FAD] =	sst s3  }
0xc: {  	[smem:$0x3FAE] =	sst s4  }
0xd: {  	[smem:$0x3FAF] =	sst s5  }
0xe: {  	[smem:$0x3FB0] =	sst s6  }
0xf: {  	[smem:$0x3FB1] =	sst s7  }
0x10: {  	[smem:$0x3FB2] =	sst s8  }
0x11: {  	[smem:$0x3FB3] =	sst s9;
	s0 =	simm.s32 @!p0 $0x0  }
0x12: {  	s1 =	sld [smem:$0x3F99];
	s0 =	simm.s32 @p0 $0x1  }
0x13: {  	[smem:$0x3FB4] =	sst s0;
	s0 =	simm.s32 @!p1 $0x0  }
0x14: {  	s2 =	sld [smem:$0x3F98];
	s0 =	simm.s32 @p1 $0x1  }
0x15: {  	[smem:$0x3FB5] =	sst s0;
	s0 =	simm.s32 @!p2 $0x0  }
0x16: {  	s3 =	sld [smem:$0x3FDB];
	s0 =	simm.s32 @p2 $0x1  }
0x17: {  	s4 =	simm.s32 $0x1BF5;
	[smem:$0x3FB7] =	sst s0  }
0x18: {  	s0 =	sld [smem:$0x3F9A];
	_ =	swait.ge [sflag:s4], $0x0  }
0x19: {  	s7 =	sld [smem:$0x3F9B]  }
0x1a: {  	s8 =	sadd.s32 $0xFFFFE003, lr  }
0x1b: {  	s9 =	sadd.s32 $0xFFFFFEF7, lr;
	s5 =	simm.s32 $0xFFFFFFFF;
	p2 =	slt.u32 s8, $0xFFFFF086  }
0x1c: {  	p1 =	slt.u32 s9, $0xF7A;
	s5 =	simm.s32 @!p2 $0x0  }
0x1d: {  	s5 =	simm.s32 @p1 $0x1;
	p0 =	seq.s32 s7, s2  }
0x1e: {  	s7 =	smul.u32 @!p0 $0xF7A, s2;
	p2 =	seq.s32 @!p0 s5, $0x0  }
0x1f: {  	s9 =	smul.u32 $0xF7A, s1;
	s8 =	simm.s32 @!p0 $0x1BF5;
	p2 =	por !p2, p0  }
0x20: {  	[sflag:s8] =	ssyncset.s32 @!p0 $0xFFFFF086;
	s6 =	sadd.s32 @!p0 s3, s7;
	s7 =	simm.s32 @!p0 $0x108  }
0x21: {  	s3 =	sadd.s32 s3, s9;
	s6 =	sadd.s32 @!p0 $0x88, s6;
	s7 =	simm.s32 @p2 $0x1082  }
0x22: {  	[simem:s7], [sflag:s8] =	dma.local @!p0 [hbm:s6], $0xF7A  }
0x23: {  	s9 =	sor.u32 $0xD0000000, s2;
	s6 =	simm.s32 $0x108;
	_ =	swait.ge @!p0 [sflag:s8], $0x0  }
0x24: {  	s3 =	sadd.s32 $0x88, s3;
	s6 =	simm.s32 @!p1 $0x1082;
	[sflag:s4] =	ssyncset.s32 $0xFFFFF086  }
0x25: {  	[simem:s6], [sflag:s4] =	dma.local [hbm:s3], $0xF7A  }
0x26: {  	[smem:$0x3F9B] =	sst s1;
	(tag) =	ssettag s2;
	_ =	strace s9  }
0x27: {  	s1 =	sld [smem:$0x3FAB]  }
0x28: {  	s2 =	sld [smem:$0x3FAC]  }
0x29: {  	s4 =	sld [smem:$0x3FAE]  }
0x2a: {  	p0 =	seq.s32 s5, $0x0;
	s5 =	sld [smem:$0x3FAF]  }
0x2b: {  	s6 =	sld [smem:$0x3FB0]  }
0x2c: {  	s7 =	sld [smem:$0x3FB1]  }
0x2d: {  	s3 =	simm.s32 $0x108;
	s8 =	sld [smem:$0x3FB2]  }
0x2e: {  	s3 =	simm.s32 @!p0 $0x1082;
	s9 =	sld [smem:$0x3FB3]  }
0x2f: {  	lr =	sadd.s32 s0, s3;
	s0 =	sld [smem:$0x3FAA]  }
0x30: {  	s3 =	sld [smem:$0x3FAD]  }
0x31: {  	[smem:$0x3FB6] =	sst s10  }
0x32: {  	s10 =	sld [smem:$0x3FB4];
	_ =	sdelay $0x3  }
0x33: {  	p0 =	seq.s32 s10, $0x1;
	s10 =	sld [smem:$0x3FB6];
	_ =	sdelay $0x3  }
0x34: {  	[smem:$0x3FB6] =	sst s10  }
0x35: {  	s10 =	sld [smem:$0x3FB5];
	_ =	sdelay $0x3  }
0x36: {  	p1 =	seq.s32 s10, $0x1;
	s10 =	sld [smem:$0x3FB6];
	_ =	sdelay $0x3  }
0x37: {  	[smem:$0x3FB6] =	sst s10  }
0x38: {  	s10 =	sld [smem:$0x3FB7]  }
0x39: {  	_ = 	snop;
	(pc) =	sbr.ind lr, $3  }
0x3a: {  	_ = 	snop  }
0x3b: {  	_ = 	snop  }
0x3c: {  	p2 =	seq.s32 s10, $0x1;
	s10 =	sld [smem:$0x3FB6]  }
0x3d: {  	_ =	shalt  }
0x3e: {  	_ =	shalt  }
0x3f: {  	_ =	shalt  }
0x40: {  	_ =	shalt  }
0x41: {  	_ =	shalt  }
0x42: {  	_ =	shalt  }
0x43: {  	_ =	shalt  }
0x44: {  	_ =	shalt  }
0x45: {  	_ =	shalt  }
0x46: {  	_ =	shalt  }
0x47: {  	_ =	shalt  }
0x48: {  	_ =	shalt  }
0x49: {  	_ =	shalt  }
0x4a: {  	_ =	shalt  }
0x4b: {  	_ =	shalt  }
0x4c: {  	_ =	shalt  }
0x4d: {  	_ =	shalt  }
0x4e: {  	_ =	shalt  }
0x4f: {  	_ =	shalt  }
0x50: {  	_ =	shalt  }
0x51: {  	_ =	shalt  }
0x52: {  	_ =	shalt  }
0x53: {  	_ =	shalt  }
0x54: {  	_ =	shalt  }
0x55: {  	_ =	shalt  }
0x56: {  	_ =	shalt  }
0x57: {  	_ =	shalt  }
0x58: {  	_ =	shalt  }
0x59: {  	_ =	shalt  }
0x5a: {  	_ =	shalt  }
0x5b: {  	_ =	shalt  }
0x5c: {  	_ =	shalt  }
0x5d: {  	_ =	shalt  }
0x5e: {  	_ =	shalt  }
0x5f: {  	_ =	shalt  }
0x60: {  	_ =	shalt  }
0x61: {  	_ =	shalt  }
0x62: {  	_ =	shalt  }
0x63: {  	_ =	shalt  }
0x64: {  	_ =	shalt  }
0x65: {  	_ =	shalt  }
0x66: {  	_ =	shalt  }
0x67: {  	_ =	shalt  }
0x68: {  	_ =	shalt  }
0x69: {  	_ =	shalt  }
0x6a: {  	_ =	shalt  }
0x6b: {  	_ =	shalt  }
0x6c: {  	_ =	shalt  }
0x6d: {  	_ =	shalt  }
0x6e: {  	_ =	shalt  }
0x6f: {  	_ =	shalt  }
0x70: {  	_ =	shalt  }
0x71: {  	_ =	shalt  }
0x72: {  	_ =	shalt  }
0x73: {  	_ =	shalt  }
0x74: {  	_ =	shalt  }
0x75: {  	_ =	shalt  }
0x76: {  	_ =	shalt  }
0x77: {  	_ =	shalt  }
0x78: {  	_ =	shalt  }
0x79: {  	_ =	shalt  }
0x7a: {  	_ =	shalt  }
0x7b: {  	_ =	shalt  }
0x7c: {  	_ =	shalt  }
0x7d: {  	_ =	shalt  }
0x7e: {  	_ =	shalt  }
0x7f: {  	_ =	shalt  }
0x80: {  	_ =	shalt  }
0x81: {  	_ =	shalt  }
0x82: {  	_ =	shalt  }
0x83: {  	_ =	shalt  }
0x84: {  	_ =	shalt  }
0x85: {  	_ =	shalt  }
0x86: {  	_ =	shalt  }
0x87: {  	_ =	shalt  }
.Lfunc_end0:
.L_simem_size_0:
called_computation_lowered:
.L_overlay_start_0:
0x88: {  	s2 =	sld [smem:$0x3FD9]  }
0x89: {  	s3 =	sld [smem:$0x3FFE];
	_ =	sdelay $0x1  }
0x8a: {  	s1 =	srdreg.scid  }
0x8b: {  	s0 =	sand.u32 $0x1, s1  }
0x8c: {  	s17 =	sshll.u32 s0, $0xA;
	s2 =	sadd.s32 s3, s2  }
0x8d: {  	s2 =	sadd.s32 s2, s17  }
0x8e: {  	[smem:$0x3FC2] =	sst s2  }
0x8f: {  	_ = 	snop  }
0x90: {  	(tm) =	ssettm $0x1  }
0x91: {  	s18 =	sld [smem:$0x3FFB];
	_ =	sdelay $0x3  }
0x92: {  	_ =	strace s18  }
0x93: {  	s2 =	sld [smem:$0x3FFC];
	_ =	sdelay $0x3  }
0x94: {  	_ =	strace s2  }
0x95: {  	s2 =	sld [smem:$0x3FFD];
	_ =	sdelay $0x3  }
0x96: {  	_ =	strace s2  }
0x97: {  	_ =	strace $0x8FFFFFFF  }
0x98: {  	s19 =	sld [smem:$0x3FDB];
	_ =	sdelay $0x1  }
0x99: {  	s20 =	simm.s32 $_scs_section_size  }
0x9a: {  	s4 =	simm.s32 $_size__tile_overlayer_lowered;
	s5 =	simm.s32 $_tile_overlayer_lowered  }
0x9b: {  	s6 =	simm.s32 $0x1BFF;
	s21 =	sshll.u32 s5, $0x1;
	s3 =	sadd.s32 s20, s19  }
0x9c: {  	s22 =	simm.s32 $0x0;
	s4 =	sshll.u32 s4, $0x1;
	s5 =	sadd.s32 s21, s3  }
0x9d: {  	[timem:s22], [sflag:s6] =	dma.local [hbm:s5], s4  }
0x9e: {  	_ =	swait.ge [sflag:s6], s4  }
0x9f: {  	s4 =	ssub.s32 $0x0, s4;
	[sflag:s6] =	ssyncset.done $0x0  }
0xa0: {  	[sflag:s6] =	ssyncadd.s32 s4;
	_ =	sdelay $0x1  }
0xa1: {  	s23 =	simm.s32 $0x1B8B  }
0xa2: {  	_ =	swait.ge [sflag:s23], $0x1  }
0xa3: {  	[sflag:s23] =	ssyncset.done $0x0  }
0xa4: {  	[sflag:s23] =	ssyncadd.s32 $0xFFFFFFFF  }
0xa5: {  	s4 =	sld [smem:$0x0]  }
0xa6: {  	s5 =	sand.u32 $0xFFFFFFFE, s1  }
0xa7: {  	p0 =	sne.s32 s1, s5  }
0xa8: {  	s5 =	sshll.u32 @p0 s5, $0xE  }
0xa9: {  	s5 =	sadd.s32 @p0 $0x11B8D, s5;
	s6 =	sshll.u32 @p0 s4, $0x11  }
0xaa: {  	s5 =	sor.u32 @p0 s6, s5  }
0xab: {  	[sflag:s5] =	ssyncadd.remote.s32 @p0 $0x1;
	_ =	sdelay $0x1  }
0xac: {  	s5 =	simm.s32 @p0 $0x1B8D  }
0xad: {  	_ =	swait.eq @p0 [sflag:s5], $0x1  }
0xae: {  	[sflag:s5] =	ssyncadd.s32 @p0 $0xFFFFFFFF  }
0xaf: {  	s6 =	sshll.u32 @!p0 s1, $0xE  }
0xb0: {  	s6 =	sor.u32 @!p0 $0x4000, s6;
	s5 =	simm.s32 @!p0 $0x1B8D  }
0xb1: {  	s4 =	sshll.u32 @!p0 s4, $0x11;
	s6 =	sadd.s32 @!p0 $0x11B8D, s6;
	_ =	swait.eq @!p0 [sflag:s5], $0x1  }
0xb2: {  	s4 =	sor.u32 @!p0 s4, s6;
	[sflag:s5] =	ssyncadd.s32 @!p0 $0xFFFFFFFF  }
0xb3: {  	s25 =	simm.s32 $0x1B8E;
	s24 =	sld [smem:$0x3FFE];
	[sflag:s4] =	ssyncadd.remote.s32 @!p0 $0x1  }
0xb4: {  	s26 =	simm.s32 $execute0_lowered;
	[smem:$0x3FD2] =	sst s25  }
0xb5: {  	s5 =	sshll.u32 s26, $0x1;
	_ =	strace $0x80000049;
	[dreg:$0x1] =	wrdreg $0xFFFFFFFF  }
0xb6: {  	s28 =	simm.s32 $_size_execute0_lowered;
	s3 =	sadd.s32 s3, s5;
	[dreg:$0x0] =	wrdreg $0x0  }
0xb7: {  	s5 =	sshll.u32 s28, $0x1;
	[dreg:$0x2] =	wrdreg s3  }
0xb8: {  	[dreg:$0x3] =	wrdreg s5  }
0xb9: {  	[dreg:$0x4] =	wrdreg $0xC0  }
0xba: {  	_ =	task [dreg:s22], $0x5FFFF  }
0xbb: {  	[dreg:$0x1] =	wrdreg $0xFFFFFFFF  }
0xbc: {  	[dreg:$0x0] =	wrdreg $0x60  }
0xbd: {  	[dreg:$0x2] =	wrdreg s24  }
0xbe: {  	[dreg:$0x3] =	wrdreg $0x9  }
0xbf: {  	_ =	task.clear_ibuf [dreg:s22], $0x4FFFF;
	_ =	strace $0x90000049  }
0xc0: {  	s29 =	simm.s32 $0x9;
	_ =	strace $0x8000004B  }
0xc1: {  	_ =	swait.ge [sflag:s29], $0x1  }
0xc2: {  	[sflag:s29] =	ssyncadd.s32 $0xFFFFFFFF  }
0xc3: {  	_ =	strace $0x9000004B  }
0xc4: {  	_ =	sfence  }
0xc5: {  	s30 =	sld [smem:$0x0];
	_ =	sdelay $0x2  }
0xc6: {  	s31 =	sshll.u32 s1, $0xD;
	s1 =	sshrl.u32 s1, $0x2  }
0xc7: {  	s4 =	sand.u32 $0x4000, s31;
	s1 =	sadd.s32 s1, s30  }
0xc8: {  	s0 =	sor.u32 s4, s0;
	s1 =	sshll.u32 s1, $0x11  }
0xc9: {  	s0 =	sor.u32 s1, s0  }
0xca: {  	s0 =	sadd.s32 $0x8F2B, s0  }
0xcb: {  	[sflag:s0] =	ssyncadd.remote.s32 $0x1  }
0xcc: {  	_ =	sfence.sel $0xFFFF  }
0xcd: {  	[dreg:$0x0] =	wrdreg $0xFFFFFFFF;
	(pc) =	sbr.abs _section_cstart, $3  }
0xce: {  	[dreg:$0x1] =	wrdreg $0xFFFFFFFF  }
0xcf: {  	_ =	task.clear_ibuf [dreg:s22], $0x2FFFF;
	_ =	strace $0x9FFFFFFF  }
0xd0: {  	(tm) =	ssettm $0x7FFFFFFF  }
0xd1: {  	_ =	shalt  }
tec
execute0_lowered:
.L_overlay_start_1:
0x0: {  	(tag) =	ssettag $0x1  }
0x1: {  	s0 =	srdreg.scid;
	s5 =	rddreg [dreg:$0x0]  }
0x2: {  	s1 =	stileid.u32;
	s6 =	simm.s32 $0x1;
	s9 =	simm.s32 $0x1  }
0x3: {  	s10 =	simm.s32 $0x3;
	s13 =	simm.s32 $0x0;
	s2 =	sshll.u32 s0, $0x8  }
0x4: {  	s12 =	simm.s32 $0x0;
	s3 =	sshll.u32 s1, $0x9;
	s2 =	sand.u32 $0x100, s2  }
0x5: {  	s0 =	rddreg [dreg:$0x1];
	_ =	strace $0x8000004A;
	s2 =	sor.u32 s3, s2  }
0x6: {  	s4 =	sadd.s32 $0x400, s5;
	[sflag:s6] =	ssyncpa.u1 $0x0;
	s8 =	ssub.s32 $0x2800, s2  }
.Ltmp0:
0x7: {  	s3 =	sadd.s32 $0x1000, s5;
	s7 =	sand.u32 $0x1F00, s8;
	(pc) =	sbr.rel .LBB2_1-.Ltmp0, $4  }
0x8: {  	s5 =	sadd.s32 $0x1400, s5;
	s11 =	smov.u32 s2;
	p0 =	sne.s32 s7, $0x0  }
0x9: {  	s8 =	sshrl.u32 s8, $0xD;
	s7 =	simm.s32 $0x2;
	s9 =	simm.s32 @!p0 $0x0  }
0xa: {  	[sflag:s7] =	ssyncpa.u1 $0x0;
	p0 =	por $0x0, $0x0;
	s8 =	sadd.s32 s9, s8  }
0xb: {  	vm0 =	vmmov $0xffff;
	[sflag:s10] =	ssyncpa.u1 $0x0;
	s10 =	simm.s32 $0x0;
	s9 =	sadd.s32 $0x1, s8  }
.LBB2_4:
0xc: {  	v2 =	vnsel vm1, $0x0, v2  }
0xd: {  	vm1 =	vgt.s32 v0, $0x0;
	v2 =	vmin.u32 v2, $0x1FFF  }
0xe: {  	v0 =	vnsel vm1, $0x0, v0  }
0xf: {  	v0 =	vmin.u32 v0, $0x1FFF  }
0x10: {  	[tilespmem:s15], [sflag:$0x1] =	stream.indirect_vreg.gather [hbm4b:s3+s10], $0x1, v1, vm0, $0x4038;
	[tilespmem:$0x400] =	vst v63  }
0x11: {  	(ifvalue) =	ssetifvalue $0x7FFFFFFF  }
0x12: {  	[tilespmem:s16], [sflag:$0x1] =	stream.indirect_vreg.gather [hbm4b:s3+s10], $0x1, v2, vm0, $0x4038;
	[tilespmem:$0x400] =	vst v63  }
0x13: {  	s29 =	sadd.s32 $0x10, s16;
	(ifvalue) =	ssetifvalue $0x7FFFFFFF  }
0x14: {  	[tilespmem:s29], [sflag:$0x1] =	stream.indirect_vreg.gather [hbm4b:s3+s10], $0x1, v0, vm0, $0x4038;
	[tilespmem:$0x400] =	vst v63  }
0x15: {  	_ =	swait.ge [sflag:s6], $0x100  }
0x16: {  	s30 =	sshrl.u32 s13, $0x3;
	[sflag:s6] =	ssyncset.done $0x0  }
0x17: {  	s31 =	sand.u32 $0x7, s13;
	s15 =	sadd.s32 s5, s30;
	[sflag:s6] =	ssyncadd.s32 $0xFFFFFF00  }
0x18: {  	[hbm4b:s15+s31] =	stream.linear.scatter [tilespmem:s14], [sflag:$0x3], $0x100, $0x38;
	[tilespmem:$0x400] =	vst v63  }
.LBB2_5:
0x19: {  	s15 =	sadd.s32 $0x2000, s11  }
0x1a: {  	p2 =	sgt.s32 s15, $0x27FF  }
0x1b: {  	s15 =	smov.u32 @p2 s2;
	p2 =	sne.s32 s12, s9  }
.Ltmp1:
0x1c: {  	p1 =	slt.u32 s12, $0x2;
	(pc) =	sbr.rel @!p2 .LBB2_6-.Ltmp1, $4  }
0x1d: {  	s14 =	simm.s32 @!p1 $0x3  }
0x1e: {  	s16 =	sadd.s32 $0x1, s12;
	_ =	swait.ge @!p1 [sflag:s14], $0x100  }
0x1f: {  	s13 =	smov.u32 s11;
	p0 =	por !p0, !p0;
	[sflag:s14] =	ssyncset.done @!p1 $0x0  }
0x20: {  	s12 =	smov.u32 s16;
	s11 =	smov.u32 s15;
	[sflag:s14] =	ssyncadd.s32 @!p1 $0xFFFFFF00  }
.LBB2_1:
0x21: {  	p1 =	sge.u32 s12, s8  }
0x22: {  	s14 =	sxor.u32 @!p1 $0xFFFFFFFF, s12  }
0x23: {  	s31 =	sadd.s32 $0xFFFFFFFF, s12;
	s15 =	sshrl.u32 @!p1 s11, $0x3;
	s14 =	sshll.u32 @!p1 s14, $0x8  }
0x24: {  	s16 =	sand.u32 @!p1 $0x7, s11;
	s15 =	sadd.s32 @!p1 s4, s15;
	s14 =	sand.u32 @!p1 $0x100, s14  }
0x25: {  	[tilespmem:s14], [sflag:$0x2] =	stream.linear.gather @!p1 [hbm4b:s15+s16], $0x100, $0x38;
	[tilespmem:$0x400] =	vst v63  }
0x26: {  	p1 =	sge.u32 s31, s8  }
.Ltmp2:
0x27: {  	_ = 	snop;
	(pc) =	sbr.rel @p1 .LBB2_5-.Ltmp2, $1  }
0x28: {  	_ =	sdelay $0x3  }
0x29: {  	s14 =	simm.s32 $0x1  }
0x2a: {  	_ =	swait.ge [sflag:s7], $0x100;
	s14 =	simm.s32 @!p0 $0x0  }
0x2b: {  	[sflag:s7] =	ssyncset.done $0x0;
	s14 =	sshll.u32 s14, $0x8  }
0x2c: {  	[sflag:s7] =	ssyncadd.s32 $0xFFFFFF00;
	(ifvalue) =	ssetifvalue $0x7FFFFFFF;
	v0 =	vld.msk [tilespmem:s14+$0x0 ss:$0x1], $0xffff;
	_ =	sdelay $0x4  }
0x2d: {  	s15 =	sadd.s32 $0x10, s14;
	vm1 =	vgt.s32 v0, $0x0  }
0x2e: {  	v2 =	vld.msk [tilespmem:s15+$0x0 ss:$0x1], $0xffff;
	v1 =	vnsel vm1, $0x0, v0  }
0x2f: {  	v1 =	vmin.u32 v1, $0x1FFF;
	_ =	sdelay $0x1  }
0x30: {  	s16 =	sshll.u32 s12, $0x8;
	s18 =	simm.s32 $0x20  }
0x31: {  	s16 =	sand.u32 $0x100, s16;
	s17 =	sadd.s32 $0x10, s15;
	s15 =	sor.u32 $0x200, s14  }
0x32: {  	s14 =	sor.u32 $0x200, s16;
	s16 =	sadd.s32 $0x10, s15;
	v0 =	vld.msk [tilespmem:s17+$0x0 ss:$0x1], $0xffff;
	vm1 =	vgt.s32 v2, $0x0;
	(ifvalue) =	ssetifvalue $0x7FFFFFFF  }
.LBB2_3:
0x33: {  	[tilespmem:s15], [sflag:$0x1] =	stream.indirect_vreg.gather [hbm4b:s3+s10], $0x1, v1, vm0, $0x4038;
	[tilespmem:$0x400] =	vst v63  }
0x34: {  	s18 =	sadd.s32 $0x10, s18  }
0x35: {  	v2 =	vnsel vm1, $0x0, v2;
	p1 =	slt.u32 s18, $0xF0  }
.Ltmp3:
0x36: {  	s15 =	smov.u32 s16;
	v1 =	vmin.u32 v2, $0x1FFF;
	(pc) =	sbr.rel @p1 .LBB2_3-.Ltmp3, $3  }
0x37: {  	_ =	sdelay $0x1  }
0x38: {  	s17 =	sadd.s32 $0x10, s17  }
0x39: {  	vm1 =	vgt.s32 v0, $0x0;
	s16 =	sadd.s32 $0x10, s16;
	v2 =	vmov v0;
	(ifvalue) =	ssetifvalue $0x7FFFFFFF;
	v0 =	vld.msk [tilespmem:s17+$0x0 ss:$0x1], $0xffff  }
.Ltmp4:
0x3a: {  	_ = 	snop;
	(pc) =	sbr.rel .LBB2_4-.Ltmp4, $1  }
0x3b: {  	_ =	sdelay $0x3  }
.LBB2_6:
0x3c: {  	_ =	sfence.sel $0x180000  }
0x3d: {  	s2 =	simm.s32 $0x2;
	[bflag:$0x0] =	sbarrier.arrive $0xFFFF  }
0x3e: {  	s30 =	simm.s32 $0x3;
	[sflag:s2] =	ssyncpa.u1 $0x1  }
0x3f: {  	s31 =	simm.s32 $0x1;
	[sflag:s30] =	ssyncpa.u1 $0x1  }
0x40: {  	[sflag:s31] =	ssyncpa.u1 $0x1  }
0x41: {  	p0 =	sne.s32 s1, $0x0;
	_ =	strace $0x9000004A  }
0x42: {  	s0 =	sadd.s32 @!p0 $0x100000, s0;
	[bflag:$0x2] =	sbarrier.arrive $0xFFFF  }
0x43: {  	[sflag:s0] =	ssyncadd.tile.s32 @!p0 $0x1;
	_ =	shalt  }
.Lfunc_end2:
_tile_overlayer_lowered:
.L_overlay_start_2:
0x44: {  	(tag) =	ssettag $0x2  }
0x45: {  	s0 =	rddreg [dreg:$0x0];
	s2 =	stileid.u32  }
0x46: {  	s1 =	rddreg [dreg:$0x1];
	p0 =	sne.s32 s2, $0x0  }
0x47: {  	s3 =	rddreg [dreg:$0x2];
	[bflag:$0x3] =	sbarrier.arrive $0xFFFF;
	s2 =	simm.s32 @!p0 $0x1C01  }
0x48: {  	[timem:s3], [sflag:s2] =	dma.local @!p0 [hbm:s0], s1  }
0x49: {  	s0 =	simm.s32 @!p0 $0x1  }
0x4a: {  	_ =	swait.ge @!p0 [sflag:s0], s1  }
0x4b: {  	s1 =	ssub.s32 @!p0 $0x0, s1;
	[sflag:s0] =	ssyncset.done @!p0 $0x0  }
0x4c: {  	[sflag:s0] =	ssyncadd.s32 @!p0 s1  }
0x4d: {  	[bflag:$0x3] =	sbarrier.arrive $0xFFFF  }
0x4e: {  	_ =	shalt  }

// kernel: kernel.11.cloned.1.call-start
scs
__scs_entry_jumppad:
0x0: {  	(pc) =	sbr.rel $0x88, $3  }
0x1: {  	(tag) =	ssettag $0x0;
	lr =	simm.s32 $0x1  }
0x2: {  	[smem:$0x3F9B] =	sst lr;
	_ =	strace $0xD0000000  }
0x3: {  	_ = 	snop  }
0x4: {  	_ = 	snop  }
0x5: {  	_ = 	snop  }
0x6: {  	_ = 	snop  }
0x7: {  	_ = 	snop  }
__scs_overlays_trampoline_lowered:
0x8: {  	[smem:$0x3FAA] =	sst s0  }
0x9: {  	[smem:$0x3FAB] =	sst s1  }
0xa: {  	[smem:$0x3FAC] =	sst s2  }
0xb: {  	[smem:$0x3FAD] =	sst s3  }
0xc: {  	[smem:$0x3FAE] =	sst s4  }
0xd: {  	[smem:$0x3FAF] =	sst s5  }
0xe: {  	[smem:$0x3FB0] =	sst s6  }
0xf: {  	[smem:$0x3FB1] =	sst s7  }
0x10: {  	[smem:$0x3FB2] =	sst s8  }
0x11: {  	[smem:$0x3FB3] =	sst s9;
	s0 =	simm.s32 @!p0 $0x0  }
0x12: {  	s1 =	sld [smem:$0x3F99];
	s0 =	simm.s32 @p0 $0x1  }
0x13: {  	[smem:$0x3FB4] =	sst s0;
	s0 =	simm.s32 @!p1 $0x0  }
0x14: {  	s2 =	sld [smem:$0x3F98];
	s0 =	simm.s32 @p1 $0x1  }
0x15: {  	[smem:$0x3FB5] =	sst s0;
	s0 =	simm.s32 @!p2 $0x0  }
0x16: {  	s3 =	sld [smem:$0x3FDB];
	s0 =	simm.s32 @p2 $0x1  }
0x17: {  	s4 =	simm.s32 $0x1BF5;
	[smem:$0x3FB7] =	sst s0  }
0x18: {  	s0 =	sld [smem:$0x3F9A];
	_ =	swait.ge [sflag:s4], $0x0  }
0x19: {  	s7 =	sld [smem:$0x3F9B]  }
0x1a: {  	s8 =	sadd.s32 $0xFFFFE003, lr  }
0x1b: {  	s9 =	sadd.s32 $0xFFFFFEF7, lr;
	s5 =	simm.s32 $0xFFFFFFFF;
	p2 =	slt.u32 s8, $0xFFFFF086  }
0x1c: {  	p1 =	slt.u32 s9, $0xF7A;
	s5 =	simm.s32 @!p2 $0x0  }
0x1d: {  	s5 =	simm.s32 @p1 $0x1;
	p0 =	seq.s32 s7, s2  }
0x1e: {  	s7 =	smul.u32 @!p0 $0xF7A, s2;
	p2 =	seq.s32 @!p0 s5, $0x0  }
0x1f: {  	s9 =	smul.u32 $0xF7A, s1;
	s8 =	simm.s32 @!p0 $0x1BF5;
	p2 =	por !p2, p0  }
0x20: {  	[sflag:s8] =	ssyncset.s32 @!p0 $0xFFFFF086;
	s6 =	sadd.s32 @!p0 s3, s7;
	s7 =	simm.s32 @!p0 $0x108  }
0x21: {  	s3 =	sadd.s32 s3, s9;
	s6 =	sadd.s32 @!p0 $0x88, s6;
	s7 =	simm.s32 @p2 $0x1082  }
0x22: {  	[simem:s7], [sflag:s8] =	dma.local @!p0 [hbm:s6], $0xF7A  }
0x23: {  	s9 =	sor.u32 $0xD0000000, s2;
	s6 =	simm.s32 $0x108;
	_ =	swait.ge @!p0 [sflag:s8], $0x0  }
0x24: {  	s3 =	sadd.s32 $0x88, s3;
	s6 =	simm.s32 @!p1 $0x1082;
	[sflag:s4] =	ssyncset.s32 $0xFFFFF086  }
0x25: {  	[simem:s6], [sflag:s4] =	dma.local [hbm:s3], $0xF7A  }
0x26: {  	[smem:$0x3F9B] =	sst s1;
	(tag) =	ssettag s2;
	_ =	strace s9  }
0x27: {  	s1 =	sld [smem:$0x3FAB]  }
0x28: {  	s2 =	sld [smem:$0x3FAC]  }
0x29: {  	s4 =	sld [smem:$0x3FAE]  }
0x2a: {  	p0 =	seq.s32 s5, $0x0;
	s5 =	sld [smem:$0x3FAF]  }
0x2b: {  	s6 =	sld [smem:$0x3FB0]  }
0x2c: {  	s7 =	sld [smem:$0x3FB1]  }
0x2d: {  	s3 =	simm.s32 $0x108;
	s8 =	sld [smem:$0x3FB2]  }
0x2e: {  	s3 =	simm.s32 @!p0 $0x1082;
	s9 =	sld [smem:$0x3FB3]  }
0x2f: {  	lr =	sadd.s32 s0, s3;
	s0 =	sld [smem:$0x3FAA]  }
0x30: {  	s3 =	sld [smem:$0x3FAD]  }
0x31: {  	[smem:$0x3FB6] =	sst s10  }
0x32: {  	s10 =	sld [smem:$0x3FB4];
	_ =	sdelay $0x3  }
0x33: {  	p0 =	seq.s32 s10, $0x1;
	s10 =	sld [smem:$0x3FB6];
	_ =	sdelay $0x3  }
0x34: {  	[smem:$0x3FB6] =	sst s10  }
0x35: {  	s10 =	sld [smem:$0x3FB5];
	_ =	sdelay $0x3  }
0x36: {  	p1 =	seq.s32 s10, $0x1;
	s10 =	sld [smem:$0x3FB6];
	_ =	sdelay $0x3  }
0x37: {  	[smem:$0x3FB6] =	sst s10  }
0x38: {  	s10 =	sld [smem:$0x3FB7]  }
0x39: {  	_ = 	snop;
	(pc) =	sbr.ind lr, $3  }
0x3a: {  	_ = 	snop  }
0x3b: {  	_ = 	snop  }
0x3c: {  	p2 =	seq.s32 s10, $0x1;
	s10 =	sld [smem:$0x3FB6]  }
0x3d: {  	_ =	shalt  }
0x3e: {  	_ =	shalt  }
0x3f: {  	_ =	shalt  }
0x40: {  	_ =	shalt  }
0x41: {  	_ =	shalt  }
0x42: {  	_ =	shalt  }
0x43: {  	_ =	shalt  }
0x44: {  	_ =	shalt  }
0x45: {  	_ =	shalt  }
0x46: {  	_ =	shalt  }
0x47: {  	_ =	shalt  }
0x48: {  	_ =	shalt  }
0x49: {  	_ =	shalt  }
0x4a: {  	_ =	shalt  }
0x4b: {  	_ =	shalt  }
0x4c: {  	_ =	shalt  }
0x4d: {  	_ =	shalt  }
0x4e: {  	_ =	shalt  }
0x4f: {  	_ =	shalt  }
0x50: {  	_ =	shalt  }
0x51: {  	_ =	shalt  }
0x52: {  	_ =	shalt  }
0x53: {  	_ =	shalt  }
0x54: {  	_ =	shalt  }
0x55: {  	_ =	shalt  }
0x56: {  	_ =	shalt  }
0x57: {  	_ =	shalt  }
0x58: {  	_ =	shalt  }
0x59: {  	_ =	shalt  }
0x5a: {  	_ =	shalt  }
0x5b: {  	_ =	shalt  }
0x5c: {  	_ =	shalt  }
0x5d: {  	_ =	shalt  }
0x5e: {  	_ =	shalt  }
0x5f: {  	_ =	shalt  }
0x60: {  	_ =	shalt  }
0x61: {  	_ =	shalt  }
0x62: {  	_ =	shalt  }
0x63: {  	_ =	shalt  }
0x64: {  	_ =	shalt  }
0x65: {  	_ =	shalt  }
0x66: {  	_ =	shalt  }
0x67: {  	_ =	shalt  }
0x68: {  	_ =	shalt  }
0x69: {  	_ =	shalt  }
0x6a: {  	_ =	shalt  }
0x6b: {  	_ =	shalt  }
0x6c: {  	_ =	shalt  }
0x6d: {  	_ =	shalt  }
0x6e: {  	_ =	shalt  }
0x6f: {  	_ =	shalt  }
0x70: {  	_ =	shalt  }
0x71: {  	_ =	shalt  }
0x72: {  	_ =	shalt  }
0x73: {  	_ =	shalt  }
0x74: {  	_ =	shalt  }
0x75: {  	_ =	shalt  }
0x76: {  	_ =	shalt  }
0x77: {  	_ =	shalt  }
0x78: {  	_ =	shalt  }
0x79: {  	_ =	shalt  }
0x7a: {  	_ =	shalt  }
0x7b: {  	_ =	shalt  }
0x7c: {  	_ =	shalt  }
0x7d: {  	_ =	shalt  }
0x7e: {  	_ =	shalt  }
0x7f: {  	_ =	shalt  }
0x80: {  	_ =	shalt  }
0x81: {  	_ =	shalt  }
0x82: {  	_ =	shalt  }
0x83: {  	_ =	shalt  }
0x84: {  	_ =	shalt  }
0x85: {  	_ =	shalt  }
0x86: {  	_ =	shalt  }
0x87: {  	_ =	shalt  }
.Lfunc_end0:
.L_simem_size_0:
called_computation.3_lowered:
.L_overlay_start_0:
0x88: {  	s2 =	sld [smem:$0x3FD9]  }
0x89: {  	s3 =	sld [smem:$0x3FFE];
	_ =	sdelay $0x1  }
0x8a: {  	s1 =	srdreg.scid  }
0x8b: {  	s0 =	sand.u32 $0x1, s1  }
0x8c: {  	s16 =	sshll.u32 s0, $0xA;
	s2 =	sadd.s32 s3, s2  }
0x8d: {  	s2 =	sadd.s32 s2, s16  }
0x8e: {  	[smem:$0x3FC2] =	sst s2  }
0x8f: {  	_ = 	snop  }
0x90: {  	(tm) =	ssettm $0x1  }
0x91: {  	s17 =	sld [smem:$0x3FFB];
	_ =	sdelay $0x3  }
0x92: {  	_ =	strace s17  }
0x93: {  	s2 =	sld [smem:$0x3FFC];
	_ =	sdelay $0x3  }
0x94: {  	_ =	strace s2  }
0x95: {  	s2 =	sld [smem:$0x3FFD];
	_ =	sdelay $0x3  }
0x96: {  	_ =	strace s2  }
0x97: {  	_ =	strace $0x8FFFFFFF  }
0x98: {  	s18 =	sld [smem:$0x3FDB];
	_ =	sdelay $0x1  }
0x99: {  	s19 =	simm.s32 $_scs_section_size  }
0x9a: {  	s4 =	simm.s32 $_size__tile_overlayer_lowered;
	s5 =	simm.s32 $_tile_overlayer_lowered  }
0x9b: {  	s22 =	simm.s32 $0x1BFF;
	s21 =	sshll.u32 s5, $0x1;
	s2 =	sadd.s32 s19, s18  }
0x9c: {  	s6 =	simm.s32 $0x0;
	s20 =	sshll.u32 s4, $0x1;
	s4 =	sadd.s32 s21, s2  }
0x9d: {  	[timem:s6], [sflag:s22] =	dma.local [hbm:s4], s20  }
0x9e: {  	_ =	swait.ge [sflag:s22], s20  }
0x9f: {  	s3 =	ssub.s32 $0x0, s20;
	[sflag:s22] =	ssyncset.done $0x0  }
0xa0: {  	[sflag:s22] =	ssyncadd.s32 s3;
	_ =	sdelay $0x1  }
0xa1: {  	s23 =	simm.s32 $0x1B8B  }
0xa2: {  	_ =	swait.ge [sflag:s23], $0x1  }
0xa3: {  	[sflag:s23] =	ssyncset.done $0x0  }
0xa4: {  	s25 =	simm.s32 $0x1B8E;
	s24 =	sld [smem:$0x3FFE];
	[sflag:s23] =	ssyncadd.s32 $0xFFFFFFFF  }
0xa5: {  	s26 =	simm.s32 $execute0_lowered;
	[smem:$0x3FD2] =	sst s25  }
0xa6: {  	s4 =	sshll.u32 s26, $0x1;
	_ =	strace $0x8000004F;
	[dreg:$0x1] =	wrdreg $0xFFFFFFFF  }
0xa7: {  	s28 =	simm.s32 $_size_execute0_lowered;
	s2 =	sadd.s32 s2, s4;
	[dreg:$0x0] =	wrdreg $0x0  }
0xa8: {  	s4 =	sshll.u32 s28, $0x1;
	[dreg:$0x2] =	wrdreg s2  }
0xa9: {  	[dreg:$0x3] =	wrdreg s4  }
0xaa: {  	[dreg:$0x4] =	wrdreg $0xC0  }
0xab: {  	_ =	task [dreg:s6], $0x5FFFF  }
0xac: {  	[dreg:$0x1] =	wrdreg $0xFFFFFFFF  }
0xad: {  	[dreg:$0x0] =	wrdreg $0x60  }
0xae: {  	[dreg:$0x2] =	wrdreg s24  }
0xaf: {  	[dreg:$0x3] =	wrdreg $0x9  }
0xb0: {  	_ =	task.clear_ibuf [dreg:s6], $0x4FFFF;
	_ =	strace $0x9000004F  }
0xb1: {  	s29 =	simm.s32 $0x9;
	_ =	strace $0x80000051  }
0xb2: {  	_ =	swait.ge [sflag:s29], $0x1  }
0xb3: {  	[sflag:s29] =	ssyncadd.s32 $0xFFFFFFFF  }
0xb4: {  	_ =	strace $0x90000051  }
0xb5: {  	_ =	sfence  }
0xb6: {  	s30 =	sld [smem:$0x0];
	_ =	sdelay $0x2  }
0xb7: {  	s31 =	sshll.u32 s1, $0xD;
	s1 =	sshrl.u32 s1, $0x2  }
0xb8: {  	s3 =	sand.u32 $0x4000, s31;
	s1 =	sadd.s32 s1, s30  }
0xb9: {  	s0 =	sor.u32 s3, s0;
	s1 =	sshll.u32 s1, $0x11  }
0xba: {  	s0 =	sor.u32 s1, s0  }
0xbb: {  	s0 =	sadd.s32 $0x8F2B, s0  }
0xbc: {  	[sflag:s0] =	ssyncadd.remote.s32 $0x1  }
0xbd: {  	_ =	sfence.sel $0xFFFF  }
0xbe: {  	[dreg:$0x0] =	wrdreg $0xFFFFFFFF;
	(pc) =	sbr.abs _section_cstart, $3  }
0xbf: {  	[dreg:$0x1] =	wrdreg $0xFFFFFFFF  }
0xc0: {  	_ =	task.clear_ibuf [dreg:s6], $0x2FFFF;
	_ =	strace $0x9FFFFFFF  }
0xc1: {  	(tm) =	ssettm $0x7FFFFFFF  }
tec
execute0_lowered:
.L_overlay_start_1:
0x0: {  	(tag) =	ssettag $0x1  }
0x1: {  	s0 =	rddreg [dreg:$0x0]  }
0x2: {  	s1 =	simm.s32 $0x0;
	s2 =	srdreg.scid;
	s5 =	stileid.u32  }
0x3: {  	s23 =	simm.s32 $0x80;
	s18 =	simm.s32 $0x1;
	[smem:$0x7FF] =	sst s1  }
0x4: {  	s3 =	sadd.s32 $0x282000, s0;
	s2 =	sand.u32 $0x1, s2;
	s4 =	sadd.s32 $0x800, s0  }
0x5: {  	s5 =	sshll.u32 s5, $0x8;
	s7 =	sadd.s32 $0x600, s0;
	s6 =	sshll.u32 s2, $0x7  }
0x6: {  	s8 =	sadd.s32 $0xA00, s0;
	s9 =	sadd.s32 $0x80A00, s0;
	s5 =	sor.u32 s6, s5  }
0x7: {  	_ =	strace $0x80000050;
	s2 =	ssub.s32 $0x2, s2;
	s6 =	sshrl.u32 s5, $0x3  }
0x8: {  	s10 =	sshrl.u32 s2, $0x1;
	s12 =	sshll.u32 s5, $0x7;
	s11 =	sadd.s32 s4, s6  }
0x9: {  	s2 =	ssub.s32 s2, s10;
	s24 =	sadd.s32 s8, s12;
	[dreg:$0x2] =	wrdreg s11  }
0xa: {  	s5 =	sor.u32 $0x40, s5;
	s6 =	sadd.s32 s7, s6;
	[dreg:$0x3] =	wrdreg s24  }
0xb: {  	s25 =	sadd.s32 s9, s12;
	s26 =	sshrl.u32 s5, $0x3;
	[dreg:$0x4] =	wrdreg s6  }
0xc: {  	s29 =	sshll.u32 s5, $0x7;
	[dreg:$0x5] =	wrdreg s25;
	s28 =	sadd.s32 s4, s26  }
0xd: {  	s5 =	sadd.s32 $0x282200, s0;
	s30 =	sadd.s32 s8, s29;
	[dreg:$0x6] =	wrdreg s28  }
0xe: {  	v2 =	vlaneseq.u32;
	s4 =	sadd.s32 $0x282100, s0;
	s7 =	sadd.s32 s7, s26;
	[dreg:$0x7] =	wrdreg s30  }
0xf: {  	vm0 =	vmmov $0xffff;
	v1 =	vshrl.u32 v2, $0x3;
	s6 =	sadd.s32 $0x282300, s0;
	s31 =	sadd.s32 s9, s29;
	[dreg:$0x8] =	wrdreg s7  }
0x10: {  	v0 =	vand.u32 $0x7, v2;
	v2 =	vor.u32 $0x8, v2;
	v1 =	vmul.u32 $0x8, v1;
	s8 =	simm.s32 $0x2;
	[dreg:$0x9] =	wrdreg s31;
	s7 =	smax.u32 s2, $0x1  }
.LBB2_1:
0x11: {  	s19 =	rddreg [dreg:$0x2]  }
0x12: {  	[tilespmem:s1], [sflag:$0x2] =	stream.linear.gather [hbm4b:s19+s1], $0x40, $0x38;
	[tilespmem:$0x10080] =	vst v63  }
0x13: {  	_ =	swait.ge [sflag:s8], $0x40  }
0x14: {  	[sflag:s8] =	ssyncset.done $0x0  }
0x15: {  	[sflag:s8] =	ssyncadd.s32 $0xFFFFFFC0  }
0x16: {  	v3 =	vld [tilespmem:$0x0];
	_ =	sdelay $0x4  }
0x17: {  	v4 =	vshll.u32 v3, $0x3  }
0x18: {  	v3 =	vand.u32 $0x7, v3;
	v4 =	vand.u32 $0xFFFFFFC0, v4  }
0x19: {  	v3 =	vor.u32 v3, v4  }
0x1a: {  	v4 =	vperm.xlane v3, v0;
	_ =	sdelay $0x1  }
0x1b: {  	v4 =	vadd.s32 v1, v4;
	_ =	sdelay $0x4  }
0x1c: {  	[tilespmem:s23], [sflag:$0x1] =	stream.indirect_vreg.gather [hbm4b:s3+s1], $0x80, v4, vm0, $0xb8;
	[tilespmem:$0x10080] =	vst v63  }
0x1d: {  	s0 =	simm.s32 $0x880;
	v3 =	vperm.xlane v3, v2  }
0x1e: {  	[tilespmem:s0], [sflag:$0x1] =	stream.indirect_vreg.gather [hbm4b:s4+s1], $0x80, v4, vm0, $0xb8;
	[tilespmem:$0x10080] =	vst v63  }
0x1f: {  	s12 =	simm.s32 $0x1080;
	v3 =	vadd.s32 v1, v3  }
0x20: {  	[tilespmem:s12], [sflag:$0x1] =	stream.indirect_vreg.gather [hbm4b:s5+s1], $0x80, v4, vm0, $0xb8;
	[tilespmem:$0x10080] =	vst v63  }
0x21: {  	s13 =	simm.s32 $0x1880  }
0x22: {  	[tilespmem:s13], [sflag:$0x1] =	stream.indirect_vreg.gather [hbm4b:s6+s1], $0x80, v4, vm0, $0xb8;
	[tilespmem:$0x10080] =	vst v63  }
0x23: {  	s15 =	simm.s32 $0x2080  }
0x24: {  	[tilespmem:s15], [sflag:$0x1] =	stream.indirect_vreg.gather [hbm4b:s3+s1], $0x80, v3, vm0, $0xb8;
	[tilespmem:$0x10080] =	vst v63  }
0x25: {  	s16 =	simm.s32 $0x2880  }
0x26: {  	[tilespmem:s16], [sflag:$0x1] =	stream.indirect_vreg.gather [hbm4b:s4+s1], $0x80, v3, vm0, $0xb8;
	[tilespmem:$0x10080] =	vst v63  }
0x27: {  	s17 =	simm.s32 $0x3080  }
0x28: {  	[tilespmem:s17], [sflag:$0x1] =	stream.indirect_vreg.gather [hbm4b:s5+s1], $0x80, v3, vm0, $0xb8;
	[tilespmem:$0x10080] =	vst v63  }
0x29: {  	s19 =	simm.s32 $0x3880  }
0x2a: {  	[tilespmem:s19], [sflag:$0x1] =	stream.indirect_vreg.gather [hbm4b:s6+s1], $0x80, v3, vm0, $0xb8;
	[tilespmem:$0x10080] =	vst v63  }
0x2b: {  	v3 =	vld [tilespmem:$0x10];
	_ =	sdelay $0x4  }
0x2c: {  	v49 =	vshll.u32 v3, $0x3  }
0x2d: {  	v3 =	vand.u32 $0x7, v3;
	v4 =	vand.u32 $0xFFFFFFC0, v49  }
0x2e: {  	v3 =	vor.u32 v3, v4  }
0x2f: {  	v4 =	vperm.xlane v3, v0;
	_ =	sdelay $0x1  }
0x30: {  	v4 =	vadd.s32 v1, v4;
	_ =	sdelay $0x3  }
0x31: {  	s20 =	simm.s32 $0x4080  }
0x32: {  	[tilespmem:s20], [sflag:$0x1] =	stream.indirect_vreg.gather [hbm4b:s3+s1], $0x80, v4, vm0, $0xb8;
	[tilespmem:$0x10080] =	vst v63  }
0x33: {  	s21 =	simm.s32 $0x4880;
	v3 =	vperm.xlane v3, v2  }
0x34: {  	[tilespmem:s21], [sflag:$0x1] =	stream.indirect_vreg.gather [hbm4b:s4+s1], $0x80, v4, vm0, $0xb8;
	[tilespmem:$0x10080] =	vst v63  }
0x35: {  	s22 =	simm.s32 $0x5080;
	v3 =	vadd.s32 v1, v3  }
0x36: {  	[tilespmem:s22], [sflag:$0x1] =	stream.indirect_vreg.gather [hbm4b:s5+s1], $0x80, v4, vm0, $0xb8;
	[tilespmem:$0x10080] =	vst v63  }
0x37: {  	s24 =	simm.s32 $0x5880  }
0x38: {  	[tilespmem:s24], [sflag:$0x1] =	stream.indirect_vreg.gather [hbm4b:s6+s1], $0x80, v4, vm0, $0xb8;
	[tilespmem:$0x10080] =	vst v63  }
0x39: {  	s25 =	simm.s32 $0x6080  }
0x3a: {  	[tilespmem:s25], [sflag:$0x1] =	stream.indirect_vreg.gather [hbm4b:s3+s1], $0x80, v3, vm0, $0xb8;
	[tilespmem:$0x10080] =	vst v63  }
0x3b: {  	s26 =	simm.s32 $0x6880  }
0x3c: {  	[tilespmem:s26], [sflag:$0x1] =	stream.indirect_vreg.gather [hbm4b:s4+s1], $0x80, v3, vm0, $0xb8;
	[tilespmem:$0x10080] =	vst v63  }
0x3d: {  	s28 =	simm.s32 $0x7080  }
0x3e: {  	[tilespmem:s28], [sflag:$0x1] =	stream.indirect_vreg.gather [hbm4b:s5+s1], $0x80, v3, vm0, $0xb8;
	[tilespmem:$0x10080] =	vst v63  }
0x3f: {  	s29 =	simm.s32 $0x7880  }
0x40: {  	[tilespmem:s29], [sflag:$0x1] =	stream.indirect_vreg.gather [hbm4b:s6+s1], $0x80, v3, vm0, $0xb8;
	[tilespmem:$0x10080] =	vst v63  }
0x41: {  	v3 =	vld [tilespmem:$0x20];
	_ =	sdelay $0x4  }
0x42: {  	v50 =	vshll.u32 v3, $0x3  }
0x43: {  	v3 =	vand.u32 $0x7, v3;
	v4 =	vand.u32 $0xFFFFFFC0, v50  }
0x44: {  	v3 =	vor.u32 v3, v4  }
0x45: {  	v4 =	vperm.xlane v3, v0;
	_ =	sdelay $0x1  }
0x46: {  	v4 =	vadd.s32 v1, v4;
	_ =	sdelay $0x3  }
0x47: {  	s30 =	simm.s32 $0x8080  }
0x48: {  	[tilespmem:s30], [sflag:$0x1] =	stream.indirect_vreg.gather [hbm4b:s3+s1], $0x80, v4, vm0, $0xb8;
	[tilespmem:$0x10080] =	vst v63  }
0x49: {  	s16 =	simm.s32 $0x8880;
	v3 =	vperm.xlane v3, v2  }
0x4a: {  	[tilespmem:s16], [sflag:$0x1] =	stream.indirect_vreg.gather [hbm4b:s4+s1], $0x80, v4, vm0, $0xb8;
	[tilespmem:$0x10080] =	vst v63  }
0x4b: {  	s17 =	simm.s32 $0x9080;
	v3 =	vadd.s32 v1, v3  }
0x4c: {  	[tilespmem:s17], [sflag:$0x1] =	stream.indirect_vreg.gather [hbm4b:s5+s1], $0x80, v4, vm0, $0xb8;
	[tilespmem:$0x10080] =	vst v63  }
0x4d: {  	s19 =	simm.s32 $0x9880  }
0x4e: {  	[tilespmem:s19], [sflag:$0x1] =	stream.indirect_vreg.gather [hbm4b:s6+s1], $0x80, v4, vm0, $0xb8;
	[tilespmem:$0x10080] =	vst v63  }
0x4f: {  	s20 =	simm.s32 $0xA080  }
0x50: {  	[tilespmem:s20], [sflag:$0x1] =	stream.indirect_vreg.gather [hbm4b:s3+s1], $0x80, v3, vm0, $0xb8;
	[tilespmem:$0x10080] =	vst v63  }
0x51: {  	s21 =	simm.s32 $0xA880  }
0x52: {  	[tilespmem:s21], [sflag:$0x1] =	stream.indirect_vreg.gather [hbm4b:s4+s1], $0x80, v3, vm0, $0xb8;
	[tilespmem:$0x10080] =	vst v63  }
0x53: {  	s22 =	simm.s32 $0xB080  }
0x54: {  	[tilespmem:s22], [sflag:$0x1] =	stream.indirect_vreg.gather [hbm4b:s5+s1], $0x80, v3, vm0, $0xb8;
	[tilespmem:$0x10080] =	vst v63  }
0x55: {  	s24 =	simm.s32 $0xB880  }
0x56: {  	[tilespmem:s24], [sflag:$0x1] =	stream.indirect_vreg.gather [hbm4b:s6+s1], $0x80, v3, vm0, $0xb8;
	[tilespmem:$0x10080] =	vst v63  }
0x57: {  	v3 =	vld [tilespmem:$0x30];
	_ =	sdelay $0x4  }
0x58: {  	v51 =	vshll.u32 v3, $0x3  }
0x59: {  	v3 =	vand.u32 $0x7, v3;
	v4 =	vand.u32 $0xFFFFFFC0, v51  }
0x5a: {  	v3 =	vor.u32 v3, v4  }
0x5b: {  	v4 =	vperm.xlane v3, v0;
	_ =	sdelay $0x1  }
0x5c: {  	v4 =	vadd.s32 v1, v4;
	_ =	sdelay $0x3  }
0x5d: {  	s25 =	simm.s32 $0xC080  }
0x5e: {  	[tilespmem:s25], [sflag:$0x1] =	stream.indirect_vreg.gather [hbm4b:s3+s1], $0x80, v4, vm0, $0xb8;
	[tilespmem:$0x10080] =	vst v63  }
0x5f: {  	s26 =	simm.s32 $0xC880;
	v3 =	vperm.xlane v3, v2  }
0x60: {  	[tilespmem:s26], [sflag:$0x1] =	stream.indirect_vreg.gather [hbm4b:s4+s1], $0x80, v4, vm0, $0xb8;
	[tilespmem:$0x10080] =	vst v63  }
0x61: {  	s29 =	simm.s32 $0xD080;
	v3 =	vadd.s32 v1, v3  }
0x62: {  	[tilespmem:s29], [sflag:$0x1] =	stream.indirect_vreg.gather [hbm4b:s5+s1], $0x80, v4, vm0, $0xb8;
	[tilespmem:$0x10080] =	vst v63  }
0x63: {  	s0 =	simm.s32 $0xD880  }
0x64: {  	[tilespmem:s0], [sflag:$0x1] =	stream.indirect_vreg.gather [hbm4b:s6+s1], $0x80, v4, vm0, $0xb8;
	[tilespmem:$0x10080] =	vst v63  }
0x65: {  	s16 =	simm.s32 $0xE080  }
0x66: {  	[tilespmem:s16], [sflag:$0x1] =	stream.indirect_vreg.gather [hbm4b:s3+s1], $0x80, v3, vm0, $0xb8;
	[tilespmem:$0x10080] =	vst v63  }
0x67: {  	s17 =	simm.s32 $0xE880  }
0x68: {  	[tilespmem:s17], [sflag:$0x1] =	stream.indirect_vreg.gather [hbm4b:s4+s1], $0x80, v3, vm0, $0xb8;
	[tilespmem:$0x10080] =	vst v63  }
0x69: {  	s24 =	simm.s32 $0xF080  }
0x6a: {  	[tilespmem:s24], [sflag:$0x1] =	stream.indirect_vreg.gather [hbm4b:s5+s1], $0x80, v3, vm0, $0xb8;
	[tilespmem:$0x10080] =	vst v63  }
0x6b: {  	s25 =	simm.s32 $0xF880  }
0x6c: {  	[tilespmem:s25], [sflag:$0x1] =	stream.indirect_vreg.gather [hbm4b:s6+s1], $0x80, v3, vm0, $0xb8;
	[tilespmem:$0x10080] =	vst v63  }
0x6d: {  	_ =	swait.ge [sflag:s18], $0x10000  }
0x6e: {  	[sflag:s18] =	ssyncset.done $0x0  }
0x6f: {  	s0 =	rddreg [dreg:$0x3];
	[sflag:s18] =	ssyncadd.s32 $0xFFFF0000  }
0x70: {  	[hbm4b:s0+s1] =	stream.linear.scatter [tilespmem:s23], [sflag:$0x2], $0x10000, $0x38;
	[tilespmem:$0x10080] =	vst v63  }
0x71: {  	_ =	swait.ge [sflag:s8], $0x10000  }
0x72: {  	[sflag:s8] =	ssyncset.done $0x0  }
0x73: {  	s16 =	rddreg [dreg:$0x4];
	[sflag:s8] =	ssyncadd.s32 $0xFFFF0000  }
0x74: {  	[tilespmem:s1], [sflag:$0x2] =	stream.linear.gather [hbm4b:s16+s1], $0x40, $0x38;
	[tilespmem:$0x10080] =	vst v63  }
0x75: {  	_ =	swait.ge [sflag:s8], $0x40  }
0x76: {  	[sflag:s8] =	ssyncset.done $0x0  }
0x77: {  	[sflag:s8] =	ssyncadd.s32 $0xFFFFFFC0  }
0x78: {  	v3 =	vld [tilespmem:$0x0];
	_ =	sdelay $0x4  }
0x79: {  	v52 =	vshll.u32 v3, $0x3  }
0x7a: {  	v3 =	vand.u32 $0x7, v3;
	v4 =	vand.u32 $0xFFFFFFC0, v52  }
0x7b: {  	v3 =	vor.u32 v3, v4  }
0x7c: {  	v4 =	vperm.xlane v3, v0;
	_ =	sdelay $0x1  }
0x7d: {  	v4 =	vadd.s32 v1, v4;
	_ =	sdelay $0x4  }
0x7e: {  	[tilespmem:s23], [sflag:$0x1] =	stream.indirect_vreg.gather [hbm4b:s3+s1], $0x80, v4, vm0, $0xb8;
	[tilespmem:$0x10080] =	vst v63  }
0x7f: {  	s14 =	simm.s32 $0x880;
	v3 =	vperm.xlane v3, v2  }
0x80: {  	[tilespmem:s14], [sflag:$0x1] =	stream.indirect_vreg.gather [hbm4b:s4+s1], $0x80, v4, vm0, $0xb8;
	[tilespmem:$0x10080] =	vst v63  }
0x81: {  	s2 =	simm.s32 $0x1080;
	v3 =	vadd.s32 v1, v3  }
0x82: {  	[tilespmem:s2], [sflag:$0x1] =	stream.indirect_vreg.gather [hbm4b:s5+s1], $0x80, v4, vm0, $0xb8;
	[tilespmem:$0x10080] =	vst v63  }
0x83: {  	s9 =	simm.s32 $0x1880  }
0x84: {  	[tilespmem:s9], [sflag:$0x1] =	stream.indirect_vreg.gather [hbm4b:s6+s1], $0x80, v4, vm0, $0xb8;
	[tilespmem:$0x10080] =	vst v63  }
0x85: {  	s10 =	simm.s32 $0x2080  }
0x86: {  	[tilespmem:s10], [sflag:$0x1] =	stream.indirect_vreg.gather [hbm4b:s3+s1], $0x80, v3, vm0, $0xb8;
	[tilespmem:$0x10080] =	vst v63  }
0x87: {  	s11 =	simm.s32 $0x2880  }
0x88: {  	[tilespmem:s11], [sflag:$0x1] =	stream.indirect_vreg.gather [hbm4b:s4+s1], $0x80, v3, vm0, $0xb8;
	[tilespmem:$0x10080] =	vst v63  }
0x89: {  	s12 =	simm.s32 $0x3080  }
0x8a: {  	[tilespmem:s12], [sflag:$0x1] =	stream.indirect_vreg.gather [hbm4b:s5+s1], $0x80, v3, vm0, $0xb8;
	[tilespmem:$0x10080] =	vst v63  }
0x8b: {  	s15 =	simm.s32 $0x3880  }
0x8c: {  	[tilespmem:s15], [sflag:$0x1] =	stream.indirect_vreg.gather [hbm4b:s6+s1], $0x80, v3, vm0, $0xb8;
	[tilespmem:$0x10080] =	vst v63  }
0x8d: {  	v3 =	vld [tilespmem:$0x10];
	_ =	sdelay $0x4  }
0x8e: {  	v53 =	vshll.u32 v3, $0x3  }
0x8f: {  	v3 =	vand.u32 $0x7, v3;
	v4 =	vand.u32 $0xFFFFFFC0, v53  }
0x90: {  	v3 =	vor.u32 v3, v4  }
0x91: {  	v4 =	vperm.xlane v3, v0;
	_ =	sdelay $0x1  }
0x92: {  	v4 =	vadd.s32 v1, v4;
	_ =	sdelay $0x3  }
0x93: {  	s16 =	simm.s32 $0x4080  }
0x94: {  	[tilespmem:s16], [sflag:$0x1] =	stream.indirect_vreg.gather [hbm4b:s3+s1], $0x80, v4, vm0, $0xb8;
	[tilespmem:$0x10080] =	vst v63  }
0x95: {  	s31 =	simm.s32 $0x4880;
	v3 =	vperm.xlane v3, v2  }
0x96: {  	[tilespmem:s31], [sflag:$0x1] =	stream.indirect_vreg.gather [hbm4b:s4+s1], $0x80, v4, vm0, $0xb8;
	[tilespmem:$0x10080] =	vst v63  }
0x97: {  	s13 =	simm.s32 $0x5080;
	v3 =	vadd.s32 v1, v3  }
0x98: {  	[tilespmem:s13], [sflag:$0x1] =	stream.indirect_vreg.gather [hbm4b:s5+s1], $0x80, v4, vm0, $0xb8;
	[tilespmem:$0x10080] =	vst v63  }
0x99: {  	s31 =	simm.s32 $0x5880  }
0x9a: {  	[tilespmem:s31], [sflag:$0x1] =	stream.indirect_vreg.gather [hbm4b:s6+s1], $0x80, v4, vm0, $0xb8;
	[tilespmem:$0x10080] =	vst v63  }
0x9b: {  	s0 =	simm.s32 $0x6080  }
0x9c: {  	[tilespmem:s0], [sflag:$0x1] =	stream.indirect_vreg.gather [hbm4b:s3+s1], $0x80, v3, vm0, $0xb8;
	[tilespmem:$0x10080] =	vst v63  }
0x9d: {  	s2 =	simm.s32 $0x6880  }
0x9e: {  	[tilespmem:s2], [sflag:$0x1] =	stream.indirect_vreg.gather [hbm4b:s4+s1], $0x80, v3, vm0, $0xb8;
	[tilespmem:$0x10080] =	vst v63  }
0x9f: {  	s9 =	simm.s32 $0x7080  }
0xa0: {  	[tilespmem:s9], [sflag:$0x1] =	stream.indirect_vreg.gather [hbm4b:s5+s1], $0x80, v3, vm0, $0xb8;
	[tilespmem:$0x10080] =	vst v63  }
0xa1: {  	s13 =	simm.s32 $0x7880  }
0xa2: {  	[tilespmem:s13], [sflag:$0x1] =	stream.indirect_vreg.gather [hbm4b:s6+s1], $0x80, v3, vm0, $0xb8;
	[tilespmem:$0x10080] =	vst v63  }
0xa3: {  	v3 =	vld [tilespmem:$0x20];
	_ =	sdelay $0x4  }
0xa4: {  	v54 =	vshll.u32 v3, $0x3  }
0xa5: {  	v3 =	vand.u32 $0x7, v3;
	v4 =	vand.u32 $0xFFFFFFC0, v54  }
0xa6: {  	v3 =	vor.u32 v3, v4  }
0xa7: {  	v4 =	vperm.xlane v3, v0;
	_ =	sdelay $0x1  }
0xa8: {  	v4 =	vadd.s32 v1, v4;
	_ =	sdelay $0x3  }
0xa9: {  	s14 =	simm.s32 $0x8080  }
0xaa: {  	[tilespmem:s14], [sflag:$0x1] =	stream.indirect_vreg.gather [hbm4b:s3+s1], $0x80, v4, vm0, $0xb8;
	[tilespmem:$0x10080] =	vst v63  }
0xab: {  	s15 =	simm.s32 $0x8880;
	v3 =	vperm.xlane v3, v2  }
0xac: {  	[tilespmem:s15], [sflag:$0x1] =	stream.indirect_vreg.gather [hbm4b:s4+s1], $0x80, v4, vm0, $0xb8;
	[tilespmem:$0x10080] =	vst v63  }
0xad: {  	s10 =	simm.s32 $0x9080;
	v3 =	vadd.s32 v1, v3  }
0xae: {  	[tilespmem:s10], [sflag:$0x1] =	stream.indirect_vreg.gather [hbm4b:s5+s1], $0x80, v4, vm0, $0xb8;
	[tilespmem:$0x10080] =	vst v63  }
0xaf: {  	s11 =	simm.s32 $0x9880  }
0xb0: {  	[tilespmem:s11], [sflag:$0x1] =	stream.indirect_vreg.gather [hbm4b:s6+s1], $0x80, v4, vm0, $0xb8;
	[tilespmem:$0x10080] =	vst v63  }
0xb1: {  	s12 =	simm.s32 $0xA080  }
0xb2: {  	[tilespmem:s12], [sflag:$0x1] =	stream.indirect_vreg.gather [hbm4b:s3+s1], $0x80, v3, vm0, $0xb8;
	[tilespmem:$0x10080] =	vst v63  }
0xb3: {  	s30 =	simm.s32 $0xA880  }
0xb4: {  	[tilespmem:s30], [sflag:$0x1] =	stream.indirect_vreg.gather [hbm4b:s4+s1], $0x80, v3, vm0, $0xb8;
	[tilespmem:$0x10080] =	vst v63  }
0xb5: {  	s28 =	simm.s32 $0xB080  }
0xb6: {  	[tilespmem:s28], [sflag:$0x1] =	stream.indirect_vreg.gather [hbm4b:s5+s1], $0x80, v3, vm0, $0xb8;
	[tilespmem:$0x10080] =	vst v63  }
0xb7: {  	s20 =	simm.s32 $0xB880  }
0xb8: {  	[tilespmem:s20], [sflag:$0x1] =	stream.indirect_vreg.gather [hbm4b:s6+s1], $0x80, v3, vm0, $0xb8;
	[tilespmem:$0x10080] =	vst v63  }
0xb9: {  	v3 =	vld [tilespmem:$0x30];
	_ =	sdelay $0x4  }
0xba: {  	v55 =	vshll.u32 v3, $0x3  }
0xbb: {  	v3 =	vand.u32 $0x7, v3;
	v4 =	vand.u32 $0xFFFFFFC0, v55  }
0xbc: {  	v3 =	vor.u32 v3, v4  }
0xbd: {  	v4 =	vperm.xlane v3, v0;
	_ =	sdelay $0x1  }
0xbe: {  	v4 =	vadd.s32 v1, v4;
	_ =	sdelay $0x3  }
0xbf: {  	s21 =	simm.s32 $0xC080  }
0xc0: {  	[tilespmem:s21], [sflag:$0x1] =	stream.indirect_vreg.gather [hbm4b:s3+s1], $0x80, v4, vm0, $0xb8;
	[tilespmem:$0x10080] =	vst v63  }
0xc1: {  	s22 =	simm.s32 $0xC880;
	v3 =	vperm.xlane v3, v2  }
0xc2: {  	[tilespmem:s22], [sflag:$0x1] =	stream.indirect_vreg.gather [hbm4b:s4+s1], $0x80, v4, vm0, $0xb8;
	[tilespmem:$0x10080] =	vst v63  }
0xc3: {  	v3 =	vadd.s32 v1, v3;
	s22 =	simm.s32 $0xD080  }
0xc4: {  	[tilespmem:s22], [sflag:$0x1] =	stream.indirect_vreg.gather [hbm4b:s5+s1], $0x80, v4, vm0, $0xb8;
	[tilespmem:$0x10080] =	vst v63  }
0xc5: {  	s26 =	simm.s32 $0xD880  }
0xc6: {  	[tilespmem:s26], [sflag:$0x1] =	stream.indirect_vreg.gather [hbm4b:s6+s1], $0x80, v4, vm0, $0xb8;
	[tilespmem:$0x10080] =	vst v63  }
0xc7: {  	s29 =	simm.s32 $0xE080  }
0xc8: {  	[tilespmem:s29], [sflag:$0x1] =	stream.indirect_vreg.gather [hbm4b:s3+s1], $0x80, v3, vm0, $0xb8;
	[tilespmem:$0x10080] =	vst v63  }
0xc9: {  	s26 =	simm.s32 $0xE880  }
0xca: {  	[tilespmem:s26], [sflag:$0x1] =	stream.indirect_vreg.gather [hbm4b:s4+s1], $0x80, v3, vm0, $0xb8;
	[tilespmem:$0x10080] =	vst v63  }
0xcb: {  	s30 =	simm.s32 $0xF080  }
0xcc: {  	[tilespmem:s30], [sflag:$0x1] =	stream.indirect_vreg.gather [hbm4b:s5+s1], $0x80, v3, vm0, $0xb8;
	[tilespmem:$0x10080] =	vst v63  }
0xcd: {  	s17 =	simm.s32 $0xF880  }
0xce: {  	[tilespmem:s17], [sflag:$0x1] =	stream.indirect_vreg.gather [hbm4b:s6+s1], $0x80, v3, vm0, $0xb8;
	[tilespmem:$0x10080] =	vst v63  }
0xcf: {  	_ =	swait.ge [sflag:s18], $0x10000  }
0xd0: {  	[sflag:s18] =	ssyncset.done $0x0  }
0xd1: {  	s21 =	rddreg [dreg:$0x5];
	[sflag:s18] =	ssyncadd.s32 $0xFFFF0000  }
0xd2: {  	[hbm4b:s21+s1] =	stream.linear.scatter [tilespmem:s23], [sflag:$0x2], $0x10000, $0x38;
	[tilespmem:$0x10080] =	vst v63  }
0xd3: {  	_ =	swait.ge [sflag:s8], $0x10000  }
0xd4: {  	[sflag:s8] =	ssyncset.done $0x0  }
0xd5: {  	s17 =	rddreg [dreg:$0x6];
	[sflag:s8] =	ssyncadd.s32 $0xFFFF0000  }
0xd6: {  	[tilespmem:s1], [sflag:$0x2] =	stream.linear.gather [hbm4b:s17+s1], $0x40, $0x38;
	[tilespmem:$0x10080] =	vst v63  }
0xd7: {  	_ =	swait.ge [sflag:s8], $0x40  }
0xd8: {  	[sflag:s8] =	ssyncset.done $0x0  }
0xd9: {  	[sflag:s8] =	ssyncadd.s32 $0xFFFFFFC0  }
0xda: {  	v3 =	vld [tilespmem:$0x0];
	_ =	sdelay $0x4  }
0xdb: {  	v56 =	vshll.u32 v3, $0x3  }
0xdc: {  	v3 =	vand.u32 $0x7, v3;
	v4 =	vand.u32 $0xFFFFFFC0, v56  }
0xdd: {  	v3 =	vor.u32 v3, v4  }
0xde: {  	v4 =	vperm.xlane v3, v0;
	_ =	sdelay $0x1  }
0xdf: {  	v4 =	vadd.s32 v1, v4;
	_ =	sdelay $0x4  }
0xe0: {  	[tilespmem:s23], [sflag:$0x1] =	stream.indirect_vreg.gather [hbm4b:s3+s1], $0x80, v4, vm0, $0xb8;
	[tilespmem:$0x10080] =	vst v63  }
0xe1: {  	s21 =	simm.s32 $0x880;
	v3 =	vperm.xlane v3, v2  }
0xe2: {  	[tilespmem:s21], [sflag:$0x1] =	stream.indirect_vreg.gather [hbm4b:s4+s1], $0x80, v4, vm0, $0xb8;
	[tilespmem:$0x10080] =	vst v63  }
0xe3: {  	s25 =	simm.s32 $0x1080;
	v3 =	vadd.s32 v1, v3  }
0xe4: {  	[tilespmem:s25], [sflag:$0x1] =	stream.indirect_vreg.gather [hbm4b:s5+s1], $0x80, v4, vm0, $0xb8;
	[tilespmem:$0x10080] =	vst v63  }
0xe5: {  	s25 =	simm.s32 $0x1880  }
0xe6: {  	[tilespmem:s25], [sflag:$0x1] =	stream.indirect_vreg.gather [hbm4b:s6+s1], $0x80, v4, vm0, $0xb8;
	[tilespmem:$0x10080] =	vst v63  }
0xe7: {  	s19 =	simm.s32 $0x2080  }
0xe8: {  	[tilespmem:s19], [sflag:$0x1] =	stream.indirect_vreg.gather [hbm4b:s3+s1], $0x80, v3, vm0, $0xb8;
	[tilespmem:$0x10080] =	vst v63  }
0xe9: {  	s25 =	simm.s32 $0x2880  }
0xea: {  	[tilespmem:s25], [sflag:$0x1] =	stream.indirect_vreg.gather [hbm4b:s4+s1], $0x80, v3, vm0, $0xb8;
	[tilespmem:$0x10080] =	vst v63  }
0xeb: {  	s19 =	simm.s32 $0x3080  }
0xec: {  	[tilespmem:s19], [sflag:$0x1] =	stream.indirect_vreg.gather [hbm4b:s5+s1], $0x80, v3, vm0, $0xb8;
	[tilespmem:$0x10080] =	vst v63  }
0xed: {  	s25 =	simm.s32 $0x3880  }
0xee: {  	[tilespmem:s25], [sflag:$0x1] =	stream.indirect_vreg.gather [hbm4b:s6+s1], $0x80, v3, vm0, $0xb8;
	[tilespmem:$0x10080] =	vst v63  }
0xef: {  	v3 =	vld [tilespmem:$0x10];
	_ =	sdelay $0x4  }
0xf0: {  	v57 =	vshll.u32 v3, $0x3  }
0xf1: {  	v3 =	vand.u32 $0x7, v3;
	v4 =	vand.u32 $0xFFFFFFC0, v57  }
0xf2: {  	v3 =	vor.u32 v3, v4  }
0xf3: {  	v4 =	vperm.xlane v3, v0;
	_ =	sdelay $0x1  }
0xf4: {  	v4 =	vadd.s32 v1, v4;
	_ =	sdelay $0x4  }
0xf5: {  	[tilespmem:s16], [sflag:$0x1] =	stream.indirect_vreg.gather [hbm4b:s3+s1], $0x80, v4, vm0, $0xb8;
	[tilespmem:$0x10080] =	vst v63  }
0xf6: {  	s19 =	simm.s32 $0x4880;
	v3 =	vperm.xlane v3, v2  }
0xf7: {  	[tilespmem:s19], [sflag:$0x1] =	stream.indirect_vreg.gather [hbm4b:s4+s1], $0x80, v4, vm0, $0xb8;
	[tilespmem:$0x10080] =	vst v63  }
0xf8: {  	s25 =	simm.s32 $0x5080;
	v3 =	vadd.s32 v1, v3  }
0xf9: {  	[tilespmem:s25], [sflag:$0x1] =	stream.indirect_vreg.gather [hbm4b:s5+s1], $0x80, v4, vm0, $0xb8;
	[tilespmem:$0x10080] =	vst v63  }
0xfa: {  	_ = 	snop  }
0xfb: {  	[tilespmem:s31], [sflag:$0x1] =	stream.indirect_vreg.gather [hbm4b:s6+s1], $0x80, v4, vm0, $0xb8;
	[tilespmem:$0x10080] =	vst v63  }
0xfc: {  	_ = 	snop  }
0xfd: {  	[tilespmem:s0], [sflag:$0x1] =	stream.indirect_vreg.gather [hbm4b:s3+s1], $0x80, v3, vm0, $0xb8;
	[tilespmem:$0x10080] =	vst v63  }
0xfe: {  	_ = 	snop  }
0xff: {  	[tilespmem:s2], [sflag:$0x1] =	stream.indirect_vreg.gather [hbm4b:s4+s1], $0x80, v3, vm0, $0xb8;
	[tilespmem:$0x10080] =	vst v63  }
0x100: {  	_ = 	snop  }
0x101: {  	[tilespmem:s9], [sflag:$0x1] =	stream.indirect_vreg.gather [hbm4b:s5+s1], $0x80, v3, vm0, $0xb8;
	[tilespmem:$0x10080] =	vst v63  }
0x102: {  	_ = 	snop  }
0x103: {  	[tilespmem:s13], [sflag:$0x1] =	stream.indirect_vreg.gather [hbm4b:s6+s1], $0x80, v3, vm0, $0xb8;
	[tilespmem:$0x10080] =	vst v63  }
0x104: {  	v3 =	vld [tilespmem:$0x20];
	_ =	sdelay $0x4  }
0x105: {  	v58 =	vshll.u32 v3, $0x3  }
0x106: {  	v3 =	vand.u32 $0x7, v3;
	v4 =	vand.u32 $0xFFFFFFC0, v58  }
0x107: {  	v3 =	vor.u32 v3, v4  }
0x108: {  	v4 =	vperm.xlane v3, v0;
	_ =	sdelay $0x1  }
0x109: {  	v4 =	vadd.s32 v1, v4;
	_ =	sdelay $0x4  }
0x10a: {  	[tilespmem:s14], [sflag:$0x1] =	stream.indirect_vreg.gather [hbm4b:s3+s1], $0x80, v4, vm0, $0xb8;
	[tilespmem:$0x10080] =	vst v63  }
0x10b: {  	v3 =	vperm.xlane v3, v2  }
0x10c: {  	[tilespmem:s15], [sflag:$0x1] =	stream.indirect_vreg.gather [hbm4b:s4+s1], $0x80, v4, vm0, $0xb8;
	[tilespmem:$0x10080] =	vst v63  }
0x10d: {  	v3 =	vadd.s32 v1, v3  }
0x10e: {  	[tilespmem:s10], [sflag:$0x1] =	stream.indirect_vreg.gather [hbm4b:s5+s1], $0x80, v4, vm0, $0xb8;
	[tilespmem:$0x10080] =	vst v63  }
0x10f: {  	_ = 	snop  }
0x110: {  	[tilespmem:s11], [sflag:$0x1] =	stream.indirect_vreg.gather [hbm4b:s6+s1], $0x80, v4, vm0, $0xb8;
	[tilespmem:$0x10080] =	vst v63  }
0x111: {  	_ = 	snop  }
0x112: {  	[tilespmem:s12], [sflag:$0x1] =	stream.indirect_vreg.gather [hbm4b:s3+s1], $0x80, v3, vm0, $0xb8;
	[tilespmem:$0x10080] =	vst v63  }
0x113: {  	s24 =	simm.s32 $0xA880  }
0x114: {  	[tilespmem:s24], [sflag:$0x1] =	stream.indirect_vreg.gather [hbm4b:s4+s1], $0x80, v3, vm0, $0xb8;
	[tilespmem:$0x10080] =	vst v63  }
0x115: {  	s28 =	simm.s32 $0xB080  }
0x116: {  	[tilespmem:s28], [sflag:$0x1] =	stream.indirect_vreg.gather [hbm4b:s5+s1], $0x80, v3, vm0, $0xb8;
	[tilespmem:$0x10080] =	vst v63  }
0x117: {  	s28 =	simm.s32 $0xB880  }
0x118: {  	[tilespmem:s28], [sflag:$0x1] =	stream.indirect_vreg.gather [hbm4b:s6+s1], $0x80, v3, vm0, $0xb8;
	[tilespmem:$0x10080] =	vst v63  }
0x119: {  	v3 =	vld [tilespmem:$0x30];
	_ =	sdelay $0x4  }
0x11a: {  	v59 =	vshll.u32 v3, $0x3  }
0x11b: {  	v3 =	vand.u32 $0x7, v3;
	v4 =	vand.u32 $0xFFFFFFC0, v59  }
0x11c: {  	v3 =	vor.u32 v3, v4  }
0x11d: {  	v4 =	vperm.xlane v3, v0;
	_ =	sdelay $0x1  }
0x11e: {  	v4 =	vadd.s32 v1, v4;
	_ =	sdelay $0x3  }
0x11f: {  	s24 =	simm.s32 $0xC080  }
0x120: {  	[tilespmem:s24], [sflag:$0x1] =	stream.indirect_vreg.gather [hbm4b:s3+s1], $0x80, v4, vm0, $0xb8;
	[tilespmem:$0x10080] =	vst v63  }
0x121: {  	s25 =	simm.s32 $0xC880;
	v3 =	vperm.xlane v3, v2  }
0x122: {  	[tilespmem:s25], [sflag:$0x1] =	stream.indirect_vreg.gather [hbm4b:s4+s1], $0x80, v4, vm0, $0xb8;
	[tilespmem:$0x10080] =	vst v63  }
0x123: {  	s20 =	simm.s32 $0xD080;
	v3 =	vadd.s32 v1, v3  }
0x124: {  	[tilespmem:s20], [sflag:$0x1] =	stream.indirect_vreg.gather [hbm4b:s5+s1], $0x80, v4, vm0, $0xb8;
	[tilespmem:$0x10080] =	vst v63  }
0x125: {  	s22 =	simm.s32 $0xD880  }
0x126: {  	[tilespmem:s22], [sflag:$0x1] =	stream.indirect_vreg.gather [hbm4b:s6+s1], $0x80, v4, vm0, $0xb8;
	[tilespmem:$0x10080] =	vst v63  }
0x127: {  	s29 =	simm.s32 $0xE080  }
0x128: {  	[tilespmem:s29], [sflag:$0x1] =	stream.indirect_vreg.gather [hbm4b:s3+s1], $0x80, v3, vm0, $0xb8;
	[tilespmem:$0x10080] =	vst v63  }
0x129: {  	s26 =	simm.s32 $0xE880  }
0x12a: {  	[tilespmem:s26], [sflag:$0x1] =	stream.indirect_vreg.gather [hbm4b:s4+s1], $0x80, v3, vm0, $0xb8;
	[tilespmem:$0x10080] =	vst v63  }
0x12b: {  	s30 =	simm.s32 $0xF080  }
0x12c: {  	[tilespmem:s30], [sflag:$0x1] =	stream.indirect_vreg.gather [hbm4b:s5+s1], $0x80, v3, vm0, $0xb8;
	[tilespmem:$0x10080] =	vst v63  }
0x12d: {  	s26 =	simm.s32 $0xF880  }
0x12e: {  	[tilespmem:s26], [sflag:$0x1] =	stream.indirect_vreg.gather [hbm4b:s6+s1], $0x80, v3, vm0, $0xb8;
	[tilespmem:$0x10080] =	vst v63  }
0x12f: {  	_ =	swait.ge [sflag:s18], $0x10000  }
0x130: {  	[sflag:s18] =	ssyncset.done $0x0  }
0x131: {  	s29 =	rddreg [dreg:$0x7];
	[sflag:s18] =	ssyncadd.s32 $0xFFFF0000  }
0x132: {  	[hbm4b:s29+s1] =	stream.linear.scatter [tilespmem:s23], [sflag:$0x2], $0x10000, $0x38;
	[tilespmem:$0x10080] =	vst v63  }
0x133: {  	_ =	swait.ge [sflag:s8], $0x10000  }
0x134: {  	[sflag:s8] =	ssyncset.done $0x0  }
0x135: {  	s30 =	rddreg [dreg:$0x8];
	[sflag:s8] =	ssyncadd.s32 $0xFFFF0000  }
0x136: {  	[tilespmem:s1], [sflag:$0x2] =	stream.linear.gather [hbm4b:s30+s1], $0x40, $0x38;
	[tilespmem:$0x10080] =	vst v63  }
0x137: {  	_ =	swait.ge [sflag:s8], $0x40  }
0x138: {  	[sflag:s8] =	ssyncset.done $0x0  }
0x139: {  	[sflag:s8] =	ssyncadd.s32 $0xFFFFFFC0  }
0x13a: {  	v3 =	vld [tilespmem:$0x0];
	_ =	sdelay $0x4  }
0x13b: {  	v60 =	vshll.u32 v3, $0x3  }
0x13c: {  	v3 =	vand.u32 $0x7, v3;
	v4 =	vand.u32 $0xFFFFFFC0, v60  }
0x13d: {  	v3 =	vor.u32 v3, v4  }
0x13e: {  	v4 =	vperm.xlane v3, v0;
	_ =	sdelay $0x1  }
0x13f: {  	v4 =	vadd.s32 v1, v4;
	_ =	sdelay $0x4  }
0x140: {  	[tilespmem:s23], [sflag:$0x1] =	stream.indirect_vreg.gather [hbm4b:s3+s1], $0x80, v4, vm0, $0xb8;
	[tilespmem:$0x10080] =	vst v63  }
0x141: {  	s29 =	simm.s32 $0x880;
	v3 =	vperm.xlane v3, v2  }
0x142: {  	[tilespmem:s29], [sflag:$0x1] =	stream.indirect_vreg.gather [hbm4b:s4+s1], $0x80, v4, vm0, $0xb8;
	[tilespmem:$0x10080] =	vst v63  }
0x143: {  	s21 =	simm.s32 $0x1080;
	v3 =	vadd.s32 v1, v3  }
0x144: {  	[tilespmem:s21], [sflag:$0x1] =	stream.indirect_vreg.gather [hbm4b:s5+s1], $0x80, v4, vm0, $0xb8;
	[tilespmem:$0x10080] =	vst v63  }
0x145: {  	s30 =	simm.s32 $0x1880  }
0x146: {  	[tilespmem:s30], [sflag:$0x1] =	stream.indirect_vreg.gather [hbm4b:s6+s1], $0x80, v4, vm0, $0xb8;
	[tilespmem:$0x10080] =	vst v63  }
0x147: {  	s21 =	simm.s32 $0x2080  }
0x148: {  	[tilespmem:s21], [sflag:$0x1] =	stream.indirect_vreg.gather [hbm4b:s3+s1], $0x80, v3, vm0, $0xb8;
	[tilespmem:$0x10080] =	vst v63  }
0x149: {  	s29 =	simm.s32 $0x2880  }
0x14a: {  	[tilespmem:s29], [sflag:$0x1] =	stream.indirect_vreg.gather [hbm4b:s4+s1], $0x80, v3, vm0, $0xb8;
	[tilespmem:$0x10080] =	vst v63  }
0x14b: {  	s30 =	simm.s32 $0x3080  }
0x14c: {  	[tilespmem:s30], [sflag:$0x1] =	stream.indirect_vreg.gather [hbm4b:s5+s1], $0x80, v3, vm0, $0xb8;
	[tilespmem:$0x10080] =	vst v63  }
0x14d: {  	s21 =	simm.s32 $0x3880  }
0x14e: {  	[tilespmem:s21], [sflag:$0x1] =	stream.indirect_vreg.gather [hbm4b:s6+s1], $0x80, v3, vm0, $0xb8;
	[tilespmem:$0x10080] =	vst v63  }
0x14f: {  	v3 =	vld [tilespmem:$0x10];
	_ =	sdelay $0x4  }
0x150: {  	v61 =	vshll.u32 v3, $0x3  }
0x151: {  	v3 =	vand.u32 $0x7, v3;
	v4 =	vand.u32 $0xFFFFFFC0, v61  }
0x152: {  	v3 =	vor.u32 v3, v4  }
0x153: {  	v4 =	vperm.xlane v3, v0;
	_ =	sdelay $0x1  }
0x154: {  	v4 =	vadd.s32 v1, v4;
	_ =	sdelay $0x3  }
0x155: {  	s16 =	simm.s32 $0x4080  }
0x156: {  	[tilespmem:s16], [sflag:$0x1] =	stream.indirect_vreg.gather [hbm4b:s3+s1], $0x80, v4, vm0, $0xb8;
	[tilespmem:$0x10080] =	vst v63  }
0x157: {  	s29 =	simm.s32 $0x4880;
	v3 =	vperm.xlane v3, v2  }
0x158: {  	[tilespmem:s29], [sflag:$0x1] =	stream.indirect_vreg.gather [hbm4b:s4+s1], $0x80, v4, vm0, $0xb8;
	[tilespmem:$0x10080] =	vst v63  }
0x159: {  	s30 =	simm.s32 $0x5080;
	v3 =	vadd.s32 v1, v3  }
0x15a: {  	[tilespmem:s30], [sflag:$0x1] =	stream.indirect_vreg.gather [hbm4b:s5+s1], $0x80, v4, vm0, $0xb8;
	[tilespmem:$0x10080] =	vst v63  }
0x15b: {  	s17 =	simm.s32 $0x5880  }
0x15c: {  	[tilespmem:s17], [sflag:$0x1] =	stream.indirect_vreg.gather [hbm4b:s6+s1], $0x80, v4, vm0, $0xb8;
	[tilespmem:$0x10080] =	vst v63  }
0x15d: {  	s0 =	simm.s32 $0x6080  }
0x15e: {  	[tilespmem:s0], [sflag:$0x1] =	stream.indirect_vreg.gather [hbm4b:s3+s1], $0x80, v3, vm0, $0xb8;
	[tilespmem:$0x10080] =	vst v63  }
0x15f: {  	s2 =	simm.s32 $0x6880  }
0x160: {  	[tilespmem:s2], [sflag:$0x1] =	stream.indirect_vreg.gather [hbm4b:s4+s1], $0x80, v3, vm0, $0xb8;
	[tilespmem:$0x10080] =	vst v63  }
0x161: {  	s9 =	simm.s32 $0x7080  }
0x162: {  	[tilespmem:s9], [sflag:$0x1] =	stream.indirect_vreg.gather [hbm4b:s5+s1], $0x80, v3, vm0, $0xb8;
	[tilespmem:$0x10080] =	vst v63  }
0x163: {  	s13 =	simm.s32 $0x7880  }
0x164: {  	[tilespmem:s13], [sflag:$0x1] =	stream.indirect_vreg.gather [hbm4b:s6+s1], $0x80, v3, vm0, $0xb8;
	[tilespmem:$0x10080] =	vst v63  }
0x165: {  	v3 =	vld [tilespmem:$0x20];
	_ =	sdelay $0x4  }
0x166: {  	v62 =	vshll.u32 v3, $0x3  }
0x167: {  	v3 =	vand.u32 $0x7, v3;
	v4 =	vand.u32 $0xFFFFFFC0, v62  }
0x168: {  	v3 =	vor.u32 v3, v4  }
0x169: {  	v4 =	vperm.xlane v3, v0;
	_ =	sdelay $0x1  }
0x16a: {  	v4 =	vadd.s32 v1, v4;
	_ =	sdelay $0x3  }
0x16b: {  	s14 =	simm.s32 $0x8080  }
0x16c: {  	[tilespmem:s14], [sflag:$0x1] =	stream.indirect_vreg.gather [hbm4b:s3+s1], $0x80, v4, vm0, $0xb8;
	[tilespmem:$0x10080] =	vst v63  }
0x16d: {  	s15 =	simm.s32 $0x8880;
	v3 =	vperm.xlane v3, v2  }
0x16e: {  	[tilespmem:s15], [sflag:$0x1] =	stream.indirect_vreg.gather [hbm4b:s4+s1], $0x80, v4, vm0, $0xb8;
	[tilespmem:$0x10080] =	vst v63  }
0x16f: {  	s10 =	simm.s32 $0x9080;
	v3 =	vadd.s32 v1, v3  }
0x170: {  	[tilespmem:s10], [sflag:$0x1] =	stream.indirect_vreg.gather [hbm4b:s5+s1], $0x80, v4, vm0, $0xb8;
	[tilespmem:$0x10080] =	vst v63  }
0x171: {  	s11 =	simm.s32 $0x9880  }
0x172: {  	[tilespmem:s11], [sflag:$0x1] =	stream.indirect_vreg.gather [hbm4b:s6+s1], $0x80, v4, vm0, $0xb8;
	[tilespmem:$0x10080] =	vst v63  }
0x173: {  	s12 =	simm.s32 $0xA080  }
0x174: {  	[tilespmem:s12], [sflag:$0x1] =	stream.indirect_vreg.gather [hbm4b:s3+s1], $0x80, v3, vm0, $0xb8;
	[tilespmem:$0x10080] =	vst v63  }
0x175: {  	s31 =	simm.s32 $0xA880  }
0x176: {  	[tilespmem:s31], [sflag:$0x1] =	stream.indirect_vreg.gather [hbm4b:s4+s1], $0x80, v3, vm0, $0xb8;
	[tilespmem:$0x10080] =	vst v63  }
0x177: {  	s19 =	simm.s32 $0xB080  }
0x178: {  	[tilespmem:s19], [sflag:$0x1] =	stream.indirect_vreg.gather [hbm4b:s5+s1], $0x80, v3, vm0, $0xb8;
	[tilespmem:$0x10080] =	vst v63  }
0x179: {  	s21 =	simm.s32 $0xB880  }
0x17a: {  	[tilespmem:s21], [sflag:$0x1] =	stream.indirect_vreg.gather [hbm4b:s6+s1], $0x80, v3, vm0, $0xb8;
	[tilespmem:$0x10080] =	vst v63  }
0x17b: {  	v3 =	vld [tilespmem:$0x30];
	_ =	sdelay $0x4  }
0x17c: {  	v63 =	vshll.u32 v3, $0x3  }
0x17d: {  	v3 =	vand.u32 $0x7, v3;
	v4 =	vand.u32 $0xFFFFFFC0, v63  }
0x17e: {  	v3 =	vor.u32 v3, v4  }
0x17f: {  	v4 =	vperm.xlane v3, v0;
	_ =	sdelay $0x1  }
0x180: {  	v4 =	vadd.s32 v1, v4;
	_ =	sdelay $0x3  }
0x181: {  	s29 =	simm.s32 $0xC080  }
0x182: {  	[tilespmem:s29], [sflag:$0x1] =	stream.indirect_vreg.gather [hbm4b:s3+s1], $0x80, v4, vm0, $0xb8;
	[tilespmem:$0x10080] =	vst v63  }
0x183: {  	s30 =	simm.s32 $0xC880;
	v3 =	vperm.xlane v3, v2  }
0x184: {  	[tilespmem:s30], [sflag:$0x1] =	stream.indirect_vreg.gather [hbm4b:s4+s1], $0x80, v4, vm0, $0xb8;
	[tilespmem:$0x10080] =	vst v63  }
0x185: {  	s28 =	simm.s32 $0xD080;
	v3 =	vadd.s32 v1, v3  }
0x186: {  	[tilespmem:s28], [sflag:$0x1] =	stream.indirect_vreg.gather [hbm4b:s5+s1], $0x80, v4, vm0, $0xb8;
	[tilespmem:$0x10080] =	vst v63  }
0x187: {  	s20 =	simm.s32 $0xD880  }
0x188: {  	[tilespmem:s20], [sflag:$0x1] =	stream.indirect_vreg.gather [hbm4b:s6+s1], $0x80, v4, vm0, $0xb8;
	[tilespmem:$0x10080] =	vst v63  }
0x189: {  	s24 =	simm.s32 $0xE080  }
0x18a: {  	[tilespmem:s24], [sflag:$0x1] =	stream.indirect_vreg.gather [hbm4b:s3+s1], $0x80, v3, vm0, $0xb8;
	[tilespmem:$0x10080] =	vst v63  }
0x18b: {  	s22 =	simm.s32 $0xE880  }
0x18c: {  	[tilespmem:s22], [sflag:$0x1] =	stream.indirect_vreg.gather [hbm4b:s4+s1], $0x80, v3, vm0, $0xb8;
	[tilespmem:$0x10080] =	vst v63  }
0x18d: {  	s25 =	simm.s32 $0xF080  }
0x18e: {  	[tilespmem:s25], [sflag:$0x1] =	stream.indirect_vreg.gather [hbm4b:s5+s1], $0x80, v3, vm0, $0xb8;
	[tilespmem:$0x10080] =	vst v63  }
0x18f: {  	s26 =	simm.s32 $0xF880  }
0x190: {  	[tilespmem:s26], [sflag:$0x1] =	stream.indirect_vreg.gather [hbm4b:s6+s1], $0x80, v3, vm0, $0xb8;
	[tilespmem:$0x10080] =	vst v63  }
0x191: {  	_ =	swait.ge [sflag:s18], $0x10000  }
0x192: {  	p0 =	sne.s32 s7, $0x1;
	[sflag:s18] =	ssyncset.done $0x0  }
.Ltmp0:
0x193: {  	s31 =	rddreg [dreg:$0x9];
	[sflag:s18] =	ssyncadd.s32 $0xFFFF0000;
	(pc) =	sbr.rel @p0 .LBB2_1-.Ltmp0, $4  }
0x194: {  	[hbm4b:s31+s1] =	stream.linear.scatter [tilespmem:s23], [sflag:$0x2], $0x10000, $0x38;
	[tilespmem:$0x10080] =	vst v63  }
0x195: {  	_ =	swait.ge [sflag:s8], $0x10000  }
0x196: {  	[sflag:s8] =	ssyncset.done $0x0  }
0x197: {  	s7 =	sadd.s32 $0xFFFFFFFF, s7;
	[sflag:s8] =	ssyncadd.s32 $0xFFFF0000  }
0x198: {  	_ =	sfence.sel $0x180000  }
0x199: {  	[bflag:$0x0] =	sbarrier.arrive $0xFFFF  }
0x19a: {  	_ =	strace $0x90000050  }
0x19b: {  	s0 =	stileid.u32;
	[bflag:$0x2] =	sbarrier.arrive $0xFFFF  }
0x19c: {  	p0 =	sne.s32 s0, $0x0;
	s0 =	rddreg [dreg:$0x1]  }
0x19d: {  	s0 =	sadd.s32 @!p0 $0x100000, s0  }
0x19e: {  	[sflag:s0] =	ssyncadd.tile.s32 @!p0 $0x1;
	_ =	shalt  }
.Lfunc_end2:
_tile_overlayer_lowered:
.L_overlay_start_2:
0x19f: {  	(tag) =	ssettag $0x2  }
0x1a0: {  	s0 =	rddreg [dreg:$0x0];
	s2 =	stileid.u32  }
0x1a1: {  	s1 =	rddreg [dreg:$0x1];
	p0 =	sne.s32 s2, $0x0  }
0x1a2: {  	s3 =	rddreg [dreg:$0x2];
	[bflag:$0x3] =	sbarrier.arrive $0xFFFF;
	s2 =	simm.s32 @!p0 $0x1C02  }
0x1a3: {  	[timem:s3], [sflag:s2] =	dma.local @!p0 [hbm:s0], s1  }
0x1a4: {  	s0 =	simm.s32 @!p0 $0x2  }
0x1a5: {  	_ =	swait.ge @!p0 [sflag:s0], s1  }
0x1a6: {  	s1 =	ssub.s32 @!p0 $0x0, s1;
	[sflag:s0] =	ssyncset.done @!p0 $0x0  }
0x1a7: {  	[sflag:s0] =	ssyncadd.s32 @!p0 s1  }
0x1a8: {  	[bflag:$0x3] =	sbarrier.arrive $0xFFFF  }
0x1a9: {  	_ =	shalt  }

// kernel: kernel.8.cloned.1.call-start
scs
__scs_entry_jumppad:
0x0: {  	(pc) =	sbr.rel $0x88, $3  }
0x1: {  	(tag) =	ssettag $0x0;
	lr =	simm.s32 $0x1  }
0x2: {  	[smem:$0x3F9B] =	sst lr;
	_ =	strace $0xD0000000  }
0x3: {  	_ = 	snop  }
0x4: {  	_ = 	snop  }
0x5: {  	_ = 	snop  }
0x6: {  	_ = 	snop  }
0x7: {  	_ = 	snop  }
__scs_overlays_trampoline_lowered:
0x8: {  	[smem:$0x3FAA] =	sst s0  }
0x9: {  	[smem:$0x3FAB] =	sst s1  }
0xa: {  	[smem:$0x3FAC] =	sst s2  }
0xb: {  	[smem:$0x3FAD] =	sst s3  }
0xc: {  	[smem:$0x3FAE] =	sst s4  }
0xd: {  	[smem:$0x3FAF] =	sst s5  }
0xe: {  	[smem:$0x3FB0] =	sst s6  }
0xf: {  	[smem:$0x3FB1] =	sst s7  }
0x10: {  	[smem:$0x3FB2] =	sst s8  }
0x11: {  	[smem:$0x3FB3] =	sst s9;
	s0 =	simm.s32 @!p0 $0x0  }
0x12: {  	s1 =	sld [smem:$0x3F99];
	s0 =	simm.s32 @p0 $0x1  }
0x13: {  	[smem:$0x3FB4] =	sst s0;
	s0 =	simm.s32 @!p1 $0x0  }
0x14: {  	s2 =	sld [smem:$0x3F98];
	s0 =	simm.s32 @p1 $0x1  }
0x15: {  	[smem:$0x3FB5] =	sst s0;
	s0 =	simm.s32 @!p2 $0x0  }
0x16: {  	s3 =	sld [smem:$0x3FDB];
	s0 =	simm.s32 @p2 $0x1  }
0x17: {  	s4 =	simm.s32 $0x1BF5;
	[smem:$0x3FB7] =	sst s0  }
0x18: {  	s0 =	sld [smem:$0x3F9A];
	_ =	swait.ge [sflag:s4], $0x0  }
0x19: {  	s7 =	sld [smem:$0x3F9B]  }
0x1a: {  	s8 =	sadd.s32 $0xFFFFE003, lr  }
0x1b: {  	s9 =	sadd.s32 $0xFFFFFEF7, lr;
	s5 =	simm.s32 $0xFFFFFFFF;
	p2 =	slt.u32 s8, $0xFFFFF086  }
0x1c: {  	p1 =	slt.u32 s9, $0xF7A;
	s5 =	simm.s32 @!p2 $0x0  }
0x1d: {  	s5 =	simm.s32 @p1 $0x1;
	p0 =	seq.s32 s7, s2  }
0x1e: {  	s7 =	smul.u32 @!p0 $0xF7A, s2;
	p2 =	seq.s32 @!p0 s5, $0x0  }
0x1f: {  	s9 =	smul.u32 $0xF7A, s1;
	s8 =	simm.s32 @!p0 $0x1BF5;
	p2 =	por !p2, p0  }
0x20: {  	[sflag:s8] =	ssyncset.s32 @!p0 $0xFFFFF086;
	s6 =	sadd.s32 @!p0 s3, s7;
	s7 =	simm.s32 @!p0 $0x108  }
0x21: {  	s3 =	sadd.s32 s3, s9;
	s6 =	sadd.s32 @!p0 $0x88, s6;
	s7 =	simm.s32 @p2 $0x1082  }
0x22: {  	[simem:s7], [sflag:s8] =	dma.local @!p0 [hbm:s6], $0xF7A  }
0x23: {  	s9 =	sor.u32 $0xD0000000, s2;
	s6 =	simm.s32 $0x108;
	_ =	swait.ge @!p0 [sflag:s8], $0x0  }
0x24: {  	s3 =	sadd.s32 $0x88, s3;
	s6 =	simm.s32 @!p1 $0x1082;
	[sflag:s4] =	ssyncset.s32 $0xFFFFF086  }
0x25: {  	[simem:s6], [sflag:s4] =	dma.local [hbm:s3], $0xF7A  }
0x26: {  	[smem:$0x3F9B] =	sst s1;
	(tag) =	ssettag s2;
	_ =	strace s9  }
0x27: {  	s1 =	sld [smem:$0x3FAB]  }
0x28: {  	s2 =	sld [smem:$0x3FAC]  }
0x29: {  	s4 =	sld [smem:$0x3FAE]  }
0x2a: {  	p0 =	seq.s32 s5, $0x0;
	s5 =	sld [smem:$0x3FAF]  }
0x2b: {  	s6 =	sld [smem:$0x3FB0]  }
0x2c: {  	s7 =	sld [smem:$0x3FB1]  }
0x2d: {  	s3 =	simm.s32 $0x108;
	s8 =	sld [smem:$0x3FB2]  }
0x2e: {  	s3 =	simm.s32 @!p0 $0x1082;
	s9 =	sld [smem:$0x3FB3]  }
0x2f: {  	lr =	sadd.s32 s0, s3;
	s0 =	sld [smem:$0x3FAA]  }
0x30: {  	s3 =	sld [smem:$0x3FAD]  }
0x31: {  	[smem:$0x3FB6] =	sst s10  }
0x32: {  	s10 =	sld [smem:$0x3FB4];
	_ =	sdelay $0x3  }
0x33: {  	p0 =	seq.s32 s10, $0x1;
	s10 =	sld [smem:$0x3FB6];
	_ =	sdelay $0x3  }
0x34: {  	[smem:$0x3FB6] =	sst s10  }
0x35: {  	s10 =	sld [smem:$0x3FB5];
	_ =	sdelay $0x3  }
0x36: {  	p1 =	seq.s32 s10, $0x1;
	s10 =	sld [smem:$0x3FB6];
	_ =	sdelay $0x3  }
0x37: {  	[smem:$0x3FB6] =	sst s10  }
0x38: {  	s10 =	sld [smem:$0x3FB7]  }
0x39: {  	_ = 	snop;
	(pc) =	sbr.ind lr, $3  }
0x3a: {  	_ = 	snop  }
0x3b: {  	_ = 	snop  }
0x3c: {  	p2 =	seq.s32 s10, $0x1;
	s10 =	sld [smem:$0x3FB6]  }
0x3d: {  	_ =	shalt  }
0x3e: {  	_ =	shalt  }
0x3f: {  	_ =	shalt  }
0x40: {  	_ =	shalt  }
0x41: {  	_ =	shalt  }
0x42: {  	_ =	shalt  }
0x43: {  	_ =	shalt  }
0x44: {  	_ =	shalt  }
0x45: {  	_ =	shalt  }
0x46: {  	_ =	shalt  }
0x47: {  	_ =	shalt  }
0x48: {  	_ =	shalt  }
0x49: {  	_ =	shalt  }
0x4a: {  	_ =	shalt  }
0x4b: {  	_ =	shalt  }
0x4c: {  	_ =	shalt  }
0x4d: {  	_ =	shalt  }
0x4e: {  	_ =	shalt  }
0x4f: {  	_ =	shalt  }
0x50: {  	_ =	shalt  }
0x51: {  	_ =	shalt  }
0x52: {  	_ =	shalt  }
0x53: {  	_ =	shalt  }
0x54: {  	_ =	shalt  }
0x55: {  	_ =	shalt  }
0x56: {  	_ =	shalt  }
0x57: {  	_ =	shalt  }
0x58: {  	_ =	shalt  }
0x59: {  	_ =	shalt  }
0x5a: {  	_ =	shalt  }
0x5b: {  	_ =	shalt  }
0x5c: {  	_ =	shalt  }
0x5d: {  	_ =	shalt  }
0x5e: {  	_ =	shalt  }
0x5f: {  	_ =	shalt  }
0x60: {  	_ =	shalt  }
0x61: {  	_ =	shalt  }
0x62: {  	_ =	shalt  }
0x63: {  	_ =	shalt  }
0x64: {  	_ =	shalt  }
0x65: {  	_ =	shalt  }
0x66: {  	_ =	shalt  }
0x67: {  	_ =	shalt  }
0x68: {  	_ =	shalt  }
0x69: {  	_ =	shalt  }
0x6a: {  	_ =	shalt  }
0x6b: {  	_ =	shalt  }
0x6c: {  	_ =	shalt  }
0x6d: {  	_ =	shalt  }
0x6e: {  	_ =	shalt  }
0x6f: {  	_ =	shalt  }
0x70: {  	_ =	shalt  }
0x71: {  	_ =	shalt  }
0x72: {  	_ =	shalt  }
0x73: {  	_ =	shalt  }
0x74: {  	_ =	shalt  }
0x75: {  	_ =	shalt  }
0x76: {  	_ =	shalt  }
0x77: {  	_ =	shalt  }
0x78: {  	_ =	shalt  }
0x79: {  	_ =	shalt  }
0x7a: {  	_ =	shalt  }
0x7b: {  	_ =	shalt  }
0x7c: {  	_ =	shalt  }
0x7d: {  	_ =	shalt  }
0x7e: {  	_ =	shalt  }
0x7f: {  	_ =	shalt  }
0x80: {  	_ =	shalt  }
0x81: {  	_ =	shalt  }
0x82: {  	_ =	shalt  }
0x83: {  	_ =	shalt  }
0x84: {  	_ =	shalt  }
0x85: {  	_ =	shalt  }
0x86: {  	_ =	shalt  }
0x87: {  	_ =	shalt  }
.Lfunc_end0:
.L_simem_size_0:
called_computation.2_lowered:
.L_overlay_start_0:
0x88: {  	s2 =	sld [smem:$0x3FD9]  }
0x89: {  	s3 =	sld [smem:$0x3FFE];
	_ =	sdelay $0x1  }
0x8a: {  	s1 =	srdreg.scid  }
0x8b: {  	s0 =	sand.u32 $0x1, s1  }
0x8c: {  	s17 =	sshll.u32 s0, $0xA;
	s2 =	sadd.s32 s3, s2  }
0x8d: {  	s2 =	sadd.s32 s2, s17  }
0x8e: {  	[smem:$0x3FC2] =	sst s2  }
0x8f: {  	_ = 	snop  }
0x90: {  	s2 =	sld [smem:$0x3FD0];
	(tm) =	ssettm $0x1  }
0x91: {  	s18 =	sld [smem:$0x3FFB];
	_ =	sdelay $0x3  }
0x92: {  	_ =	strace s18  }
0x93: {  	s3 =	sld [smem:$0x3FFC];
	_ =	sdelay $0x3  }
0x94: {  	_ =	strace s3  }
0x95: {  	s3 =	sld [smem:$0x3FFD];
	_ =	sdelay $0x3  }
0x96: {  	_ =	strace s3  }
0x97: {  	_ =	strace $0x8FFFFFFF  }
0x98: {  	s19 =	sld [smem:$0x3FDB];
	_ =	sdelay $0x1  }
0x99: {  	s4 =	simm.s32 $_scs_section_size  }
0x9a: {  	s5 =	simm.s32 $_size__tile_overlayer_lowered;
	s6 =	simm.s32 $_tile_overlayer_lowered  }
0x9b: {  	s22 =	simm.s32 $0x1BFF;
	s21 =	sshll.u32 s6, $0x1;
	s3 =	sadd.s32 s4, s19  }
0x9c: {  	s7 =	simm.s32 $0x0;
	s20 =	sshll.u32 s5, $0x1;
	s5 =	sadd.s32 s21, s3  }
0x9d: {  	[timem:s7], [sflag:s22] =	dma.local [hbm:s5], s20  }
0x9e: {  	_ =	swait.ge [sflag:s22], s20  }
0x9f: {  	s4 =	ssub.s32 $0x0, s20;
	[sflag:s22] =	ssyncset.done $0x0  }
0xa0: {  	[sflag:s22] =	ssyncadd.s32 s4;
	_ =	sdelay $0x1  }
0xa1: {  	s23 =	simm.s32 $0x1B8B  }
0xa2: {  	_ =	swait.ge [sflag:s23], $0x1  }
0xa3: {  	[sflag:s23] =	ssyncset.done $0x0  }
0xa4: {  	s25 =	simm.s32 $0x1B8E;
	s24 =	sld [smem:$0x3FFE];
	[sflag:s23] =	ssyncadd.s32 $0xFFFFFFFF  }
0xa5: {  	s26 =	simm.s32 $execute0_lowered;
	[smem:$0x3FD2] =	sst s25  }
0xa6: {  	s5 =	sshll.u32 s26, $0x1;
	_ =	strace $0x8000004C;
	[dreg:$0x1] =	wrdreg $0xFFFFFFFF  }
0xa7: {  	s28 =	simm.s32 $_size_execute0_lowered;
	s3 =	sadd.s32 s3, s5;
	[dreg:$0x0] =	wrdreg $0x0  }
0xa8: {  	s5 =	sshll.u32 s28, $0x1;
	[dreg:$0x2] =	wrdreg s3  }
0xa9: {  	[dreg:$0x3] =	wrdreg s5  }
0xaa: {  	[dreg:$0x4] =	wrdreg $0xC0  }
0xab: {  	_ =	task [dreg:s7], $0x5FFFF  }
0xac: {  	[dreg:$0x1] =	wrdreg $0xFFFFFFFF  }
0xad: {  	[dreg:$0x0] =	wrdreg $0x60  }
0xae: {  	[dreg:$0x2] =	wrdreg s2  }
0xaf: {  	[dreg:$0x3] =	wrdreg s24  }
0xb0: {  	[dreg:$0x4] =	wrdreg $0x9  }
0xb1: {  	_ =	task.clear_ibuf [dreg:s7], $0x5FFFF;
	_ =	strace $0x9000004C  }
0xb2: {  	s29 =	simm.s32 $0x9;
	_ =	strace $0x8000004E  }
0xb3: {  	_ =	swait.ge [sflag:s29], $0x1  }
0xb4: {  	[sflag:s29] =	ssyncadd.s32 $0xFFFFFFFF  }
0xb5: {  	_ =	strace $0x9000004E  }
0xb6: {  	_ =	sfence  }
0xb7: {  	s30 =	sld [smem:$0x0];
	_ =	sdelay $0x2  }
0xb8: {  	s31 =	sshll.u32 s1, $0xD;
	s1 =	sshrl.u32 s1, $0x2  }
0xb9: {  	s3 =	sand.u32 $0x4000, s31;
	s1 =	sadd.s32 s1, s30  }
0xba: {  	s0 =	sor.u32 s3, s0;
	s1 =	sshll.u32 s1, $0x11  }
0xbb: {  	s0 =	sor.u32 s1, s0  }
0xbc: {  	s0 =	sadd.s32 $0x8F2B, s0  }
0xbd: {  	[sflag:s0] =	ssyncadd.remote.s32 $0x1  }
0xbe: {  	_ =	sfence.sel $0xFFFF  }
0xbf: {  	[dreg:$0x0] =	wrdreg $0xFFFFFFFF;
	(pc) =	sbr.abs _section_cstart, $3  }
0xc0: {  	[dreg:$0x1] =	wrdreg $0xFFFFFFFF  }
0xc1: {  	_ =	task.clear_ibuf [dreg:s7], $0x2FFFF;
	_ =	strace $0x9FFFFFFF  }
0xc2: {  	(tm) =	ssettm $0x7FFFFFFF  }
0xc3: {  	_ =	shalt  }
tec
execute0_lowered:
.L_overlay_start_1:
0x0: {  	(tag) =	ssettag $0x1  }
0x1: {  	s0 =	srdreg.scid;
	s1 =	stileid.u32  }
0x2: {  	s2 =	rddreg [dreg:$0x0];
	s0 =	sand.u32 $0x1, s0;
	s1 =	sshll.u32 s1, $0x1  }
0x3: {  	s4 =	rddreg [dreg:$0x1];
	s1 =	sor.u32 s0, s1  }
0x4: {  	s3 =	simm.s32 $0x0;
	s9 =	simm.s32 $0x3;
	s5 =	smul.u32 $0x28, s1  }
0x5: {  	s31 =	simm.s32 $0xA180;
	s28 =	simm.s32 $0x1;
	s6 =	smul.u32 $0xA000, s1  }
0x6: {  	s29 =	simm.s32 $0x2;
	[smem:$0x7FF] =	sst s3;
	s1 =	smul.u32 $0x50000, s1  }
0x7: {  	s7 =	sadd.s32 $0x2000, s4;
	_ =	strace $0x8000004D;
	s4 =	sadd.s32 s4, s5  }
0x8: {  	s20 =	sadd.s32 s7, s6;
	s1 =	sshrl.u32 s1, $0x3;
	[dreg:$0x3] =	wrdreg s4  }
0x9: {  	[dreg:$0xb] =	wrdreg s20;
	s21 =	sadd.s32 $0x1400, s20;
	s1 =	sadd.s32 s7, s1  }
0xa: {  	s0 =	ssub.s32 $0x2, s0;
	[dreg:$0x4] =	wrdreg s21;
	s22 =	sadd.s32 $0x2800, s1  }
0xb: {  	s23 =	sshrl.u32 s0, $0x1;
	s24 =	sadd.s32 $0x3C00, s1;
	[dreg:$0x5] =	wrdreg s22  }
0xc: {  	s0 =	ssub.s32 s0, s23;
	s25 =	sadd.s32 $0x5000, s1;
	[dreg:$0x6] =	wrdreg s24  }
0xd: {  	s5 =	sadd.s32 $0x100, s2;
	s26 =	sadd.s32 $0x6400, s1;
	[dreg:$0x7] =	wrdreg s25  }
0xe: {  	v2 =	vlaneseq.u32;
	s6 =	sadd.s32 $0x200, s2;
	s30 =	sadd.s32 $0x7800, s1;
	[dreg:$0x8] =	wrdreg s26  }
0xf: {  	vm0 =	vmmov $0xffff;
	v1 =	vshrl.u32 v2, $0x3;
	s8 =	smax.u32 s0, $0x1;
	s1 =	sadd.s32 $0x8C00, s1;
	[dreg:$0x9] =	wrdreg s30  }
0x10: {  	v0 =	vand.u32 $0x7, v2;
	v2 =	vor.u32 $0x8, v2;
	v1 =	vmul.u32 $0x8, v1;
	s7 =	sadd.s32 $0x300, s2;
	[dreg:$0xa] =	wrdreg s1;
	s24 =	simm.s32 $0x180  }
.LBB2_1:
0x11: {  	s30 =	rddreg [dreg:$0x3]  }
0x12: {  	[tilespmem:s3], [sflag:$0x3] =	stream.linear.gather [hbm4b:s30+s3], $0x140, $0x38;
	[tilespmem:$0x14180] =	vst v63  }
0x13: {  	_ =	swait.ge [sflag:s9], $0x140  }
0x14: {  	[sflag:s9] =	ssyncset.done $0x0  }
0x15: {  	[sflag:s9] =	ssyncadd.s32 $0xFFFFFEC0  }
0x16: {  	v3 =	vld [tilespmem:$0x0];
	_ =	sdelay $0x4  }
0x17: {  	v4 =	vshll.u32 v3, $0x3  }
0x18: {  	v3 =	vand.u32 $0x7, v3;
	v4 =	vand.u32 $0xFFFFFFC0, v4  }
0x19: {  	v3 =	vor.u32 v3, v4  }
0x1a: {  	v4 =	vperm.xlane v3, v0;
	_ =	sdelay $0x1  }
0x1b: {  	v4 =	vadd.s32 v1, v4;
	_ =	sdelay $0x4  }
0x1c: {  	[tilespmem:s24], [sflag:$0x1] =	stream.indirect_vreg.gather [hbm4b:s2+s3], $0x80, v4, vm0, $0xb8;
	[tilespmem:$0x14180] =	vst v63  }
0x1d: {  	s0 =	simm.s32 $0x980;
	v3 =	vperm.xlane v3, v2  }
0x1e: {  	[tilespmem:s0], [sflag:$0x1] =	stream.indirect_vreg.gather [hbm4b:s5+s3], $0x80, v4, vm0, $0xb8;
	[tilespmem:$0x14180] =	vst v63  }
0x1f: {  	s20 =	simm.s32 $0x1180;
	v3 =	vadd.s32 v1, v3  }
0x20: {  	[tilespmem:s20], [sflag:$0x1] =	stream.indirect_vreg.gather [hbm4b:s6+s3], $0x80, v4, vm0, $0xb8;
	[tilespmem:$0x14180] =	vst v63  }
0x21: {  	s21 =	simm.s32 $0x1980  }
0x22: {  	[tilespmem:s21], [sflag:$0x1] =	stream.indirect_vreg.gather [hbm4b:s7+s3], $0x80, v4, vm0, $0xb8;
	[tilespmem:$0x14180] =	vst v63  }
0x23: {  	s22 =	simm.s32 $0x2180  }
0x24: {  	[tilespmem:s22], [sflag:$0x1] =	stream.indirect_vreg.gather [hbm4b:s2+s3], $0x80, v3, vm0, $0xb8;
	[tilespmem:$0x14180] =	vst v63  }
0x25: {  	s23 =	simm.s32 $0x2980  }
0x26: {  	[tilespmem:s23], [sflag:$0x1] =	stream.indirect_vreg.gather [hbm4b:s5+s3], $0x80, v3, vm0, $0xb8;
	[tilespmem:$0x14180] =	vst v63  }
0x27: {  	s25 =	simm.s32 $0x3180  }
0x28: {  	[tilespmem:s25], [sflag:$0x1] =	stream.indirect_vreg.gather [hbm4b:s6+s3], $0x80, v3, vm0, $0xb8;
	[tilespmem:$0x14180] =	vst v63  }
0x29: {  	s26 =	simm.s32 $0x3980  }
0x2a: {  	[tilespmem:s26], [sflag:$0x1] =	stream.indirect_vreg.gather [hbm4b:s7+s3], $0x80, v3, vm0, $0xb8;
	[tilespmem:$0x14180] =	vst v63  }
0x2b: {  	v3 =	vld [tilespmem:$0x10];
	_ =	sdelay $0x4  }
0x2c: {  	v41 =	vshll.u32 v3, $0x3  }
0x2d: {  	v3 =	vand.u32 $0x7, v3;
	v4 =	vand.u32 $0xFFFFFFC0, v41  }
0x2e: {  	v3 =	vor.u32 v3, v4  }
0x2f: {  	v4 =	vperm.xlane v3, v0;
	_ =	sdelay $0x1  }
0x30: {  	v4 =	vadd.s32 v1, v4;
	_ =	sdelay $0x3  }
0x31: {  	s30 =	simm.s32 $0x4180  }
0x32: {  	[tilespmem:s30], [sflag:$0x1] =	stream.indirect_vreg.gather [hbm4b:s2+s3], $0x80, v4, vm0, $0xb8;
	[tilespmem:$0x14180] =	vst v63  }
0x33: {  	s4 =	simm.s32 $0x4980;
	v3 =	vperm.xlane v3, v2  }
0x34: {  	[tilespmem:s4], [sflag:$0x1] =	stream.indirect_vreg.gather [hbm4b:s5+s3], $0x80, v4, vm0, $0xb8;
	[tilespmem:$0x14180] =	vst v63  }
0x35: {  	s10 =	simm.s32 $0x5180;
	v3 =	vadd.s32 v1, v3  }
0x36: {  	[tilespmem:s10], [sflag:$0x1] =	stream.indirect_vreg.gather [hbm4b:s6+s3], $0x80, v4, vm0, $0xb8;
	[tilespmem:$0x14180] =	vst v63  }
0x37: {  	s11 =	simm.s32 $0x5980  }
0x38: {  	[tilespmem:s11], [sflag:$0x1] =	stream.indirect_vreg.gather [hbm4b:s7+s3], $0x80, v4, vm0, $0xb8;
	[tilespmem:$0x14180] =	vst v63  }
0x39: {  	s15 =	simm.s32 $0x6180  }
0x3a: {  	[tilespmem:s15], [sflag:$0x1] =	stream.indirect_vreg.gather [hbm4b:s2+s3], $0x80, v3, vm0, $0xb8;
	[tilespmem:$0x14180] =	vst v63  }
0x3b: {  	s16 =	simm.s32 $0x6980  }
0x3c: {  	[tilespmem:s16], [sflag:$0x1] =	stream.indirect_vreg.gather [hbm4b:s5+s3], $0x80, v3, vm0, $0xb8;
	[tilespmem:$0x14180] =	vst v63  }
0x3d: {  	s17 =	simm.s32 $0x7180  }
0x3e: {  	[tilespmem:s17], [sflag:$0x1] =	stream.indirect_vreg.gather [hbm4b:s6+s3], $0x80, v3, vm0, $0xb8;
	[tilespmem:$0x14180] =	vst v63  }
0x3f: {  	s18 =	simm.s32 $0x7980  }
0x40: {  	[tilespmem:s18], [sflag:$0x1] =	stream.indirect_vreg.gather [hbm4b:s7+s3], $0x80, v3, vm0, $0xb8;
	[tilespmem:$0x14180] =	vst v63  }
0x41: {  	v3 =	vld.msk [tilespmem:$0x20], $0xff;
	_ =	sdelay $0x4  }
0x42: {  	v42 =	vshll.u32 v3, $0x3  }
0x43: {  	v3 =	vand.u32 $0x7, v3;
	v4 =	vand.u32 $0xFFFFFFC0, v42  }
0x44: {  	v3 =	vor.u32 v3, v4  }
0x45: {  	v3 =	vperm.xlane v3, v0;
	_ =	sdelay $0x1  }
0x46: {  	v3 =	vadd.s32 v1, v3;
	_ =	sdelay $0x3  }
0x47: {  	s19 =	simm.s32 $0x8180  }
0x48: {  	[tilespmem:s19], [sflag:$0x1] =	stream.indirect_vreg.gather [hbm4b:s2+s3], $0x80, v3, vm0, $0xb8;
	[tilespmem:$0x14180] =	vst v63  }
0x49: {  	s20 =	simm.s32 $0x8980  }
0x4a: {  	[tilespmem:s20], [sflag:$0x1] =	stream.indirect_vreg.gather [hbm4b:s5+s3], $0x80, v3, vm0, $0xb8;
	[tilespmem:$0x14180] =	vst v63  }
0x4b: {  	s21 =	simm.s32 $0x9180  }
0x4c: {  	[tilespmem:s21], [sflag:$0x1] =	stream.indirect_vreg.gather [hbm4b:s6+s3], $0x80, v3, vm0, $0xb8;
	[tilespmem:$0x14180] =	vst v63  }
0x4d: {  	s22 =	simm.s32 $0x9980  }
0x4e: {  	[tilespmem:s22], [sflag:$0x1] =	stream.indirect_vreg.gather [hbm4b:s7+s3], $0x80, v3, vm0, $0xb8;
	[tilespmem:$0x14180] =	vst v63  }
0x4f: {  	v3 =	vld [tilespmem:$0x28];
	_ =	sdelay $0x4  }
0x50: {  	v43 =	vshll.u32 v3, $0x3  }
0x51: {  	v3 =	vand.u32 $0x7, v3;
	v4 =	vand.u32 $0xFFFFFFC0, v43  }
0x52: {  	v3 =	vor.u32 v3, v4  }
0x53: {  	v4 =	vperm.xlane v3, v0;
	_ =	sdelay $0x1  }
0x54: {  	v4 =	vadd.s32 v1, v4;
	_ =	sdelay $0x4  }
0x55: {  	[tilespmem:s31], [sflag:$0x2] =	stream.indirect_vreg.gather [hbm4b:s2+s3], $0x80, v4, vm0, $0xb8;
	[tilespmem:$0x14180] =	vst v63  }
0x56: {  	s23 =	simm.s32 $0xA980;
	v3 =	vperm.xlane v3, v2  }
0x57: {  	[tilespmem:s23], [sflag:$0x2] =	stream.indirect_vreg.gather [hbm4b:s5+s3], $0x80, v4, vm0, $0xb8;
	[tilespmem:$0x14180] =	vst v63  }
0x58: {  	s25 =	simm.s32 $0xB180;
	v3 =	vadd.s32 v1, v3  }
0x59: {  	[tilespmem:s25], [sflag:$0x2] =	stream.indirect_vreg.gather [hbm4b:s6+s3], $0x80, v4, vm0, $0xb8;
	[tilespmem:$0x14180] =	vst v63  }
0x5a: {  	s26 =	simm.s32 $0xB980  }
0x5b: {  	[tilespmem:s26], [sflag:$0x2] =	stream.indirect_vreg.gather [hbm4b:s7+s3], $0x80, v4, vm0, $0xb8;
	[tilespmem:$0x14180] =	vst v63  }
0x5c: {  	s0 =	simm.s32 $0xC180  }
0x5d: {  	[tilespmem:s0], [sflag:$0x2] =	stream.indirect_vreg.gather [hbm4b:s2+s3], $0x80, v3, vm0, $0xb8;
	[tilespmem:$0x14180] =	vst v63  }
0x5e: {  	s4 =	simm.s32 $0xC980  }
0x5f: {  	[tilespmem:s4], [sflag:$0x2] =	stream.indirect_vreg.gather [hbm4b:s5+s3], $0x80, v3, vm0, $0xb8;
	[tilespmem:$0x14180] =	vst v63  }
0x60: {  	s10 =	simm.s32 $0xD180  }
0x61: {  	[tilespmem:s10], [sflag:$0x2] =	stream.indirect_vreg.gather [hbm4b:s6+s3], $0x80, v3, vm0, $0xb8;
	[tilespmem:$0x14180] =	vst v63  }
0x62: {  	s11 =	simm.s32 $0xD980  }
0x63: {  	[tilespmem:s11], [sflag:$0x2] =	stream.indirect_vreg.gather [hbm4b:s7+s3], $0x80, v3, vm0, $0xb8;
	[tilespmem:$0x14180] =	vst v63  }
0x64: {  	v3 =	vld [tilespmem:$0x38];
	_ =	sdelay $0x4  }
0x65: {  	v44 =	vshll.u32 v3, $0x3  }
0x66: {  	v3 =	vand.u32 $0x7, v3;
	v4 =	vand.u32 $0xFFFFFFC0, v44  }
0x67: {  	v3 =	vor.u32 v3, v4  }
0x68: {  	v4 =	vperm.xlane v3, v0;
	_ =	sdelay $0x1  }
0x69: {  	v4 =	vadd.s32 v1, v4;
	_ =	sdelay $0x3  }
0x6a: {  	s15 =	simm.s32 $0xE180  }
0x6b: {  	[tilespmem:s15], [sflag:$0x2] =	stream.indirect_vreg.gather [hbm4b:s2+s3], $0x80, v4, vm0, $0xb8;
	[tilespmem:$0x14180] =	vst v63  }
0x6c: {  	s16 =	simm.s32 $0xE980;
	v3 =	vperm.xlane v3, v2  }
0x6d: {  	[tilespmem:s16], [sflag:$0x2] =	stream.indirect_vreg.gather [hbm4b:s5+s3], $0x80, v4, vm0, $0xb8;
	[tilespmem:$0x14180] =	vst v63  }
0x6e: {  	s18 =	simm.s32 $0xF180;
	v3 =	vadd.s32 v1, v3  }
0x6f: {  	[tilespmem:s18], [sflag:$0x2] =	stream.indirect_vreg.gather [hbm4b:s6+s3], $0x80, v4, vm0, $0xb8;
	[tilespmem:$0x14180] =	vst v63  }
0x70: {  	s19 =	simm.s32 $0xF980  }
0x71: {  	[tilespmem:s19], [sflag:$0x2] =	stream.indirect_vreg.gather [hbm4b:s7+s3], $0x80, v4, vm0, $0xb8;
	[tilespmem:$0x14180] =	vst v63  }
0x72: {  	s26 =	simm.s32 $0x10180  }
0x73: {  	[tilespmem:s26], [sflag:$0x2] =	stream.indirect_vreg.gather [hbm4b:s2+s3], $0x80, v3, vm0, $0xb8;
	[tilespmem:$0x14180] =	vst v63  }
0x74: {  	s0 =	simm.s32 $0x10980  }
0x75: {  	[tilespmem:s0], [sflag:$0x2] =	stream.indirect_vreg.gather [hbm4b:s5+s3], $0x80, v3, vm0, $0xb8;
	[tilespmem:$0x14180] =	vst v63  }
0x76: {  	s4 =	simm.s32 $0x11180  }
0x77: {  	[tilespmem:s4], [sflag:$0x2] =	stream.indirect_vreg.gather [hbm4b:s6+s3], $0x80, v3, vm0, $0xb8;
	[tilespmem:$0x14180] =	vst v63  }
0x78: {  	s10 =	simm.s32 $0x11980  }
0x79: {  	[tilespmem:s10], [sflag:$0x2] =	stream.indirect_vreg.gather [hbm4b:s7+s3], $0x80, v3, vm0, $0xb8;
	[tilespmem:$0x14180] =	vst v63  }
0x7a: {  	v3 =	vld.msk [tilespmem:$0x48], $0xff;
	_ =	sdelay $0x4  }
0x7b: {  	v45 =	vshll.u32 v3, $0x3  }
0x7c: {  	v3 =	vand.u32 $0x7, v3;
	v4 =	vand.u32 $0xFFFFFFC0, v45  }
0x7d: {  	v3 =	vor.u32 v3, v4  }
0x7e: {  	v3 =	vperm.xlane v3, v0;
	_ =	sdelay $0x1  }
0x7f: {  	v3 =	vadd.s32 v1, v3;
	_ =	sdelay $0x3  }
0x80: {  	s11 =	simm.s32 $0x12180  }
0x81: {  	[tilespmem:s11], [sflag:$0x2] =	stream.indirect_vreg.gather [hbm4b:s2+s3], $0x80, v3, vm0, $0xb8;
	[tilespmem:$0x14180] =	vst v63  }
0x82: {  	s15 =	simm.s32 $0x12980  }
0x83: {  	[tilespmem:s15], [sflag:$0x2] =	stream.indirect_vreg.gather [hbm4b:s5+s3], $0x80, v3, vm0, $0xb8;
	[tilespmem:$0x14180] =	vst v63  }
0x84: {  	s16 =	simm.s32 $0x13180  }
0x85: {  	[tilespmem:s16], [sflag:$0x2] =	stream.indirect_vreg.gather [hbm4b:s6+s3], $0x80, v3, vm0, $0xb8;
	[tilespmem:$0x14180] =	vst v63  }
0x86: {  	s18 =	simm.s32 $0x13980  }
0x87: {  	[tilespmem:s18], [sflag:$0x2] =	stream.indirect_vreg.gather [hbm4b:s7+s3], $0x80, v3, vm0, $0xb8;
	[tilespmem:$0x14180] =	vst v63  }
0x88: {  	_ =	swait.ge [sflag:s28], $0xA000  }
0x89: {  	[sflag:s28] =	ssyncset.done $0x0  }
0x8a: {  	s19 =	rddreg [dreg:$0xb];
	[sflag:s28] =	ssyncadd.s32 $0xFFFF6000  }
0x8b: {  	[hbm4b:s19+s3] =	stream.linear.scatter [tilespmem:s24], [sflag:$0x3], $0xA000, $0x38;
	[tilespmem:$0x14180] =	vst v63  }
0x8c: {  	_ =	swait.ge [sflag:s9], $0xA000  }
0x8d: {  	[sflag:s9] =	ssyncset.done $0x0  }
0x8e: {  	[sflag:s9] =	ssyncadd.s32 $0xFFFF6000  }
0x8f: {  	v3 =	vld [tilespmem:$0x50];
	_ =	sdelay $0x4  }
0x90: {  	v46 =	vshll.u32 v3, $0x3  }
0x91: {  	v3 =	vand.u32 $0x7, v3;
	v4 =	vand.u32 $0xFFFFFFC0, v46  }
0x92: {  	v3 =	vor.u32 v3, v4  }
0x93: {  	v4 =	vperm.xlane v3, v0;
	_ =	sdelay $0x1  }
0x94: {  	v4 =	vadd.s32 v1, v4;
	_ =	sdelay $0x4  }
0x95: {  	[tilespmem:s24], [sflag:$0x1] =	stream.indirect_vreg.gather [hbm4b:s2+s3], $0x80, v4, vm0, $0xb8;
	[tilespmem:$0x14180] =	vst v63  }
0x96: {  	s1 =	simm.s32 $0x980;
	v3 =	vperm.xlane v3, v2  }
0x97: {  	[tilespmem:s1], [sflag:$0x1] =	stream.indirect_vreg.gather [hbm4b:s5+s3], $0x80, v4, vm0, $0xb8;
	[tilespmem:$0x14180] =	vst v63  }
0x98: {  	s0 =	simm.s32 $0x1180;
	v3 =	vadd.s32 v1, v3  }
0x99: {  	[tilespmem:s0], [sflag:$0x1] =	stream.indirect_vreg.gather [hbm4b:s6+s3], $0x80, v4, vm0, $0xb8;
	[tilespmem:$0x14180] =	vst v63  }
0x9a: {  	s1 =	simm.s32 $0x1980  }
0x9b: {  	[tilespmem:s1], [sflag:$0x1] =	stream.indirect_vreg.gather [hbm4b:s7+s3], $0x80, v4, vm0, $0xb8;
	[tilespmem:$0x14180] =	vst v63  }
0x9c: {  	s4 =	simm.s32 $0x2180  }
0x9d: {  	[tilespmem:s4], [sflag:$0x1] =	stream.indirect_vreg.gather [hbm4b:s2+s3], $0x80, v3, vm0, $0xb8;
	[tilespmem:$0x14180] =	vst v63  }
0x9e: {  	s10 =	simm.s32 $0x2980  }
0x9f: {  	[tilespmem:s10], [sflag:$0x1] =	stream.indirect_vreg.gather [hbm4b:s5+s3], $0x80, v3, vm0, $0xb8;
	[tilespmem:$0x14180] =	vst v63  }
0xa0: {  	s11 =	simm.s32 $0x3180  }
0xa1: {  	[tilespmem:s11], [sflag:$0x1] =	stream.indirect_vreg.gather [hbm4b:s6+s3], $0x80, v3, vm0, $0xb8;
	[tilespmem:$0x14180] =	vst v63  }
0xa2: {  	s12 =	simm.s32 $0x3980  }
0xa3: {  	[tilespmem:s12], [sflag:$0x1] =	stream.indirect_vreg.gather [hbm4b:s7+s3], $0x80, v3, vm0, $0xb8;
	[tilespmem:$0x14180] =	vst v63  }
0xa4: {  	v3 =	vld [tilespmem:$0x60];
	_ =	sdelay $0x4  }
0xa5: {  	v47 =	vshll.u32 v3, $0x3  }
0xa6: {  	v3 =	vand.u32 $0x7, v3;
	v4 =	vand.u32 $0xFFFFFFC0, v47  }
0xa7: {  	v3 =	vor.u32 v3, v4  }
0xa8: {  	v4 =	vperm.xlane v3, v0;
	_ =	sdelay $0x1  }
0xa9: {  	v4 =	vadd.s32 v1, v4;
	_ =	sdelay $0x3  }
0xaa: {  	s13 =	simm.s32 $0x4180  }
0xab: {  	[tilespmem:s13], [sflag:$0x1] =	stream.indirect_vreg.gather [hbm4b:s2+s3], $0x80, v4, vm0, $0xb8;
	[tilespmem:$0x14180] =	vst v63  }
0xac: {  	s14 =	simm.s32 $0x4980;
	v3 =	vperm.xlane v3, v2  }
0xad: {  	[tilespmem:s14], [sflag:$0x1] =	stream.indirect_vreg.gather [hbm4b:s5+s3], $0x80, v4, vm0, $0xb8;
	[tilespmem:$0x14180] =	vst v63  }
0xae: {  	s12 =	simm.s32 $0x5180;
	v3 =	vadd.s32 v1, v3  }
0xaf: {  	[tilespmem:s12], [sflag:$0x1] =	stream.indirect_vreg.gather [hbm4b:s6+s3], $0x80, v4, vm0, $0xb8;
	[tilespmem:$0x14180] =	vst v63  }
0xb0: {  	s13 =	simm.s32 $0x5980  }
0xb1: {  	[tilespmem:s13], [sflag:$0x1] =	stream.indirect_vreg.gather [hbm4b:s7+s3], $0x80, v4, vm0, $0xb8;
	[tilespmem:$0x14180] =	vst v63  }
0xb2: {  	s14 =	simm.s32 $0x6180  }
0xb3: {  	[tilespmem:s14], [sflag:$0x1] =	stream.indirect_vreg.gather [hbm4b:s2+s3], $0x80, v3, vm0, $0xb8;
	[tilespmem:$0x14180] =	vst v63  }
0xb4: {  	s15 =	simm.s32 $0x6980  }
0xb5: {  	[tilespmem:s15], [sflag:$0x1] =	stream.indirect_vreg.gather [hbm4b:s5+s3], $0x80, v3, vm0, $0xb8;
	[tilespmem:$0x14180] =	vst v63  }
0xb6: {  	s16 =	simm.s32 $0x7180  }
0xb7: {  	[tilespmem:s16], [sflag:$0x1] =	stream.indirect_vreg.gather [hbm4b:s6+s3], $0x80, v3, vm0, $0xb8;
	[tilespmem:$0x14180] =	vst v63  }
0xb8: {  	s17 =	simm.s32 $0x7980  }
0xb9: {  	[tilespmem:s17], [sflag:$0x1] =	stream.indirect_vreg.gather [hbm4b:s7+s3], $0x80, v3, vm0, $0xb8;
	[tilespmem:$0x14180] =	vst v63  }
0xba: {  	v3 =	vld.msk [tilespmem:$0x70], $0xff;
	_ =	sdelay $0x4  }
0xbb: {  	v48 =	vshll.u32 v3, $0x3  }
0xbc: {  	v3 =	vand.u32 $0x7, v3;
	v4 =	vand.u32 $0xFFFFFFC0, v48  }
0xbd: {  	v3 =	vor.u32 v3, v4  }
0xbe: {  	v3 =	vperm.xlane v3, v0;
	_ =	sdelay $0x1  }
0xbf: {  	v3 =	vadd.s32 v1, v3;
	_ =	sdelay $0x3  }
0xc0: {  	s17 =	simm.s32 $0x8180  }
0xc1: {  	[tilespmem:s17], [sflag:$0x1] =	stream.indirect_vreg.gather [hbm4b:s2+s3], $0x80, v3, vm0, $0xb8;
	[tilespmem:$0x14180] =	vst v63  }
0xc2: {  	s18 =	simm.s32 $0x8980  }
0xc3: {  	[tilespmem:s18], [sflag:$0x1] =	stream.indirect_vreg.gather [hbm4b:s5+s3], $0x80, v3, vm0, $0xb8;
	[tilespmem:$0x14180] =	vst v63  }
0xc4: {  	s19 =	simm.s32 $0x9180  }
0xc5: {  	[tilespmem:s19], [sflag:$0x1] =	stream.indirect_vreg.gather [hbm4b:s6+s3], $0x80, v3, vm0, $0xb8;
	[tilespmem:$0x14180] =	vst v63  }
0xc6: {  	s20 =	simm.s32 $0x9980  }
0xc7: {  	[tilespmem:s20], [sflag:$0x1] =	stream.indirect_vreg.gather [hbm4b:s7+s3], $0x80, v3, vm0, $0xb8;
	[tilespmem:$0x14180] =	vst v63  }
0xc8: {  	_ =	swait.ge [sflag:s29], $0xA000  }
0xc9: {  	[sflag:s29] =	ssyncset.done $0x0  }
0xca: {  	s20 =	rddreg [dreg:$0x4];
	[sflag:s29] =	ssyncadd.s32 $0xFFFF6000  }
0xcb: {  	[hbm4b:s20+s3] =	stream.linear.scatter [tilespmem:s31], [sflag:$0x3], $0xA000, $0x38;
	[tilespmem:$0x14180] =	vst v63  }
0xcc: {  	_ =	swait.ge [sflag:s9], $0xA000  }
0xcd: {  	[sflag:s9] =	ssyncset.done $0x0  }
0xce: {  	[sflag:s9] =	ssyncadd.s32 $0xFFFF6000  }
0xcf: {  	v3 =	vld [tilespmem:$0x78];
	_ =	sdelay $0x4  }
0xd0: {  	v49 =	vshll.u32 v3, $0x3  }
0xd1: {  	v3 =	vand.u32 $0x7, v3;
	v4 =	vand.u32 $0xFFFFFFC0, v49  }
0xd2: {  	v3 =	vor.u32 v3, v4  }
0xd3: {  	v4 =	vperm.xlane v3, v0;
	_ =	sdelay $0x1  }
0xd4: {  	v4 =	vadd.s32 v1, v4;
	_ =	sdelay $0x4  }
0xd5: {  	[tilespmem:s31], [sflag:$0x2] =	stream.indirect_vreg.gather [hbm4b:s2+s3], $0x80, v4, vm0, $0xb8;
	[tilespmem:$0x14180] =	vst v63  }
0xd6: {  	s21 =	simm.s32 $0xA980;
	v3 =	vperm.xlane v3, v2  }
0xd7: {  	[tilespmem:s21], [sflag:$0x2] =	stream.indirect_vreg.gather [hbm4b:s5+s3], $0x80, v4, vm0, $0xb8;
	[tilespmem:$0x14180] =	vst v63  }
0xd8: {  	v3 =	vadd.s32 v1, v3;
	s21 =	simm.s32 $0xB180  }
0xd9: {  	[tilespmem:s21], [sflag:$0x2] =	stream.indirect_vreg.gather [hbm4b:s6+s3], $0x80, v4, vm0, $0xb8;
	[tilespmem:$0x14180] =	vst v63  }
0xda: {  	s30 =	simm.s32 $0xB980  }
0xdb: {  	[tilespmem:s30], [sflag:$0x2] =	stream.indirect_vreg.gather [hbm4b:s7+s3], $0x80, v4, vm0, $0xb8;
	[tilespmem:$0x14180] =	vst v63  }
0xdc: {  	s30 =	simm.s32 $0xC180  }
0xdd: {  	[tilespmem:s30], [sflag:$0x2] =	stream.indirect_vreg.gather [hbm4b:s2+s3], $0x80, v3, vm0, $0xb8;
	[tilespmem:$0x14180] =	vst v63  }
0xde: {  	s30 =	simm.s32 $0xC980  }
0xdf: {  	[tilespmem:s30], [sflag:$0x2] =	stream.indirect_vreg.gather [hbm4b:s5+s3], $0x80, v3, vm0, $0xb8;
	[tilespmem:$0x14180] =	vst v63  }
0xe0: {  	s30 =	simm.s32 $0xD180  }
0xe1: {  	[tilespmem:s30], [sflag:$0x2] =	stream.indirect_vreg.gather [hbm4b:s6+s3], $0x80, v3, vm0, $0xb8;
	[tilespmem:$0x14180] =	vst v63  }
0xe2: {  	s22 =	simm.s32 $0xD980  }
0xe3: {  	[tilespmem:s22], [sflag:$0x2] =	stream.indirect_vreg.gather [hbm4b:s7+s3], $0x80, v3, vm0, $0xb8;
	[tilespmem:$0x14180] =	vst v63  }
0xe4: {  	v3 =	vld [tilespmem:$0x88];
	_ =	sdelay $0x4  }
0xe5: {  	v50 =	vshll.u32 v3, $0x3  }
0xe6: {  	v3 =	vand.u32 $0x7, v3;
	v4 =	vand.u32 $0xFFFFFFC0, v50  }
0xe7: {  	v3 =	vor.u32 v3, v4  }
0xe8: {  	v4 =	vperm.xlane v3, v0;
	_ =	sdelay $0x1  }
0xe9: {  	v4 =	vadd.s32 v1, v4;
	_ =	sdelay $0x3  }
0xea: {  	s23 =	simm.s32 $0xE180  }
0xeb: {  	[tilespmem:s23], [sflag:$0x2] =	stream.indirect_vreg.gather [hbm4b:s2+s3], $0x80, v4, vm0, $0xb8;
	[tilespmem:$0x14180] =	vst v63  }
0xec: {  	s25 =	simm.s32 $0xE980;
	v3 =	vperm.xlane v3, v2  }
0xed: {  	[tilespmem:s25], [sflag:$0x2] =	stream.indirect_vreg.gather [hbm4b:s5+s3], $0x80, v4, vm0, $0xb8;
	[tilespmem:$0x14180] =	vst v63  }
0xee: {  	v3 =	vadd.s32 v1, v3;
	s23 =	simm.s32 $0xF180  }
0xef: {  	[tilespmem:s23], [sflag:$0x2] =	stream.indirect_vreg.gather [hbm4b:s6+s3], $0x80, v4, vm0, $0xb8;
	[tilespmem:$0x14180] =	vst v63  }
0xf0: {  	s25 =	simm.s32 $0xF980  }
0xf1: {  	[tilespmem:s25], [sflag:$0x2] =	stream.indirect_vreg.gather [hbm4b:s7+s3], $0x80, v4, vm0, $0xb8;
	[tilespmem:$0x14180] =	vst v63  }
0xf2: {  	s30 =	simm.s32 $0x10180  }
0xf3: {  	[tilespmem:s30], [sflag:$0x2] =	stream.indirect_vreg.gather [hbm4b:s2+s3], $0x80, v3, vm0, $0xb8;
	[tilespmem:$0x14180] =	vst v63  }
0xf4: {  	s23 =	simm.s32 $0x10980  }
0xf5: {  	[tilespmem:s23], [sflag:$0x2] =	stream.indirect_vreg.gather [hbm4b:s5+s3], $0x80, v3, vm0, $0xb8;
	[tilespmem:$0x14180] =	vst v63  }
0xf6: {  	s25 =	simm.s32 $0x11180  }
0xf7: {  	[tilespmem:s25], [sflag:$0x2] =	stream.indirect_vreg.gather [hbm4b:s6+s3], $0x80, v3, vm0, $0xb8;
	[tilespmem:$0x14180] =	vst v63  }
0xf8: {  	s26 =	simm.s32 $0x11980  }
0xf9: {  	[tilespmem:s26], [sflag:$0x2] =	stream.indirect_vreg.gather [hbm4b:s7+s3], $0x80, v3, vm0, $0xb8;
	[tilespmem:$0x14180] =	vst v63  }
0xfa: {  	v3 =	vld.msk [tilespmem:$0x98], $0xff;
	_ =	sdelay $0x4  }
0xfb: {  	v51 =	vshll.u32 v3, $0x3  }
0xfc: {  	v3 =	vand.u32 $0x7, v3;
	v4 =	vand.u32 $0xFFFFFFC0, v51  }
0xfd: {  	v3 =	vor.u32 v3, v4  }
0xfe: {  	v3 =	vperm.xlane v3, v0;
	_ =	sdelay $0x1  }
0xff: {  	v3 =	vadd.s32 v1, v3;
	_ =	sdelay $0x3  }
0x100: {  	s26 =	simm.s32 $0x12180  }
0x101: {  	[tilespmem:s26], [sflag:$0x2] =	stream.indirect_vreg.gather [hbm4b:s2+s3], $0x80, v3, vm0, $0xb8;
	[tilespmem:$0x14180] =	vst v63  }
0x102: {  	s30 =	simm.s32 $0x12980  }
0x103: {  	[tilespmem:s30], [sflag:$0x2] =	stream.indirect_vreg.gather [hbm4b:s5+s3], $0x80, v3, vm0, $0xb8;
	[tilespmem:$0x14180] =	vst v63  }
0x104: {  	s23 =	simm.s32 $0x13180  }
0x105: {  	[tilespmem:s23], [sflag:$0x2] =	stream.indirect_vreg.gather [hbm4b:s6+s3], $0x80, v3, vm0, $0xb8;
	[tilespmem:$0x14180] =	vst v63  }
0x106: {  	s25 =	simm.s32 $0x13980  }
0x107: {  	[tilespmem:s25], [sflag:$0x2] =	stream.indirect_vreg.gather [hbm4b:s7+s3], $0x80, v3, vm0, $0xb8;
	[tilespmem:$0x14180] =	vst v63  }
0x108: {  	_ =	swait.ge [sflag:s28], $0xA000  }
0x109: {  	[sflag:s28] =	ssyncset.done $0x0  }
0x10a: {  	s26 =	rddreg [dreg:$0x5];
	[sflag:s28] =	ssyncadd.s32 $0xFFFF6000  }
0x10b: {  	[hbm4b:s26+s3] =	stream.linear.scatter [tilespmem:s24], [sflag:$0x3], $0xA000, $0x38;
	[tilespmem:$0x14180] =	vst v63  }
0x10c: {  	_ =	swait.ge [sflag:s9], $0xA000  }
0x10d: {  	[sflag:s9] =	ssyncset.done $0x0  }
0x10e: {  	[sflag:s9] =	ssyncadd.s32 $0xFFFF6000  }
0x10f: {  	v3 =	vld [tilespmem:$0xA0];
	_ =	sdelay $0x4  }
0x110: {  	v52 =	vshll.u32 v3, $0x3  }
0x111: {  	v3 =	vand.u32 $0x7, v3;
	v4 =	vand.u32 $0xFFFFFFC0, v52  }
0x112: {  	v3 =	vor.u32 v3, v4  }
0x113: {  	v4 =	vperm.xlane v3, v0;
	_ =	sdelay $0x1  }
0x114: {  	v4 =	vadd.s32 v1, v4;
	_ =	sdelay $0x4  }
0x115: {  	[tilespmem:s24], [sflag:$0x1] =	stream.indirect_vreg.gather [hbm4b:s2+s3], $0x80, v4, vm0, $0xb8;
	[tilespmem:$0x14180] =	vst v63  }
0x116: {  	s30 =	simm.s32 $0x980;
	v3 =	vperm.xlane v3, v2  }
0x117: {  	[tilespmem:s30], [sflag:$0x1] =	stream.indirect_vreg.gather [hbm4b:s5+s3], $0x80, v4, vm0, $0xb8;
	[tilespmem:$0x14180] =	vst v63  }
0x118: {  	v3 =	vadd.s32 v1, v3  }
0x119: {  	[tilespmem:s0], [sflag:$0x1] =	stream.indirect_vreg.gather [hbm4b:s6+s3], $0x80, v4, vm0, $0xb8;
	[tilespmem:$0x14180] =	vst v63  }
0x11a: {  	_ = 	snop  }
0x11b: {  	[tilespmem:s1], [sflag:$0x1] =	stream.indirect_vreg.gather [hbm4b:s7+s3], $0x80, v4, vm0, $0xb8;
	[tilespmem:$0x14180] =	vst v63  }
0x11c: {  	_ = 	snop  }
0x11d: {  	[tilespmem:s4], [sflag:$0x1] =	stream.indirect_vreg.gather [hbm4b:s2+s3], $0x80, v3, vm0, $0xb8;
	[tilespmem:$0x14180] =	vst v63  }
0x11e: {  	_ = 	snop  }
0x11f: {  	[tilespmem:s10], [sflag:$0x1] =	stream.indirect_vreg.gather [hbm4b:s5+s3], $0x80, v3, vm0, $0xb8;
	[tilespmem:$0x14180] =	vst v63  }
0x120: {  	_ = 	snop  }
0x121: {  	[tilespmem:s11], [sflag:$0x1] =	stream.indirect_vreg.gather [hbm4b:s6+s3], $0x80, v3, vm0, $0xb8;
	[tilespmem:$0x14180] =	vst v63  }
0x122: {  	s22 =	simm.s32 $0x3980  }
0x123: {  	[tilespmem:s22], [sflag:$0x1] =	stream.indirect_vreg.gather [hbm4b:s7+s3], $0x80, v3, vm0, $0xb8;
	[tilespmem:$0x14180] =	vst v63  }
0x124: {  	v3 =	vld [tilespmem:$0xB0];
	_ =	sdelay $0x4  }
0x125: {  	v53 =	vshll.u32 v3, $0x3  }
0x126: {  	v3 =	vand.u32 $0x7, v3;
	v4 =	vand.u32 $0xFFFFFFC0, v53  }
0x127: {  	v3 =	vor.u32 v3, v4  }
0x128: {  	v4 =	vperm.xlane v3, v0;
	_ =	sdelay $0x1  }
0x129: {  	v4 =	vadd.s32 v1, v4;
	_ =	sdelay $0x3  }
0x12a: {  	s23 =	simm.s32 $0x4180  }
0x12b: {  	[tilespmem:s23], [sflag:$0x1] =	stream.indirect_vreg.gather [hbm4b:s2+s3], $0x80, v4, vm0, $0xb8;
	[tilespmem:$0x14180] =	vst v63  }
0x12c: {  	s25 =	simm.s32 $0x4980;
	v3 =	vperm.xlane v3, v2  }
0x12d: {  	[tilespmem:s25], [sflag:$0x1] =	stream.indirect_vreg.gather [hbm4b:s5+s3], $0x80, v4, vm0, $0xb8;
	[tilespmem:$0x14180] =	vst v63  }
0x12e: {  	v3 =	vadd.s32 v1, v3  }
0x12f: {  	[tilespmem:s12], [sflag:$0x1] =	stream.indirect_vreg.gather [hbm4b:s6+s3], $0x80, v4, vm0, $0xb8;
	[tilespmem:$0x14180] =	vst v63  }
0x130: {  	_ = 	snop  }
0x131: {  	[tilespmem:s13], [sflag:$0x1] =	stream.indirect_vreg.gather [hbm4b:s7+s3], $0x80, v4, vm0, $0xb8;
	[tilespmem:$0x14180] =	vst v63  }
0x132: {  	_ = 	snop  }
0x133: {  	[tilespmem:s14], [sflag:$0x1] =	stream.indirect_vreg.gather [hbm4b:s2+s3], $0x80, v3, vm0, $0xb8;
	[tilespmem:$0x14180] =	vst v63  }
0x134: {  	_ = 	snop  }
0x135: {  	[tilespmem:s15], [sflag:$0x1] =	stream.indirect_vreg.gather [hbm4b:s5+s3], $0x80, v3, vm0, $0xb8;
	[tilespmem:$0x14180] =	vst v63  }
0x136: {  	_ = 	snop  }
0x137: {  	[tilespmem:s16], [sflag:$0x1] =	stream.indirect_vreg.gather [hbm4b:s6+s3], $0x80, v3, vm0, $0xb8;
	[tilespmem:$0x14180] =	vst v63  }
0x138: {  	s26 =	simm.s32 $0x7980  }
0x139: {  	[tilespmem:s26], [sflag:$0x1] =	stream.indirect_vreg.gather [hbm4b:s7+s3], $0x80, v3, vm0, $0xb8;
	[tilespmem:$0x14180] =	vst v63  }
0x13a: {  	v3 =	vld.msk [tilespmem:$0xC0], $0xff;
	_ =	sdelay $0x4  }
0x13b: {  	v54 =	vshll.u32 v3, $0x3  }
0x13c: {  	v3 =	vand.u32 $0x7, v3;
	v4 =	vand.u32 $0xFFFFFFC0, v54  }
0x13d: {  	v3 =	vor.u32 v3, v4  }
0x13e: {  	v3 =	vperm.xlane v3, v0;
	_ =	sdelay $0x1  }
0x13f: {  	v3 =	vadd.s32 v1, v3;
	_ =	sdelay $0x4  }
0x140: {  	[tilespmem:s17], [sflag:$0x1] =	stream.indirect_vreg.gather [hbm4b:s2+s3], $0x80, v3, vm0, $0xb8;
	[tilespmem:$0x14180] =	vst v63  }
0x141: {  	_ = 	snop  }
0x142: {  	[tilespmem:s18], [sflag:$0x1] =	stream.indirect_vreg.gather [hbm4b:s5+s3], $0x80, v3, vm0, $0xb8;
	[tilespmem:$0x14180] =	vst v63  }
0x143: {  	_ = 	snop  }
0x144: {  	[tilespmem:s19], [sflag:$0x1] =	stream.indirect_vreg.gather [hbm4b:s6+s3], $0x80, v3, vm0, $0xb8;
	[tilespmem:$0x14180] =	vst v63  }
0x145: {  	s30 =	simm.s32 $0x9980  }
0x146: {  	[tilespmem:s30], [sflag:$0x1] =	stream.indirect_vreg.gather [hbm4b:s7+s3], $0x80, v3, vm0, $0xb8;
	[tilespmem:$0x14180] =	vst v63  }
0x147: {  	_ =	swait.ge [sflag:s29], $0xA000  }
0x148: {  	[sflag:s29] =	ssyncset.done $0x0  }
0x149: {  	s0 =	rddreg [dreg:$0x6];
	[sflag:s29] =	ssyncadd.s32 $0xFFFF6000  }
0x14a: {  	[hbm4b:s0+s3] =	stream.linear.scatter [tilespmem:s31], [sflag:$0x3], $0xA000, $0x38;
	[tilespmem:$0x14180] =	vst v63  }
0x14b: {  	_ =	swait.ge [sflag:s9], $0xA000  }
0x14c: {  	[sflag:s9] =	ssyncset.done $0x0  }
0x14d: {  	[sflag:s9] =	ssyncadd.s32 $0xFFFF6000  }
0x14e: {  	v3 =	vld [tilespmem:$0xC8];
	_ =	sdelay $0x4  }
0x14f: {  	v55 =	vshll.u32 v3, $0x3  }
0x150: {  	v3 =	vand.u32 $0x7, v3;
	v4 =	vand.u32 $0xFFFFFFC0, v55  }
0x151: {  	v3 =	vor.u32 v3, v4  }
0x152: {  	v4 =	vperm.xlane v3, v0;
	_ =	sdelay $0x1  }
0x153: {  	v4 =	vadd.s32 v1, v4;
	_ =	sdelay $0x4  }
0x154: {  	[tilespmem:s31], [sflag:$0x2] =	stream.indirect_vreg.gather [hbm4b:s2+s3], $0x80, v4, vm0, $0xb8;
	[tilespmem:$0x14180] =	vst v63  }
0x155: {  	s1 =	simm.s32 $0xA980;
	v3 =	vperm.xlane v3, v2  }
0x156: {  	[tilespmem:s1], [sflag:$0x2] =	stream.indirect_vreg.gather [hbm4b:s5+s3], $0x80, v4, vm0, $0xb8;
	[tilespmem:$0x14180] =	vst v63  }
0x157: {  	s20 =	simm.s32 $0xB180;
	v3 =	vadd.s32 v1, v3  }
0x158: {  	[tilespmem:s20], [sflag:$0x2] =	stream.indirect_vreg.gather [hbm4b:s6+s3], $0x80, v4, vm0, $0xb8;
	[tilespmem:$0x14180] =	vst v63  }
0x159: {  	s21 =	simm.s32 $0xB980  }
0x15a: {  	[tilespmem:s21], [sflag:$0x2] =	stream.indirect_vreg.gather [hbm4b:s7+s3], $0x80, v4, vm0, $0xb8;
	[tilespmem:$0x14180] =	vst v63  }
0x15b: {  	s4 =	simm.s32 $0xC180  }
0x15c: {  	[tilespmem:s4], [sflag:$0x2] =	stream.indirect_vreg.gather [hbm4b:s2+s3], $0x80, v3, vm0, $0xb8;
	[tilespmem:$0x14180] =	vst v63  }
0x15d: {  	s10 =	simm.s32 $0xC980  }
0x15e: {  	[tilespmem:s10], [sflag:$0x2] =	stream.indirect_vreg.gather [hbm4b:s5+s3], $0x80, v3, vm0, $0xb8;
	[tilespmem:$0x14180] =	vst v63  }
0x15f: {  	s11 =	simm.s32 $0xD180  }
0x160: {  	[tilespmem:s11], [sflag:$0x2] =	stream.indirect_vreg.gather [hbm4b:s6+s3], $0x80, v3, vm0, $0xb8;
	[tilespmem:$0x14180] =	vst v63  }
0x161: {  	s12 =	simm.s32 $0xD980  }
0x162: {  	[tilespmem:s12], [sflag:$0x2] =	stream.indirect_vreg.gather [hbm4b:s7+s3], $0x80, v3, vm0, $0xb8;
	[tilespmem:$0x14180] =	vst v63  }
0x163: {  	v3 =	vld [tilespmem:$0xD8];
	_ =	sdelay $0x4  }
0x164: {  	v56 =	vshll.u32 v3, $0x3  }
0x165: {  	v3 =	vand.u32 $0x7, v3;
	v4 =	vand.u32 $0xFFFFFFC0, v56  }
0x166: {  	v3 =	vor.u32 v3, v4  }
0x167: {  	v4 =	vperm.xlane v3, v0;
	_ =	sdelay $0x1  }
0x168: {  	v4 =	vadd.s32 v1, v4;
	_ =	sdelay $0x3  }
0x169: {  	s13 =	simm.s32 $0xE180  }
0x16a: {  	[tilespmem:s13], [sflag:$0x2] =	stream.indirect_vreg.gather [hbm4b:s2+s3], $0x80, v4, vm0, $0xb8;
	[tilespmem:$0x14180] =	vst v63  }
0x16b: {  	s14 =	simm.s32 $0xE980;
	v3 =	vperm.xlane v3, v2  }
0x16c: {  	[tilespmem:s14], [sflag:$0x2] =	stream.indirect_vreg.gather [hbm4b:s5+s3], $0x80, v4, vm0, $0xb8;
	[tilespmem:$0x14180] =	vst v63  }
0x16d: {  	s15 =	simm.s32 $0xF180;
	v3 =	vadd.s32 v1, v3  }
0x16e: {  	[tilespmem:s15], [sflag:$0x2] =	stream.indirect_vreg.gather [hbm4b:s6+s3], $0x80, v4, vm0, $0xb8;
	[tilespmem:$0x14180] =	vst v63  }
0x16f: {  	s0 =	simm.s32 $0xF980  }
0x170: {  	[tilespmem:s0], [sflag:$0x2] =	stream.indirect_vreg.gather [hbm4b:s7+s3], $0x80, v4, vm0, $0xb8;
	[tilespmem:$0x14180] =	vst v63  }
0x171: {  	s1 =	simm.s32 $0x10180  }
0x172: {  	[tilespmem:s1], [sflag:$0x2] =	stream.indirect_vreg.gather [hbm4b:s2+s3], $0x80, v3, vm0, $0xb8;
	[tilespmem:$0x14180] =	vst v63  }
0x173: {  	s4 =	simm.s32 $0x10980  }
0x174: {  	[tilespmem:s4], [sflag:$0x2] =	stream.indirect_vreg.gather [hbm4b:s5+s3], $0x80, v3, vm0, $0xb8;
	[tilespmem:$0x14180] =	vst v63  }
0x175: {  	s10 =	simm.s32 $0x11180  }
0x176: {  	[tilespmem:s10], [sflag:$0x2] =	stream.indirect_vreg.gather [hbm4b:s6+s3], $0x80, v3, vm0, $0xb8;
	[tilespmem:$0x14180] =	vst v63  }
0x177: {  	s14 =	simm.s32 $0x11980  }
0x178: {  	[tilespmem:s14], [sflag:$0x2] =	stream.indirect_vreg.gather [hbm4b:s7+s3], $0x80, v3, vm0, $0xb8;
	[tilespmem:$0x14180] =	vst v63  }
0x179: {  	v3 =	vld.msk [tilespmem:$0xE8], $0xff;
	_ =	sdelay $0x4  }
0x17a: {  	v57 =	vshll.u32 v3, $0x3  }
0x17b: {  	v3 =	vand.u32 $0x7, v3;
	v4 =	vand.u32 $0xFFFFFFC0, v57  }
0x17c: {  	v3 =	vor.u32 v3, v4  }
0x17d: {  	v3 =	vperm.xlane v3, v0;
	_ =	sdelay $0x1  }
0x17e: {  	v3 =	vadd.s32 v1, v3;
	_ =	sdelay $0x3  }
0x17f: {  	s11 =	simm.s32 $0x12180  }
0x180: {  	[tilespmem:s11], [sflag:$0x2] =	stream.indirect_vreg.gather [hbm4b:s2+s3], $0x80, v3, vm0, $0xb8;
	[tilespmem:$0x14180] =	vst v63  }
0x181: {  	s12 =	simm.s32 $0x12980  }
0x182: {  	[tilespmem:s12], [sflag:$0x2] =	stream.indirect_vreg.gather [hbm4b:s5+s3], $0x80, v3, vm0, $0xb8;
	[tilespmem:$0x14180] =	vst v63  }
0x183: {  	s13 =	simm.s32 $0x13180  }
0x184: {  	[tilespmem:s13], [sflag:$0x2] =	stream.indirect_vreg.gather [hbm4b:s6+s3], $0x80, v3, vm0, $0xb8;
	[tilespmem:$0x14180] =	vst v63  }
0x185: {  	s15 =	simm.s32 $0x13980  }
0x186: {  	[tilespmem:s15], [sflag:$0x2] =	stream.indirect_vreg.gather [hbm4b:s7+s3], $0x80, v3, vm0, $0xb8;
	[tilespmem:$0x14180] =	vst v63  }
0x187: {  	_ =	swait.ge [sflag:s28], $0xA000  }
0x188: {  	[sflag:s28] =	ssyncset.done $0x0  }
0x189: {  	s30 =	rddreg [dreg:$0x7];
	[sflag:s28] =	ssyncadd.s32 $0xFFFF6000  }
0x18a: {  	[hbm4b:s30+s3] =	stream.linear.scatter [tilespmem:s24], [sflag:$0x3], $0xA000, $0x38;
	[tilespmem:$0x14180] =	vst v63  }
0x18b: {  	_ =	swait.ge [sflag:s9], $0xA000  }
0x18c: {  	[sflag:s9] =	ssyncset.done $0x0  }
0x18d: {  	[sflag:s9] =	ssyncadd.s32 $0xFFFF6000  }
0x18e: {  	v3 =	vld [tilespmem:$0xF0];
	_ =	sdelay $0x4  }
0x18f: {  	v58 =	vshll.u32 v3, $0x3  }
0x190: {  	v3 =	vand.u32 $0x7, v3;
	v4 =	vand.u32 $0xFFFFFFC0, v58  }
0x191: {  	v3 =	vor.u32 v3, v4  }
0x192: {  	v4 =	vperm.xlane v3, v0;
	_ =	sdelay $0x1  }
0x193: {  	v4 =	vadd.s32 v1, v4;
	_ =	sdelay $0x4  }
0x194: {  	[tilespmem:s24], [sflag:$0x1] =	stream.indirect_vreg.gather [hbm4b:s2+s3], $0x80, v4, vm0, $0xb8;
	[tilespmem:$0x14180] =	vst v63  }
0x195: {  	s30 =	simm.s32 $0x980;
	v3 =	vperm.xlane v3, v2  }
0x196: {  	[tilespmem:s30], [sflag:$0x1] =	stream.indirect_vreg.gather [hbm4b:s5+s3], $0x80, v4, vm0, $0xb8;
	[tilespmem:$0x14180] =	vst v63  }
0x197: {  	v3 =	vadd.s32 v1, v3;
	s30 =	simm.s32 $0x1180  }
0x198: {  	[tilespmem:s30], [sflag:$0x1] =	stream.indirect_vreg.gather [hbm4b:s6+s3], $0x80, v4, vm0, $0xb8;
	[tilespmem:$0x14180] =	vst v63  }
0x199: {  	s30 =	simm.s32 $0x1980  }
0x19a: {  	[tilespmem:s30], [sflag:$0x1] =	stream.indirect_vreg.gather [hbm4b:s7+s3], $0x80, v4, vm0, $0xb8;
	[tilespmem:$0x14180] =	vst v63  }
0x19b: {  	s30 =	simm.s32 $0x2180  }
0x19c: {  	[tilespmem:s30], [sflag:$0x1] =	stream.indirect_vreg.gather [hbm4b:s2+s3], $0x80, v3, vm0, $0xb8;
	[tilespmem:$0x14180] =	vst v63  }
0x19d: {  	s30 =	simm.s32 $0x2980  }
0x19e: {  	[tilespmem:s30], [sflag:$0x1] =	stream.indirect_vreg.gather [hbm4b:s5+s3], $0x80, v3, vm0, $0xb8;
	[tilespmem:$0x14180] =	vst v63  }
0x19f: {  	s30 =	simm.s32 $0x3180  }
0x1a0: {  	[tilespmem:s30], [sflag:$0x1] =	stream.indirect_vreg.gather [hbm4b:s6+s3], $0x80, v3, vm0, $0xb8;
	[tilespmem:$0x14180] =	vst v63  }
0x1a1: {  	s30 =	simm.s32 $0x3980  }
0x1a2: {  	[tilespmem:s30], [sflag:$0x1] =	stream.indirect_vreg.gather [hbm4b:s7+s3], $0x80, v3, vm0, $0xb8;
	[tilespmem:$0x14180] =	vst v63  }
0x1a3: {  	v3 =	vld [tilespmem:$0x100];
	_ =	sdelay $0x4  }
0x1a4: {  	v59 =	vshll.u32 v3, $0x3  }
0x1a5: {  	v3 =	vand.u32 $0x7, v3;
	v4 =	vand.u32 $0xFFFFFFC0, v59  }
0x1a6: {  	v3 =	vor.u32 v3, v4  }
0x1a7: {  	v4 =	vperm.xlane v3, v0;
	_ =	sdelay $0x1  }
0x1a8: {  	v4 =	vadd.s32 v1, v4;
	_ =	sdelay $0x3  }
0x1a9: {  	s30 =	simm.s32 $0x4180  }
0x1aa: {  	[tilespmem:s30], [sflag:$0x1] =	stream.indirect_vreg.gather [hbm4b:s2+s3], $0x80, v4, vm0, $0xb8;
	[tilespmem:$0x14180] =	vst v63  }
0x1ab: {  	v3 =	vperm.xlane v3, v2;
	s30 =	simm.s32 $0x4980  }
0x1ac: {  	[tilespmem:s30], [sflag:$0x1] =	stream.indirect_vreg.gather [hbm4b:s5+s3], $0x80, v4, vm0, $0xb8;
	[tilespmem:$0x14180] =	vst v63  }
0x1ad: {  	v3 =	vadd.s32 v1, v3;
	s30 =	simm.s32 $0x5180  }
0x1ae: {  	[tilespmem:s30], [sflag:$0x1] =	stream.indirect_vreg.gather [hbm4b:s6+s3], $0x80, v4, vm0, $0xb8;
	[tilespmem:$0x14180] =	vst v63  }
0x1af: {  	s30 =	simm.s32 $0x5980  }
0x1b0: {  	[tilespmem:s30], [sflag:$0x1] =	stream.indirect_vreg.gather [hbm4b:s7+s3], $0x80, v4, vm0, $0xb8;
	[tilespmem:$0x14180] =	vst v63  }
0x1b1: {  	s30 =	simm.s32 $0x6180  }
0x1b2: {  	[tilespmem:s30], [sflag:$0x1] =	stream.indirect_vreg.gather [hbm4b:s2+s3], $0x80, v3, vm0, $0xb8;
	[tilespmem:$0x14180] =	vst v63  }
0x1b3: {  	s30 =	simm.s32 $0x6980  }
0x1b4: {  	[tilespmem:s30], [sflag:$0x1] =	stream.indirect_vreg.gather [hbm4b:s5+s3], $0x80, v3, vm0, $0xb8;
	[tilespmem:$0x14180] =	vst v63  }
0x1b5: {  	s16 =	simm.s32 $0x7180  }
0x1b6: {  	[tilespmem:s16], [sflag:$0x1] =	stream.indirect_vreg.gather [hbm4b:s6+s3], $0x80, v3, vm0, $0xb8;
	[tilespmem:$0x14180] =	vst v63  }
0x1b7: {  	s30 =	simm.s32 $0x7980  }
0x1b8: {  	[tilespmem:s30], [sflag:$0x1] =	stream.indirect_vreg.gather [hbm4b:s7+s3], $0x80, v3, vm0, $0xb8;
	[tilespmem:$0x14180] =	vst v63  }
0x1b9: {  	v3 =	vld.msk [tilespmem:$0x110], $0xff;
	_ =	sdelay $0x4  }
0x1ba: {  	v60 =	vshll.u32 v3, $0x3  }
0x1bb: {  	v3 =	vand.u32 $0x7, v3;
	v4 =	vand.u32 $0xFFFFFFC0, v60  }
0x1bc: {  	v3 =	vor.u32 v3, v4  }
0x1bd: {  	v3 =	vperm.xlane v3, v0;
	_ =	sdelay $0x1  }
0x1be: {  	v3 =	vadd.s32 v1, v3;
	_ =	sdelay $0x3  }
0x1bf: {  	s17 =	simm.s32 $0x8180  }
0x1c0: {  	[tilespmem:s17], [sflag:$0x1] =	stream.indirect_vreg.gather [hbm4b:s2+s3], $0x80, v3, vm0, $0xb8;
	[tilespmem:$0x14180] =	vst v63  }
0x1c1: {  	s18 =	simm.s32 $0x8980  }
0x1c2: {  	[tilespmem:s18], [sflag:$0x1] =	stream.indirect_vreg.gather [hbm4b:s5+s3], $0x80, v3, vm0, $0xb8;
	[tilespmem:$0x14180] =	vst v63  }
0x1c3: {  	s19 =	simm.s32 $0x9180  }
0x1c4: {  	[tilespmem:s19], [sflag:$0x1] =	stream.indirect_vreg.gather [hbm4b:s6+s3], $0x80, v3, vm0, $0xb8;
	[tilespmem:$0x14180] =	vst v63  }
0x1c5: {  	s17 =	simm.s32 $0x9980  }
0x1c6: {  	[tilespmem:s17], [sflag:$0x1] =	stream.indirect_vreg.gather [hbm4b:s7+s3], $0x80, v3, vm0, $0xb8;
	[tilespmem:$0x14180] =	vst v63  }
0x1c7: {  	_ =	swait.ge [sflag:s29], $0xA000  }
0x1c8: {  	[sflag:s29] =	ssyncset.done $0x0  }
0x1c9: {  	s18 =	rddreg [dreg:$0x8];
	[sflag:s29] =	ssyncadd.s32 $0xFFFF6000  }
0x1ca: {  	[hbm4b:s18+s3] =	stream.linear.scatter [tilespmem:s31], [sflag:$0x3], $0xA000, $0x38;
	[tilespmem:$0x14180] =	vst v63  }
0x1cb: {  	_ =	swait.ge [sflag:s9], $0xA000  }
0x1cc: {  	[sflag:s9] =	ssyncset.done $0x0  }
0x1cd: {  	[sflag:s9] =	ssyncadd.s32 $0xFFFF6000  }
0x1ce: {  	v3 =	vld [tilespmem:$0x118];
	_ =	sdelay $0x4  }
0x1cf: {  	v61 =	vshll.u32 v3, $0x3  }
0x1d0: {  	v3 =	vand.u32 $0x7, v3;
	v4 =	vand.u32 $0xFFFFFFC0, v61  }
0x1d1: {  	v3 =	vor.u32 v3, v4  }
0x1d2: {  	v4 =	vperm.xlane v3, v0;
	_ =	sdelay $0x1  }
0x1d3: {  	v4 =	vadd.s32 v1, v4;
	_ =	sdelay $0x4  }
0x1d4: {  	[tilespmem:s31], [sflag:$0x2] =	stream.indirect_vreg.gather [hbm4b:s2+s3], $0x80, v4, vm0, $0xb8;
	[tilespmem:$0x14180] =	vst v63  }
0x1d5: {  	s19 =	simm.s32 $0xA980;
	v3 =	vperm.xlane v3, v2  }
0x1d6: {  	[tilespmem:s19], [sflag:$0x2] =	stream.indirect_vreg.gather [hbm4b:s5+s3], $0x80, v4, vm0, $0xb8;
	[tilespmem:$0x14180] =	vst v63  }
0x1d7: {  	s20 =	simm.s32 $0xB180;
	v3 =	vadd.s32 v1, v3  }
0x1d8: {  	[tilespmem:s20], [sflag:$0x2] =	stream.indirect_vreg.gather [hbm4b:s6+s3], $0x80, v4, vm0, $0xb8;
	[tilespmem:$0x14180] =	vst v63  }
0x1d9: {  	s21 =	simm.s32 $0xB980  }
0x1da: {  	[tilespmem:s21], [sflag:$0x2] =	stream.indirect_vreg.gather [hbm4b:s7+s3], $0x80, v4, vm0, $0xb8;
	[tilespmem:$0x14180] =	vst v63  }
0x1db: {  	s22 =	simm.s32 $0xC180  }
0x1dc: {  	[tilespmem:s22], [sflag:$0x2] =	stream.indirect_vreg.gather [hbm4b:s2+s3], $0x80, v3, vm0, $0xb8;
	[tilespmem:$0x14180] =	vst v63  }
0x1dd: {  	s23 =	simm.s32 $0xC980  }
0x1de: {  	[tilespmem:s23], [sflag:$0x2] =	stream.indirect_vreg.gather [hbm4b:s5+s3], $0x80, v3, vm0, $0xb8;
	[tilespmem:$0x14180] =	vst v63  }
0x1df: {  	s25 =	simm.s32 $0xD180  }
0x1e0: {  	[tilespmem:s25], [sflag:$0x2] =	stream.indirect_vreg.gather [hbm4b:s6+s3], $0x80, v3, vm0, $0xb8;
	[tilespmem:$0x14180] =	vst v63  }
0x1e1: {  	s21 =	simm.s32 $0xD980  }
0x1e2: {  	[tilespmem:s21], [sflag:$0x2] =	stream.indirect_vreg.gather [hbm4b:s7+s3], $0x80, v3, vm0, $0xb8;
	[tilespmem:$0x14180] =	vst v63  }
0x1e3: {  	v3 =	vld [tilespmem:$0x128];
	_ =	sdelay $0x4  }
0x1e4: {  	v62 =	vshll.u32 v3, $0x3  }
0x1e5: {  	v3 =	vand.u32 $0x7, v3;
	v4 =	vand.u32 $0xFFFFFFC0, v62  }
0x1e6: {  	v3 =	vor.u32 v3, v4  }
0x1e7: {  	v4 =	vperm.xlane v3, v0;
	_ =	sdelay $0x1  }
0x1e8: {  	v4 =	vadd.s32 v1, v4;
	_ =	sdelay $0x3  }
0x1e9: {  	s22 =	simm.s32 $0xE180  }
0x1ea: {  	[tilespmem:s22], [sflag:$0x2] =	stream.indirect_vreg.gather [hbm4b:s2+s3], $0x80, v4, vm0, $0xb8;
	[tilespmem:$0x14180] =	vst v63  }
0x1eb: {  	s23 =	simm.s32 $0xE980;
	v3 =	vperm.xlane v3, v2  }
0x1ec: {  	[tilespmem:s23], [sflag:$0x2] =	stream.indirect_vreg.gather [hbm4b:s5+s3], $0x80, v4, vm0, $0xb8;
	[tilespmem:$0x14180] =	vst v63  }
0x1ed: {  	s26 =	simm.s32 $0xF180;
	v3 =	vadd.s32 v1, v3  }
0x1ee: {  	[tilespmem:s26], [sflag:$0x2] =	stream.indirect_vreg.gather [hbm4b:s6+s3], $0x80, v4, vm0, $0xb8;
	[tilespmem:$0x14180] =	vst v63  }
0x1ef: {  	_ = 	snop  }
0x1f0: {  	[tilespmem:s0], [sflag:$0x2] =	stream.indirect_vreg.gather [hbm4b:s7+s3], $0x80, v4, vm0, $0xb8;
	[tilespmem:$0x14180] =	vst v63  }
0x1f1: {  	_ = 	snop  }
0x1f2: {  	[tilespmem:s1], [sflag:$0x2] =	stream.indirect_vreg.gather [hbm4b:s2+s3], $0x80, v3, vm0, $0xb8;
	[tilespmem:$0x14180] =	vst v63  }
0x1f3: {  	_ = 	snop  }
0x1f4: {  	[tilespmem:s4], [sflag:$0x2] =	stream.indirect_vreg.gather [hbm4b:s5+s3], $0x80, v3, vm0, $0xb8;
	[tilespmem:$0x14180] =	vst v63  }
0x1f5: {  	_ = 	snop  }
0x1f6: {  	[tilespmem:s10], [sflag:$0x2] =	stream.indirect_vreg.gather [hbm4b:s6+s3], $0x80, v3, vm0, $0xb8;
	[tilespmem:$0x14180] =	vst v63  }
0x1f7: {  	_ = 	snop  }
0x1f8: {  	[tilespmem:s14], [sflag:$0x2] =	stream.indirect_vreg.gather [hbm4b:s7+s3], $0x80, v3, vm0, $0xb8;
	[tilespmem:$0x14180] =	vst v63  }
0x1f9: {  	v3 =	vld.msk [tilespmem:$0x138], $0xff;
	_ =	sdelay $0x4  }
0x1fa: {  	v63 =	vshll.u32 v3, $0x3  }
0x1fb: {  	v3 =	vand.u32 $0x7, v3;
	v4 =	vand.u32 $0xFFFFFFC0, v63  }
0x1fc: {  	v3 =	vor.u32 v3, v4  }
0x1fd: {  	v3 =	vperm.xlane v3, v0;
	_ =	sdelay $0x1  }
0x1fe: {  	v3 =	vadd.s32 v1, v3;
	_ =	sdelay $0x4  }
0x1ff: {  	[tilespmem:s11], [sflag:$0x2] =	stream.indirect_vreg.gather [hbm4b:s2+s3], $0x80, v3, vm0, $0xb8;
	[tilespmem:$0x14180] =	vst v63  }
0x200: {  	_ = 	snop  }
0x201: {  	[tilespmem:s12], [sflag:$0x2] =	stream.indirect_vreg.gather [hbm4b:s5+s3], $0x80, v3, vm0, $0xb8;
	[tilespmem:$0x14180] =	vst v63  }
0x202: {  	_ = 	snop  }
0x203: {  	[tilespmem:s13], [sflag:$0x2] =	stream.indirect_vreg.gather [hbm4b:s6+s3], $0x80, v3, vm0, $0xb8;
	[tilespmem:$0x14180] =	vst v63  }
0x204: {  	_ = 	snop  }
0x205: {  	[tilespmem:s15], [sflag:$0x2] =	stream.indirect_vreg.gather [hbm4b:s7+s3], $0x80, v3, vm0, $0xb8;
	[tilespmem:$0x14180] =	vst v63  }
0x206: {  	_ =	swait.ge [sflag:s28], $0xA000  }
0x207: {  	[sflag:s28] =	ssyncset.done $0x0  }
0x208: {  	s25 =	rddreg [dreg:$0x9];
	[sflag:s28] =	ssyncadd.s32 $0xFFFF6000  }
0x209: {  	[hbm4b:s25+s3] =	stream.linear.scatter [tilespmem:s24], [sflag:$0x3], $0xA000, $0x38;
	[tilespmem:$0x14180] =	vst v63  }
0x20a: {  	_ =	swait.ge [sflag:s9], $0xA000  }
0x20b: {  	[sflag:s9] =	ssyncset.done $0x0  }
0x20c: {  	[sflag:s9] =	ssyncadd.s32 $0xFFFF6000  }
0x20d: {  	_ =	swait.ge [sflag:s29], $0xA000  }
0x20e: {  	p0 =	sne.s32 s8, $0x1;
	[sflag:s29] =	ssyncset.done $0x0  }
.Ltmp0:
0x20f: {  	s26 =	rddreg [dreg:$0xa];
	[sflag:s29] =	ssyncadd.s32 $0xFFFF6000;
	(pc) =	sbr.rel @p0 .LBB2_1-.Ltmp0, $4  }
0x210: {  	[hbm4b:s26+s3] =	stream.linear.scatter [tilespmem:s31], [sflag:$0x3], $0xA000, $0x38;
	[tilespmem:$0x14180] =	vst v63  }
0x211: {  	_ =	swait.ge [sflag:s9], $0xA000  }
0x212: {  	[sflag:s9] =	ssyncset.done $0x0  }
0x213: {  	s8 =	sadd.s32 $0xFFFFFFFF, s8;
	[sflag:s9] =	ssyncadd.s32 $0xFFFF6000  }
0x214: {  	_ =	sfence.sel $0x180000  }
0x215: {  	[bflag:$0x0] =	sbarrier.arrive $0xFFFF  }
0x216: {  	_ =	strace $0x9000004D  }
0x217: {  	s0 =	stileid.u32;
	[bflag:$0x2] =	sbarrier.arrive $0xFFFF  }
0x218: {  	p0 =	sne.s32 s0, $0x0;
	s0 =	rddreg [dreg:$0x2]  }
0x219: {  	s0 =	sadd.s32 @!p0 $0x100000, s0  }
0x21a: {  	[sflag:s0] =	ssyncadd.tile.s32 @!p0 $0x1;
	_ =	shalt  }
.Lfunc_end2:
_tile_overlayer_lowered:
.L_overlay_start_2:
0x21b: {  	(tag) =	ssettag $0x2  }
0x21c: {  	s0 =	rddreg [dreg:$0x0];
	s2 =	stileid.u32  }
0x21d: {  	s1 =	rddreg [dreg:$0x1];
	p0 =	sne.s32 s2, $0x0  }
0x21e: {  	s3 =	rddreg [dreg:$0x2];
	[bflag:$0x3] =	sbarrier.arrive $0xFFFF;
	s2 =	simm.s32 @!p0 $0x1C03  }
0x21f: {  	[timem:s3], [sflag:s2] =	dma.local @!p0 [hbm:s0], s1  }
0x220: {  	s0 =	simm.s32 @!p0 $0x3  }
0x221: {  	_ =	swait.ge @!p0 [sflag:s0], s1  }
0x222: {  	s1 =	ssub.s32 @!p0 $0x0, s1;
	[sflag:s0] =	ssyncset.done @!p0 $0x0  }
0x223: {  	[sflag:s0] =	ssyncadd.s32 @!p0 s1  }
0x224: {  	[bflag:$0x3] =	sbarrier.arrive $0xFFFF  }
0x225: {  	_ =	shalt  }

</sc_bundles>
